<compile_context>
chip_gen: v7x
topology: tpu7x:2x2x1
jax: 0.10.2.dev20260603
libtpu: 0.0.44.dev20260713+nightly
codegen_flags: <defaults>
</compile_context>

<pallas_src>
import functools

import jax
import jax.numpy as jnp
from jax import lax
from jax.experimental import pallas as pl
from jax.experimental.pallas import tpu as pltpu
from jax.experimental.pallas import tpu_sc as plsc

NUM_CLASSES = 100000
NUM_INTERNAL = NUM_CLASSES - 1
DEPTH = 17
FEAT = 128
LANES = 16
CHUNK = 16
NGATH = 9
NHOT = 256
NFC = FEAT // LANES


def _sc_partials(features, tgt, wdiff, batch):
    info = plsc.get_sparse_core_info()
    nc, ns = info.num_cores, info.num_subcores
    nw = nc * ns
    spw = batch // nw
    nchunk = spw // CHUNK
    na = 8 * CHUNK
    nb = (NGATH - 8) * CHUNK

    mesh = plsc.VectorSubcoreMesh(core_axis_name="c", subcore_axis_name="s")

    @functools.partial(
        pl.kernel,
        mesh=mesh,
        out_type=jax.ShapeDtypeStruct((batch, DEPTH * LANES), jnp.float32),
        scratch_types=[
            pltpu.VMEM((spw,), jnp.int32),
            pltpu.VMEM((2, na), jnp.int32),
            pltpu.VMEM((2, nb), jnp.int32),
            pltpu.VMEM((na, FEAT), jnp.float32),
            pltpu.VMEM((nb, FEAT), jnp.float32),
            pltpu.VMEM((NHOT, FEAT), jnp.float32),
            pltpu.VMEM((CHUNK, FEAT), jnp.float32),
            pltpu.VMEM((CHUNK, DEPTH * LANES), jnp.float32),
            pltpu.SemaphoreType.DMA,
            pltpu.SemaphoreType.DMA,
        ],
    )
    def sc_fn(feat_hbm, tgt_hbm, table_hbm, out_hbm,
              tgt_v, idx_a, idx_b, rows_a, rows_b, hot_v, fd_v, out_v,
              sem_a, sem_b):
        wid = lax.axis_index("s") * nc + lax.axis_index("c")
        base = wid * spw
        pltpu.sync_copy(tgt_hbm.at[pl.ds(base, spw)], tgt_v)
        pltpu.sync_copy(table_hbm.at[pl.ds(0, NHOT)], hot_v)

        def store_idx(c, p):
            q = tgt_v[pl.ds(c * CHUNK, CHUNK)] + NUM_CLASSES
            for d in range(NGATH):
                node = jnp.maximum((q >> (d + 1)) - 1, 0)
                if d < 8:
                    idx_a[p, pl.ds(d * CHUNK, CHUNK)] = node
                else:
                    idx_b[p, pl.ds((d - 8) * CHUNK, CHUNK)] = node

        def fire_a(p):
            return pltpu.async_copy(table_hbm.at[idx_a.at[p]], rows_a, sem_a)

        def fire_b(p):
            return pltpu.async_copy(table_hbm.at[idx_b.at[p]], rows_b, sem_b)

        def tree_sum(parts):
            while len(parts) > 1:
                parts = [parts[i] + parts[i + 1]
                         for i in range(0, len(parts) - 1, 2)] + (
                    [parts[-1]] if len(parts) % 2 else [])
            return parts[0]

        def node_terms(rows, r, fd):
            return tree_sum([rows[r, pl.ds(LANES * j, LANES)] * fd[j]
                             for j in range(NFC)])

        store_idx(0, 0)
        fire_a(0)
        fire_b(0)

        def chunk_body(c, carry):
            p = c & 1
            pltpu.sync_copy(feat_hbm.at[pl.ds(base + c * CHUNK, CHUNK)], fd_v)

            def s_body_a(s, carry2):
                fd = [fd_v[s, pl.ds(j * LANES, LANES)] for j in range(NFC)]
                for d in range(8):
                    out_v[s, pl.ds(d * LANES, LANES)] = node_terms(
                        rows_a, d * CHUNK + s, fd)
                return carry2

            rot = jnp.arange(1, LANES + 1, dtype=jnp.int32) % LANES

            def s_body_b(s, tvec):
                fd = [fd_v[s, pl.ds(j * LANES, LANES)] for j in range(NFC)]
                for d in range(8, NGATH):
                    out_v[s, pl.ds(d * LANES, LANES)] = node_terms(
                        rows_b, (d - 8) * CHUNK + s, fd)
                qs = tvec[0] + NUM_CLASSES
                for d in range(NGATH, DEPTH):
                    node = jnp.maximum((qs >> (d + 1)) - 1, 0)
                    out_v[s, pl.ds(d * LANES, LANES)] = node_terms(
                        hot_v, node, fd)
                return tvec.at[rot].get(mode="promise_in_bounds")

            pltpu.make_async_copy(table_hbm.at[idx_a.at[p]], rows_a, sem_a).wait()
            lax.fori_loop(0, CHUNK, s_body_a, 0)

            @pl.when(c + 1 < nchunk)
            def _():
                store_idx(c + 1, 1 - p)
                fire_a(1 - p)

            pltpu.make_async_copy(table_hbm.at[idx_b.at[p]], rows_b, sem_b).wait()
            lax.fori_loop(0, CHUNK, s_body_b,
                          tgt_v[pl.ds(c * CHUNK, CHUNK)])

            @pl.when(c + 1 < nchunk)
            def _():
                fire_b(1 - p)

            pltpu.sync_copy(out_v, out_hbm.at[pl.ds(base + c * CHUNK, CHUNK)])
            return carry

        lax.fori_loop(0, nchunk, chunk_body, 0)

    return sc_fn(features, tgt, wdiff)


def _selection_matrix():
    l = jnp.arange(DEPTH * LANES)
    return (l[:, None] // LANES == jnp.arange(DEPTH)[None, :]).astype(jnp.float32)


def _tc_finish(part, tgt2d, smat, batch):
    blk = 2048
    grid = (batch // blk,)

    def body(part_ref, tgt_ref, s_ref, out_ref):
        x = part_ref[...]
        z = jnp.dot(x, s_ref[...], preferred_element_type=jnp.float32)
        curr = tgt_ref[...] + NUM_INTERNAL
        sgs, ms = [], []
        for _ in range(DEPTH):
            valid = curr > 0
            cm1 = curr - 1
            sg = (1 - 2 * (cm1 & 1)).astype(jnp.float32)
            sgs.append(sg)
            ms.append(valid.astype(jnp.float32))
            curr = jnp.where(valid, cm1 >> 1, 0)
        sig = jnp.concatenate(sgs, axis=1)
        mk = jnp.concatenate(ms, axis=1)
        v = sig * z
        sp = jnp.maximum(v, 0.0) + jnp.log1p(jnp.exp(-jnp.abs(v)))
        out_ref[...] = jnp.sum(sp * mk, axis=1)

    return pl.pallas_call(
        body,
        grid=grid,
        in_specs=[
            pl.BlockSpec((blk, DEPTH * LANES), lambda i: (i, 0)),
            pl.BlockSpec((blk, 1), lambda i: (i, 0)),
            pl.BlockSpec((DEPTH * LANES, DEPTH), lambda i: (0, 0)),
        ],
        out_specs=pl.BlockSpec((blk,), lambda i: (i,)),
        out_shape=jax.ShapeDtypeStruct((batch,), jnp.float32),
    )(part, tgt2d, smat)


def kernel(features, targets, node_weights, path_nodes_map, path_directions_map):
    del path_nodes_map, path_directions_map
    batch, feat = features.shape
    tgt = targets.astype(jnp.int32)
    wdiff = jnp.tensordot(node_weights, jnp.asarray([-1.0, 1.0], jnp.float32),
                          axes=([2], [0]))
    part = _sc_partials(features, tgt.reshape(batch), wdiff, batch)
    return _tc_finish(part, tgt, _selection_matrix(), batch)

# --- scband reference (transcript-rebuilt; emitter-appended) ---
"""Pipeline reference for scband-differentiable-softmax-tree-71966472012140 (READ-ONLY COPY).

The authoritative reference and input builder live on the scoring server;
editing this copy changes nothing except your own understanding.
"""

import jax, jax.numpy as jnp
import numpy as np

NUM_CLASSES = 100000
FEATURE_DIM = 128
BATCH = 4096


def _build_path_maps(num_classes):
    depth = int(np.ceil(np.log2(num_classes)))
    num_internal = num_classes - 1
    curr = num_internal + np.arange(num_classes, dtype=np.int64)
    nodes_up = np.full((num_classes, depth), -1, dtype=np.int32)
    dirs_up = np.full((num_classes, depth), -1, dtype=np.int32)
    for d in range(depth):
        active = curr > 0
        parent = (curr - 1) // 2
        direction = (curr - 1) % 2
        nodes_up[active, d] = parent[active].astype(np.int32)
        dirs_up[active, d] = direction[active].astype(np.int32)
        curr = np.where(active, parent, 0)
    # reverse each valid prefix so paths are root-first with -1 padding at end,
    # matching the original layer's precomputed maps
    lengths = (nodes_up != -1).sum(axis=1)
    j = np.arange(depth)[None, :]
    src = lengths[:, None] - 1 - j
    valid = src >= 0
    src_safe = np.clip(src, 0, depth - 1)
    nodes = np.where(valid, np.take_along_axis(nodes_up, src_safe, axis=1), -1).astype(np.int32)
    dirs = np.where(valid, np.take_along_axis(dirs_up, src_safe, axis=1), -1).astype(np.int32)
    return nodes, dirs


def setup_inputs(seed: int = 0):
    key = jax.random.key(seed)
    k1, k2, k3 = jax.random.split(key, 3)
    features = jax.random.normal(k1, (BATCH, FEATURE_DIM), dtype=jnp.float32)
    targets = jax.random.randint(k2, (BATCH, 1), 0, NUM_CLASSES, dtype=jnp.int32)
    num_internal = NUM_CLASSES - 1
    limit = np.sqrt(6.0 / (FEATURE_DIM + 2))
    node_weights = jax.random.uniform(
        k3, (num_internal, FEATURE_DIM, 2), minval=-limit, maxval=limit, dtype=jnp.float32
    )
    nodes, dirs = _build_path_maps(NUM_CLASSES)
    return {
        "features": features,
        "targets": targets,
        "node_weights": node_weights,
        "path_nodes_map": jnp.asarray(nodes),
        "path_directions_map": jnp.asarray(dirs),
    }


def reference(features, targets, node_weights, path_nodes_map, path_directions_map):
    targets_flat = jnp.squeeze(targets.astype(jnp.int32), axis=-1)
    batch_path_nodes = jnp.take(path_nodes_map, targets_flat, axis=0)
    batch_path_dirs = jnp.take(path_directions_map, targets_flat, axis=0)
    mask = (batch_path_nodes != -1).astype(features.dtype)
    safe_path_nodes = jnp.where(batch_path_nodes == -1, 0, batch_path_nodes)
    path_weights = jnp.take(node_weights, safe_path_nodes, axis=0)  # [B, D, F, 2]
    features_expanded = features[:, None, :, None]  # [B, 1, F, 1]
    node_logits = jnp.sum(features_expanded * path_weights, axis=2)  # [B, D, 2]
    node_log_probs = jax.nn.log_softmax(node_logits, axis=-1)
    safe_path_dirs = jnp.where(batch_path_dirs == -1, 0, batch_path_dirs)
    decisions_one_hot = jax.nn.one_hot(safe_path_dirs, 2, dtype=node_log_probs.dtype)
    selected_log_probs = jnp.sum(node_log_probs * decisions_one_hot, axis=-1)  # [B, D]
    nll = -jnp.sum(selected_log_probs * mask, axis=-1)  # [B]
    return nll

if __name__ == "__main__":
    import jax
    _d = setup_inputs()
    print(jax.jit(kernel)(*tuple(_d.values())))

</pallas_src>

<mosaic_0001>
#map = affine_map<(d0, d1) -> (0, 0)>
#map1 = affine_map<(d0, d1) -> (0)>
module attributes {stable_mosaic.version = 14 : i64} {
  func.func @sc_fn(%arg0: i32, %arg1: i32, %arg2: memref<4096x128xf32, #tpu.memory_space<hbm>>, %arg3: memref<4096xi32, #tpu.memory_space<hbm>>, %arg4: memref<99999x128xf32, #tpu.memory_space<hbm>>, %arg5: memref<4096x272xf32, #tpu.memory_space<hbm>>, %arg6: memref<128xi32, #tpu.memory_space<vmem>>, %arg7: memref<2x128xi32, #tpu.memory_space<vmem>>, %arg8: memref<2x16xi32, #tpu.memory_space<vmem>>, %arg9: memref<128x128xf32, #tpu.memory_space<vmem>>, %arg10: memref<16x128xf32, #tpu.memory_space<vmem>>, %arg11: memref<256x128xf32, #tpu.memory_space<vmem>>, %arg12: memref<16x128xf32, #tpu.memory_space<vmem>>, %arg13: memref<16x272xf32, #tpu.memory_space<vmem>>, %arg14: memref<!tpu.dma_semaphore, #tpu.memory_space<semaphore_mem>>, %arg15: memref<!tpu.dma_semaphore, #tpu.memory_space<semaphore_mem>>) attributes {dimension_semantics = [#tpu.dimension_semantics<core_parallel>, #tpu.dimension_semantics<subcore_parallel>], iteration_bounds = array<i64: 2, 16>, scalar_prefetch = 0 : i64, scratch_operands = 10 : i64, tpu.core_type = #tpu.core_type<sc_vector_subcore>, window_params = [{transform_indices = #map}, {transform_indices = #map1}, {transform_indices = #map}, {transform_indices = #map}]} {
    %mul3A = arith.constant 2 : i32
    %mul3A_0 = arith.muli %arg1, %mul3A : i32
    %add3A = arith.addi %mul3A_0, %arg0 : i32
    %mul3A_1 = arith.constant 128 : i32
    %mul3A_2 = arith.muli %add3A, %mul3A_1 : i32
    "tpu.region"() ({
      %run_scoped3A = tpu.sem_alloc : memref<!tpu.dma_semaphore, #tpu.memory_space<semaphore_mem>>
      %dma_start3A_157 = tpu.memref_slice %arg3[%mul3A_2] : memref<4096xi32, #tpu.memory_space<hbm>> -> memref<128xi32, #tpu.memory_space<hbm>>
      %dma_start3A_158 = tpu.memref_slice %arg3[%mul3A_2] : memref<4096xi32, #tpu.memory_space<hbm>> -> memref<128xi32, #tpu.memory_space<hbm>>
      tpu.enqueue_dma source(%dma_start3A_158 : memref<128xi32, #tpu.memory_space<hbm>>) target(%arg6 : memref<128xi32, #tpu.memory_space<vmem>>) target_semaphore(%run_scoped3A : memref<!tpu.dma_semaphore, #tpu.memory_space<semaphore_mem>>)
      %dma_wait3A = tpu.memref_slice %arg3[%mul3A_2] : memref<4096xi32, #tpu.memory_space<hbm>> -> memref<128xi32, #tpu.memory_space<hbm>>
      %dma_wait3A_159 = tpu.memref_slice %arg3[%mul3A_2] : memref<4096xi32, #tpu.memory_space<hbm>> -> memref<128xi32, #tpu.memory_space<hbm>>
      tpu.wait_dma2 semaphore(%run_scoped3A : memref<!tpu.dma_semaphore, #tpu.memory_space<semaphore_mem>>) src(%dma_wait3A_159 : memref<128xi32, #tpu.memory_space<hbm>>) dst(%arg6 : memref<128xi32, #tpu.memory_space<vmem>>)
      tpu.yield
    }) : () -> ()
    "tpu.region"() ({
      %run_scoped3A = tpu.sem_alloc : memref<!tpu.dma_semaphore, #tpu.memory_space<semaphore_mem>>
      %dma_start3A_157 = arith.constant 0 : i32
      %dma_start3A_158 = arith.constant 0 : i32
      %dma_start3A_159 = tpu.memref_slice %arg4[%dma_start3A_157, %dma_start3A_158] : memref<99999x128xf32, #tpu.memory_space<hbm>> -> memref<256x128xf32, #tpu.memory_space<hbm>>
      %dma_start3A_160 = arith.constant 0 : i32
      %dma_start3A_161 = arith.constant 0 : i32
      %dma_start3A_162 = tpu.memref_slice %arg4[%dma_start3A_160, %dma_start3A_161] : memref<99999x128xf32, #tpu.memory_space<hbm>> -> memref<256x128xf32, #tpu.memory_space<hbm>>
      tpu.enqueue_dma source(%dma_start3A_162 : memref<256x128xf32, #tpu.memory_space<hbm>>) target(%arg11 : memref<256x128xf32, #tpu.memory_space<vmem>>) target_semaphore(%run_scoped3A : memref<!tpu.dma_semaphore, #tpu.memory_space<semaphore_mem>>)
      %dma_wait3A = arith.constant 0 : i32
      %dma_wait3A_163 = arith.constant 0 : i32
      %dma_wait3A_164 = tpu.memref_slice %arg4[%dma_wait3A, %dma_wait3A_163] : memref<99999x128xf32, #tpu.memory_space<hbm>> -> memref<256x128xf32, #tpu.memory_space<hbm>>
      %dma_wait3A_165 = arith.constant 0 : i32
      %dma_wait3A_166 = arith.constant 0 : i32
      %dma_wait3A_167 = tpu.memref_slice %arg4[%dma_wait3A_165, %dma_wait3A_166] : memref<99999x128xf32, #tpu.memory_space<hbm>> -> memref<256x128xf32, #tpu.memory_space<hbm>>
      tpu.wait_dma2 semaphore(%run_scoped3A : memref<!tpu.dma_semaphore, #tpu.memory_space<semaphore_mem>>) src(%dma_wait3A_167 : memref<256x128xf32, #tpu.memory_space<hbm>>) dst(%arg11 : memref<256x128xf32, #tpu.memory_space<vmem>>)
      tpu.yield
    }) : () -> ()
    %get3A = arith.constant 0 : index
    %get3A_3 = tpu.vector_load %arg6[%get3A] {strides = array<i32>} : memref<128xi32, #tpu.memory_space<vmem>>, vector<16xi32>,
    %get3A_4 = vector.shape_cast %get3A_3 : vector<16xi32> to vector<16xi32>
    %add3A_5 = arith.constant 100000 : i32
    %add3A_6 = vector.broadcast %add3A_5 : i32 to vector<16xi32>
    %add3A_7 = arith.addi %get3A_4, %add3A_6 : vector<16xi32>
    %shift_right_arithmetic3A = arith.constant 1 : i32
    %shift_right_arithmetic3A_8 = vector.broadcast %shift_right_arithmetic3A : i32 to vector<16xi32>
    %shift_right_arithmetic3A_9 = arith.shrsi %add3A_7, %shift_right_arithmetic3A_8 : vector<16xi32>
    %sub3A = arith.constant 1 : i32
    %sub3A_10 = vector.broadcast %sub3A : i32 to vector<16xi32>
    %sub3A_11 = arith.subi %shift_right_arithmetic3A_9, %sub3A_10 : vector<16xi32>
    %max3A = arith.constant 0 : i32
    %max3A_12 = vector.broadcast %max3A : i32 to vector<16xi32>
    %max3A_13 = arith.maxsi %sub3A_11, %max3A_12 : vector<16xi32>
    %swap3A = arith.constant 0 : i32
    %swap3A_14 = arith.index_cast %swap3A : i32 to index
    %swap3A_15 = arith.constant 0 : index
    %swap3A_16 = tpu.vector_load %arg7[%swap3A_14, %swap3A_15] {strides = array<i32>} : memref<2x128xi32, #tpu.memory_space<vmem>>, vector<1x16xi32>,
    %swap3A_17 = vector.shape_cast %swap3A_16 : vector<1x16xi32> to vector<16xi32>
    %swap3A_18 = vector.shape_cast %max3A_13 : vector<16xi32> to vector<1x16xi32>
    tpu.vector_store %arg7[%swap3A_14, %swap3A_15], %swap3A_18 {strides = array<i32>} : memref<2x128xi32, #tpu.memory_space<vmem>>, vector<1x16xi32>,
    %shift_right_arithmetic3A_19 = arith.constant 2 : i32
    %shift_right_arithmetic3A_20 = vector.broadcast %shift_right_arithmetic3A_19 : i32 to vector<16xi32>
    %shift_right_arithmetic3A_21 = arith.shrsi %add3A_7, %shift_right_arithmetic3A_20 : vector<16xi32>
    %sub3A_22 = arith.constant 1 : i32
    %sub3A_23 = vector.broadcast %sub3A_22 : i32 to vector<16xi32>
    %sub3A_24 = arith.subi %shift_right_arithmetic3A_21, %sub3A_23 : vector<16xi32>
    %max3A_25 = arith.constant 0 : i32
    %max3A_26 = vector.broadcast %max3A_25 : i32 to vector<16xi32>
    %max3A_27 = arith.maxsi %sub3A_24, %max3A_26 : vector<16xi32>
    %swap3A_28 = arith.constant 0 : i32
    %swap3A_29 = arith.index_cast %swap3A_28 : i32 to index
    %swap3A_30 = arith.constant 16 : index
    %swap3A_31 = tpu.vector_load %arg7[%swap3A_29, %swap3A_30] {strides = array<i32>} : memref<2x128xi32, #tpu.memory_space<vmem>>, vector<1x16xi32>,
    %swap3A_32 = vector.shape_cast %swap3A_31 : vector<1x16xi32> to vector<16xi32>
    %swap3A_33 = vector.shape_cast %max3A_27 : vector<16xi32> to vector<1x16xi32>
    tpu.vector_store %arg7[%swap3A_29, %swap3A_30], %swap3A_33 {strides = array<i32>} : memref<2x128xi32, #tpu.memory_space<vmem>>, vector<1x16xi32>,
    %shift_right_arithmetic3A_34 = arith.constant 3 : i32
    %shift_right_arithmetic3A_35 = vector.broadcast %shift_right_arithmetic3A_34 : i32 to vector<16xi32>
    %shift_right_arithmetic3A_36 = arith.shrsi %add3A_7, %shift_right_arithmetic3A_35 : vector<16xi32>
    %sub3A_37 = arith.constant 1 : i32
    %sub3A_38 = vector.broadcast %sub3A_37 : i32 to vector<16xi32>
    %sub3A_39 = arith.subi %shift_right_arithmetic3A_36, %sub3A_38 : vector<16xi32>
    %max3A_40 = arith.constant 0 : i32
    %max3A_41 = vector.broadcast %max3A_40 : i32 to vector<16xi32>
    %max3A_42 = arith.maxsi %sub3A_39, %max3A_41 : vector<16xi32>
    %swap3A_43 = arith.constant 0 : i32
    %swap3A_44 = arith.index_cast %swap3A_43 : i32 to index
    %swap3A_45 = arith.constant 32 : index
    %swap3A_46 = tpu.vector_load %arg7[%swap3A_44, %swap3A_45] {strides = array<i32>} : memref<2x128xi32, #tpu.memory_space<vmem>>, vector<1x16xi32>,
    %swap3A_47 = vector.shape_cast %swap3A_46 : vector<1x16xi32> to vector<16xi32>
    %swap3A_48 = vector.shape_cast %max3A_42 : vector<16xi32> to vector<1x16xi32>
    tpu.vector_store %arg7[%swap3A_44, %swap3A_45], %swap3A_48 {strides = array<i32>} : memref<2x128xi32, #tpu.memory_space<vmem>>, vector<1x16xi32>,
    %shift_right_arithmetic3A_49 = arith.constant 4 : i32
    %shift_right_arithmetic3A_50 = vector.broadcast %shift_right_arithmetic3A_49 : i32 to vector<16xi32>
    %shift_right_arithmetic3A_51 = arith.shrsi %add3A_7, %shift_right_arithmetic3A_50 : vector<16xi32>
    %sub3A_52 = arith.constant 1 : i32
    %sub3A_53 = vector.broadcast %sub3A_52 : i32 to vector<16xi32>
    %sub3A_54 = arith.subi %shift_right_arithmetic3A_51, %sub3A_53 : vector<16xi32>
    %max3A_55 = arith.constant 0 : i32
    %max3A_56 = vector.broadcast %max3A_55 : i32 to vector<16xi32>
    %max3A_57 = arith.maxsi %sub3A_54, %max3A_56 : vector<16xi32>
    %swap3A_58 = arith.constant 0 : i32
    %swap3A_59 = arith.index_cast %swap3A_58 : i32 to index
    %swap3A_60 = arith.constant 48 : index
    %swap3A_61 = tpu.vector_load %arg7[%swap3A_59, %swap3A_60] {strides = array<i32>} : memref<2x128xi32, #tpu.memory_space<vmem>>, vector<1x16xi32>,
    %swap3A_62 = vector.shape_cast %swap3A_61 : vector<1x16xi32> to vector<16xi32>
    %swap3A_63 = vector.shape_cast %max3A_57 : vector<16xi32> to vector<1x16xi32>
    tpu.vector_store %arg7[%swap3A_59, %swap3A_60], %swap3A_63 {strides = array<i32>} : memref<2x128xi32, #tpu.memory_space<vmem>>, vector<1x16xi32>,
    %shift_right_arithmetic3A_64 = arith.constant 5 : i32
    %shift_right_arithmetic3A_65 = vector.broadcast %shift_right_arithmetic3A_64 : i32 to vector<16xi32>
    %shift_right_arithmetic3A_66 = arith.shrsi %add3A_7, %shift_right_arithmetic3A_65 : vector<16xi32>
    %sub3A_67 = arith.constant 1 : i32
    %sub3A_68 = vector.broadcast %sub3A_67 : i32 to vector<16xi32>
    %sub3A_69 = arith.subi %shift_right_arithmetic3A_66, %sub3A_68 : vector<16xi32>
    %max3A_70 = arith.constant 0 : i32
    %max3A_71 = vector.broadcast %max3A_70 : i32 to vector<16xi32>
    %max3A_72 = arith.maxsi %sub3A_69, %max3A_71 : vector<16xi32>
    %swap3A_73 = arith.constant 0 : i32
    %swap3A_74 = arith.index_cast %swap3A_73 : i32 to index
    %swap3A_75 = arith.constant 64 : index
    %swap3A_76 = tpu.vector_load %arg7[%swap3A_74, %swap3A_75] {strides = array<i32>} : memref<2x128xi32, #tpu.memory_space<vmem>>, vector<1x16xi32>,
    %swap3A_77 = vector.shape_cast %swap3A_76 : vector<1x16xi32> to vector<16xi32>
    %swap3A_78 = vector.shape_cast %max3A_72 : vector<16xi32> to vector<1x16xi32>
    tpu.vector_store %arg7[%swap3A_74, %swap3A_75], %swap3A_78 {strides = array<i32>} : memref<2x128xi32, #tpu.memory_space<vmem>>, vector<1x16xi32>,
    %shift_right_arithmetic3A_79 = arith.constant 6 : i32
    %shift_right_arithmetic3A_80 = vector.broadcast %shift_right_arithmetic3A_79 : i32 to vector<16xi32>
    %shift_right_arithmetic3A_81 = arith.shrsi %add3A_7, %shift_right_arithmetic3A_80 : vector<16xi32>
    %sub3A_82 = arith.constant 1 : i32
    %sub3A_83 = vector.broadcast %sub3A_82 : i32 to vector<16xi32>
    %sub3A_84 = arith.subi %shift_right_arithmetic3A_81, %sub3A_83 : vector<16xi32>
    %max3A_85 = arith.constant 0 : i32
    %max3A_86 = vector.broadcast %max3A_85 : i32 to vector<16xi32>
    %max3A_87 = arith.maxsi %sub3A_84, %max3A_86 : vector<16xi32>
    %swap3A_88 = arith.constant 0 : i32
    %swap3A_89 = arith.index_cast %swap3A_88 : i32 to index
    %swap3A_90 = arith.constant 80 : index
    %swap3A_91 = tpu.vector_load %arg7[%swap3A_89, %swap3A_90] {strides = array<i32>} : memref<2x128xi32, #tpu.memory_space<vmem>>, vector<1x16xi32>,
    %swap3A_92 = vector.shape_cast %swap3A_91 : vector<1x16xi32> to vector<16xi32>
    %swap3A_93 = vector.shape_cast %max3A_87 : vector<16xi32> to vector<1x16xi32>
    tpu.vector_store %arg7[%swap3A_89, %swap3A_90], %swap3A_93 {strides = array<i32>} : memref<2x128xi32, #tpu.memory_space<vmem>>, vector<1x16xi32>,
    %shift_right_arithmetic3A_94 = arith.constant 7 : i32
    %shift_right_arithmetic3A_95 = vector.broadcast %shift_right_arithmetic3A_94 : i32 to vector<16xi32>
    %shift_right_arithmetic3A_96 = arith.shrsi %add3A_7, %shift_right_arithmetic3A_95 : vector<16xi32>
    %sub3A_97 = arith.constant 1 : i32
    %sub3A_98 = vector.broadcast %sub3A_97 : i32 to vector<16xi32>
    %sub3A_99 = arith.subi %shift_right_arithmetic3A_96, %sub3A_98 : vector<16xi32>
    %max3A_100 = arith.constant 0 : i32
    %max3A_101 = vector.broadcast %max3A_100 : i32 to vector<16xi32>
    %max3A_102 = arith.maxsi %sub3A_99, %max3A_101 : vector<16xi32>
    %swap3A_103 = arith.constant 0 : i32
    %swap3A_104 = arith.index_cast %swap3A_103 : i32 to index
    %swap3A_105 = arith.constant 96 : index
    %swap3A_106 = tpu.vector_load %arg7[%swap3A_104, %swap3A_105] {strides = array<i32>} : memref<2x128xi32, #tpu.memory_space<vmem>>, vector<1x16xi32>,
    %swap3A_107 = vector.shape_cast %swap3A_106 : vector<1x16xi32> to vector<16xi32>
    %swap3A_108 = vector.shape_cast %max3A_102 : vector<16xi32> to vector<1x16xi32>
    tpu.vector_store %arg7[%swap3A_104, %swap3A_105], %swap3A_108 {strides = array<i32>} : memref<2x128xi32, #tpu.memory_space<vmem>>, vector<1x16xi32>,
    %shift_right_arithmetic3A_109 = arith.constant 8 : i32
    %shift_right_arithmetic3A_110 = vector.broadcast %shift_right_arithmetic3A_109 : i32 to vector<16xi32>
    %shift_right_arithmetic3A_111 = arith.shrsi %add3A_7, %shift_right_arithmetic3A_110 : vector<16xi32>
    %sub3A_112 = arith.constant 1 : i32
    %sub3A_113 = vector.broadcast %sub3A_112 : i32 to vector<16xi32>
    %sub3A_114 = arith.subi %shift_right_arithmetic3A_111, %sub3A_113 : vector<16xi32>
    %max3A_115 = arith.constant 0 : i32
    %max3A_116 = vector.broadcast %max3A_115 : i32 to vector<16xi32>
    %max3A_117 = arith.maxsi %sub3A_114, %max3A_116 : vector<16xi32>
    %swap3A_118 = arith.constant 0 : i32
    %swap3A_119 = arith.index_cast %swap3A_118 : i32 to index
    %swap3A_120 = arith.constant 112 : index
    %swap3A_121 = tpu.vector_load %arg7[%swap3A_119, %swap3A_120] {strides = array<i32>} : memref<2x128xi32, #tpu.memory_space<vmem>>, vector<1x16xi32>,
    %swap3A_122 = vector.shape_cast %swap3A_121 : vector<1x16xi32> to vector<16xi32>
    %swap3A_123 = vector.shape_cast %max3A_117 : vector<16xi32> to vector<1x16xi32>
    tpu.vector_store %arg7[%swap3A_119, %swap3A_120], %swap3A_123 {strides = array<i32>} : memref<2x128xi32, #tpu.memory_space<vmem>>, vector<1x16xi32>,
    %shift_right_arithmetic3A_124 = arith.constant 9 : i32
    %shift_right_arithmetic3A_125 = vector.broadcast %shift_right_arithmetic3A_124 : i32 to vector<16xi32>
    %shift_right_arithmetic3A_126 = arith.shrsi %add3A_7, %shift_right_arithmetic3A_125 : vector<16xi32>
    %sub3A_127 = arith.constant 1 : i32
    %sub3A_128 = vector.broadcast %sub3A_127 : i32 to vector<16xi32>
    %sub3A_129 = arith.subi %shift_right_arithmetic3A_126, %sub3A_128 : vector<16xi32>
    %max3A_130 = arith.constant 0 : i32
    %max3A_131 = vector.broadcast %max3A_130 : i32 to vector<16xi32>
    %max3A_132 = arith.maxsi %sub3A_129, %max3A_131 : vector<16xi32>
    %swap3A_133 = arith.constant 0 : i32
    %swap3A_134 = arith.index_cast %swap3A_133 : i32 to index
    %swap3A_135 = arith.constant 0 : index
    %swap3A_136 = tpu.vector_load %arg8[%swap3A_134, %swap3A_135] {strides = array<i32>} : memref<2x16xi32, #tpu.memory_space<vmem>>, vector<1x16xi32>,
    %swap3A_137 = vector.shape_cast %swap3A_136 : vector<1x16xi32> to vector<16xi32>
    %swap3A_138 = vector.shape_cast %max3A_132 : vector<16xi32> to vector<1x16xi32>
    tpu.vector_store %arg8[%swap3A_134, %swap3A_135], %swap3A_138 {strides = array<i32>} : memref<2x16xi32, #tpu.memory_space<vmem>>, vector<1x16xi32>,
    %dma_start3A = arith.constant 0 : i32
    %dma_start3A_139 = arith.constant 0 : i32
    %dma_start3A_140 = tpu.memref_slice %arg7[%dma_start3A, %dma_start3A_139] : memref<2x128xi32, #tpu.memory_space<vmem>> -> memref<1x128xi32, #tpu.memory_space<vmem>>
    %dma_start3A_141 = tpu.memref_squeeze %dma_start3A_140 : memref<1x128xi32, #tpu.memory_space<vmem>> -> memref<128xi32, #tpu.memory_space<vmem>>
    %dma_start3A_142 = arith.constant 0 : i32
    %dma_start3A_143 = arith.constant 0 : i32
    %dma_start3A_144 = tpu.memref_slice %arg4[%dma_start3A_142, %dma_start3A_143] : memref<99999x128xf32, #tpu.memory_space<hbm>> -> memref<99999x128xf32, #tpu.memory_space<hbm>>
    tpu.enqueue_indirect_dma source(%dma_start3A_144 : memref<99999x128xf32, #tpu.memory_space<hbm>>) target(%arg9 : memref<128x128xf32, #tpu.memory_space<vmem>>) offsets(%dma_start3A_141 : memref<128xi32, #tpu.memory_space<vmem>>) semaphore(%arg14 : memref<!tpu.dma_semaphore, #tpu.memory_space<semaphore_mem>>)
    %dma_start3A_145 = arith.constant 0 : i32
    %dma_start3A_146 = arith.constant 0 : i32
    %dma_start3A_147 = tpu.memref_slice %arg8[%dma_start3A_145, %dma_start3A_146] : memref<2x16xi32, #tpu.memory_space<vmem>> -> memref<1x16xi32, #tpu.memory_space<vmem>>
    %dma_start3A_148 = tpu.memref_squeeze %dma_start3A_147 : memref<1x16xi32, #tpu.memory_space<vmem>> -> memref<16xi32, #tpu.memory_space<vmem>>
    %dma_start3A_149 = arith.constant 0 : i32
    %dma_start3A_150 = arith.constant 0 : i32
    %dma_start3A_151 = tpu.memref_slice %arg4[%dma_start3A_149, %dma_start3A_150] : memref<99999x128xf32, #tpu.memory_space<hbm>> -> memref<99999x128xf32, #tpu.memory_space<hbm>>
    tpu.enqueue_indirect_dma source(%dma_start3A_151 : memref<99999x128xf32, #tpu.memory_space<hbm>>) target(%arg10 : memref<16x128xf32, #tpu.memory_space<vmem>>) offsets(%dma_start3A_148 : memref<16xi32, #tpu.memory_space<vmem>>) semaphore(%arg15 : memref<!tpu.dma_semaphore, #tpu.memory_space<semaphore_mem>>)
    %scan3A = arith.constant 0 : i32
    %scan3A_152 = arith.constant 0 : i32
    %scan3A_153 = arith.constant 8 : i32
    %scan3A_154 = arith.addi %scan3A_152, %scan3A_153 : i32
    %scan3A_155 = arith.constant 1 : i32
    scf.for %scan3A_157 = %scan3A_152 to %scan3A_154 step %scan3A_155  : i32 {
      %and3A = arith.constant 1 : i32
      %and3A_158 = arith.andi %scan3A_157, %and3A : i32
      %mul3A_159 = arith.constant 16 : i32
      %mul3A_160 = arith.muli %scan3A_157, %mul3A_159 : i32
      %add3A_161 = arith.addi %mul3A_2, %mul3A_160 : i32
      "tpu.region"() ({
        %run_scoped3A = tpu.sem_alloc : memref<!tpu.dma_semaphore, #tpu.memory_space<semaphore_mem>>
        %dma_start3A_224 = arith.constant 0 : i32
        %dma_start3A_225 = tpu.memref_slice %arg2[%add3A_161, %dma_start3A_224] : memref<4096x128xf32, #tpu.memory_space<hbm>> -> memref<16x128xf32, #tpu.memory_space<hbm>>
        %dma_start3A_226 = arith.constant 0 : i32
        %dma_start3A_227 = tpu.memref_slice %arg2[%add3A_161, %dma_start3A_226] : memref<4096x128xf32, #tpu.memory_space<hbm>> -> memref<16x128xf32, #tpu.memory_space<hbm>>
        tpu.enqueue_dma source(%dma_start3A_227 : memref<16x128xf32, #tpu.memory_space<hbm>>) target(%arg12 : memref<16x128xf32, #tpu.memory_space<vmem>>) target_semaphore(%run_scoped3A : memref<!tpu.dma_semaphore, #tpu.memory_space<semaphore_mem>>)
        %dma_wait3A_228 = arith.constant 0 : i32
        %dma_wait3A_229 = tpu.memref_slice %arg2[%add3A_161, %dma_wait3A_228] : memref<4096x128xf32, #tpu.memory_space<hbm>> -> memref<16x128xf32, #tpu.memory_space<hbm>>
        %dma_wait3A_230 = arith.constant 0 : i32
        %dma_wait3A_231 = tpu.memref_slice %arg2[%add3A_161, %dma_wait3A_230] : memref<4096x128xf32, #tpu.memory_space<hbm>> -> memref<16x128xf32, #tpu.memory_space<hbm>>
        tpu.wait_dma2 semaphore(%run_scoped3A : memref<!tpu.dma_semaphore, #tpu.memory_space<semaphore_mem>>) src(%dma_wait3A_231 : memref<16x128xf32, #tpu.memory_space<hbm>>) dst(%arg12 : memref<16x128xf32, #tpu.memory_space<vmem>>)
        tpu.yield
      }) : () -> ()
      %iota3A = tpu.iota {dimensions = array<i32: 0>} : vector<16xi32>
      %add3A_162 = arith.constant 1 : i32
      %add3A_163 = vector.broadcast %add3A_162 : i32 to vector<16xi32>
      %add3A_164 = arith.addi %add3A_163, %iota3A : vector<16xi32>
      %jit3A = arith.constant 16 : i32
      %eq3A = arith.constant 0 : i32
      %eq3A_165 = arith.cmpi eq, %jit3A, %eq3A : i32
      %jit3A_166 = arith.constant 1 : i32
      %select_n3A = arith.select %eq3A_165, %jit3A_166, %jit3A : i32
      %rem3A = vector.broadcast %select_n3A : i32 to vector<16xi32>
      %rem3A_167 = arith.remsi %add3A_164, %rem3A : vector<16xi32>
      %ne3A = arith.constant 0 : i32
      %ne3A_168 = vector.broadcast %ne3A : i32 to vector<16xi32>
      %ne3A_169 = arith.cmpi ne, %rem3A_167, %ne3A_168 : vector<16xi32>
      %lt3A = arith.constant 0 : i32
      %lt3A_170 = vector.broadcast %lt3A : i32 to vector<16xi32>
      %lt3A_171 = arith.cmpi slt, %rem3A_167, %lt3A_170 : vector<16xi32>
      %lt3A_172 = arith.constant 0 : i32
      %lt3A_173 = arith.cmpi slt, %select_n3A, %lt3A_172 : i32
      %ne3A_174 = vector.broadcast %lt3A_173 : i1 to vector<16xi1>
      %ne3A_175 = vector.broadcast %ne3A_174 : vector<16xi1> to vector<16xi1>
      %ne3A_176 = arith.xori %lt3A_171, %ne3A_175 : vector<16xi1>
      %and3A_177 = arith.andi %ne3A_176, %ne3A_169 : vector<16xi1>
      %add3A_178 = vector.broadcast %select_n3A : i32 to vector<16xi32>
      %add3A_179 = arith.addi %rem3A_167, %add3A_178 : vector<16xi32>
      %select_n3A_180 = arith.select %and3A_177, %add3A_179, %rem3A_167 : vector<16xi1>, vector<16xi32>
      %dma_wait3A = arith.constant 0 : i32
      %dma_wait3A_181 = tpu.memref_slice %arg7[%and3A_158, %dma_wait3A] : memref<2x128xi32, #tpu.memory_space<vmem>> -> memref<1x128xi32, #tpu.memory_space<vmem>>
      %dma_wait3A_182 = tpu.memref_squeeze %dma_wait3A_181 : memref<1x128xi32, #tpu.memory_space<vmem>> -> memref<128xi32, #tpu.memory_space<vmem>>
      %dma_wait3A_183 = arith.constant 0 : i32
      %dma_wait3A_184 = arith.constant 0 : i32
      %dma_wait3A_185 = tpu.memref_slice %arg4[%dma_wait3A_183, %dma_wait3A_184] : memref<99999x128xf32, #tpu.memory_space<hbm>> -> memref<99999x128xf32, #tpu.memory_space<hbm>>
      tpu.wait_indirect_dma semaphore(%arg14 : memref<!tpu.dma_semaphore, #tpu.memory_space<semaphore_mem>>) src(%dma_wait3A_185 : memref<99999x128xf32, #tpu.memory_space<hbm>>) dst(%arg9 : memref<128x128xf32, #tpu.memory_space<vmem>>)
      %scan3A_186 = arith.constant 0 : i32
      %scan3A_187 = arith.constant 0 : i32
      %scan3A_188 = arith.constant 16 : i32
      %scan3A_189 = arith.addi %scan3A_187, %scan3A_188 : i32
      %scan3A_190 = arith.constant 1 : i32
      scf.for %scan3A_224 = %scan3A_187 to %scan3A_189 step %scan3A_190  : i32 {
        %get3A_225 = arith.index_cast %scan3A_224 : i32 to index
        %get3A_226 = arith.constant 0 : index
        %get3A_227 = tpu.vector_load %arg12[%get3A_225, %get3A_226] {strides = array<i32>} : memref<16x128xf32, #tpu.memory_space<vmem>>, vector<1x16xf32>,
        %get3A_228 = vector.shape_cast %get3A_227 : vector<1x16xf32> to vector<16xf32>
        %get3A_229 = arith.index_cast %scan3A_224 : i32 to index
        %get3A_230 = arith.constant 16 : index
        %get3A_231 = tpu.vector_load %arg12[%get3A_229, %get3A_230] {strides = array<i32>} : memref<16x128xf32, #tpu.memory_space<vmem>>, vector<1x16xf32>,
        %get3A_232 = vector.shape_cast %get3A_231 : vector<1x16xf32> to vector<16xf32>
        %get3A_233 = arith.index_cast %scan3A_224 : i32 to index
        %get3A_234 = arith.constant 32 : index
        %get3A_235 = tpu.vector_load %arg12[%get3A_233, %get3A_234] {strides = array<i32>} : memref<16x128xf32, #tpu.memory_space<vmem>>, vector<1x16xf32>,
        %get3A_236 = vector.shape_cast %get3A_235 : vector<1x16xf32> to vector<16xf32>
        %get3A_237 = arith.index_cast %scan3A_224 : i32 to index
        %get3A_238 = arith.constant 48 : index
        %get3A_239 = tpu.vector_load %arg12[%get3A_237, %get3A_238] {strides = array<i32>} : memref<16x128xf32, #tpu.memory_space<vmem>>, vector<1x16xf32>,
        %get3A_240 = vector.shape_cast %get3A_239 : vector<1x16xf32> to vector<16xf32>
        %get3A_241 = arith.index_cast %scan3A_224 : i32 to index
        %get3A_242 = arith.constant 64 : index
        %get3A_243 = tpu.vector_load %arg12[%get3A_241, %get3A_242] {strides = array<i32>} : memref<16x128xf32, #tpu.memory_space<vmem>>, vector<1x16xf32>,
        %get3A_244 = vector.shape_cast %get3A_243 : vector<1x16xf32> to vector<16xf32>
        %get3A_245 = arith.index_cast %scan3A_224 : i32 to index
        %get3A_246 = arith.constant 80 : index
        %get3A_247 = tpu.vector_load %arg12[%get3A_245, %get3A_246] {strides = array<i32>} : memref<16x128xf32, #tpu.memory_space<vmem>>, vector<1x16xf32>,
        %get3A_248 = vector.shape_cast %get3A_247 : vector<1x16xf32> to vector<16xf32>
        %get3A_249 = arith.index_cast %scan3A_224 : i32 to index
        %get3A_250 = arith.constant 96 : index
        %get3A_251 = tpu.vector_load %arg12[%get3A_249, %get3A_250] {strides = array<i32>} : memref<16x128xf32, #tpu.memory_space<vmem>>, vector<1x16xf32>,
        %get3A_252 = vector.shape_cast %get3A_251 : vector<1x16xf32> to vector<16xf32>
        %get3A_253 = arith.index_cast %scan3A_224 : i32 to index
        %get3A_254 = arith.constant 112 : index
        %get3A_255 = tpu.vector_load %arg12[%get3A_253, %get3A_254] {strides = array<i32>} : memref<16x128xf32, #tpu.memory_space<vmem>>, vector<1x16xf32>,
        %get3A_256 = vector.shape_cast %get3A_255 : vector<1x16xf32> to vector<16xf32>
        %add3A_257 = arith.constant 0 : i32
        %add3A_258 = arith.addi %add3A_257, %scan3A_224 : i32
        %get3A_259 = arith.index_cast %add3A_258 : i32 to index
        %get3A_260 = arith.constant 0 : index
        %get3A_261 = tpu.vector_load %arg9[%get3A_259, %get3A_260] {strides = array<i32>} : memref<128x128xf32, #tpu.memory_space<vmem>>, vector<1x16xf32>,
        %get3A_262 = vector.shape_cast %get3A_261 : vector<1x16xf32> to vector<16xf32>
        %mul3A_263 = arith.mulf %get3A_262, %get3A_228 : vector<16xf32>
        %get3A_264 = arith.index_cast %add3A_258 : i32 to index
        %get3A_265 = arith.constant 16 : index
        %get3A_266 = tpu.vector_load %arg9[%get3A_264, %get3A_265] {strides = array<i32>} : memref<128x128xf32, #tpu.memory_space<vmem>>, vector<1x16xf32>,
        %get3A_267 = vector.shape_cast %get3A_266 : vector<1x16xf32> to vector<16xf32>
        %mul3A_268 = arith.mulf %get3A_267, %get3A_232 : vector<16xf32>
        %get3A_269 = arith.index_cast %add3A_258 : i32 to index
        %get3A_270 = arith.constant 32 : index
        %get3A_271 = tpu.vector_load %arg9[%get3A_269, %get3A_270] {strides = array<i32>} : memref<128x128xf32, #tpu.memory_space<vmem>>, vector<1x16xf32>,
        %get3A_272 = vector.shape_cast %get3A_271 : vector<1x16xf32> to vector<16xf32>
        %mul3A_273 = arith.mulf %get3A_272, %get3A_236 : vector<16xf32>
        %get3A_274 = arith.index_cast %add3A_258 : i32 to index
        %get3A_275 = arith.constant 48 : index
        %get3A_276 = tpu.vector_load %arg9[%get3A_274, %get3A_275] {strides = array<i32>} : memref<128x128xf32, #tpu.memory_space<vmem>>, vector<1x16xf32>,
        %get3A_277 = vector.shape_cast %get3A_276 : vector<1x16xf32> to vector<16xf32>
        %mul3A_278 = arith.mulf %get3A_277, %get3A_240 : vector<16xf32>
        %get3A_279 = arith.index_cast %add3A_258 : i32 to index
        %get3A_280 = arith.constant 64 : index
        %get3A_281 = tpu.vector_load %arg9[%get3A_279, %get3A_280] {strides = array<i32>} : memref<128x128xf32, #tpu.memory_space<vmem>>, vector<1x16xf32>,
        %get3A_282 = vector.shape_cast %get3A_281 : vector<1x16xf32> to vector<16xf32>
        %mul3A_283 = arith.mulf %get3A_282, %get3A_244 : vector<16xf32>
        %get3A_284 = arith.index_cast %add3A_258 : i32 to index
        %get3A_285 = arith.constant 80 : index
        %get3A_286 = tpu.vector_load %arg9[%get3A_284, %get3A_285] {strides = array<i32>} : memref<128x128xf32, #tpu.memory_space<vmem>>, vector<1x16xf32>,
        %get3A_287 = vector.shape_cast %get3A_286 : vector<1x16xf32> to vector<16xf32>
        %mul3A_288 = arith.mulf %get3A_287, %get3A_248 : vector<16xf32>
        %get3A_289 = arith.index_cast %add3A_258 : i32 to index
        %get3A_290 = arith.constant 96 : index
        %get3A_291 = tpu.vector_load %arg9[%get3A_289, %get3A_290] {strides = array<i32>} : memref<128x128xf32, #tpu.memory_space<vmem>>, vector<1x16xf32>,
        %get3A_292 = vector.shape_cast %get3A_291 : vector<1x16xf32> to vector<16xf32>
        %mul3A_293 = arith.mulf %get3A_292, %get3A_252 : vector<16xf32>
        %get3A_294 = arith.index_cast %add3A_258 : i32 to index
        %get3A_295 = arith.constant 112 : index
        %get3A_296 = tpu.vector_load %arg9[%get3A_294, %get3A_295] {strides = array<i32>} : memref<128x128xf32, #tpu.memory_space<vmem>>, vector<1x16xf32>,
        %get3A_297 = vector.shape_cast %get3A_296 : vector<1x16xf32> to vector<16xf32>
        %mul3A_298 = arith.mulf %get3A_297, %get3A_256 : vector<16xf32>
        %add3A_299 = arith.addf %mul3A_263, %mul3A_268 : vector<16xf32>
        %add3A_300 = arith.addf %mul3A_273, %mul3A_278 : vector<16xf32>
        %add3A_301 = arith.addf %mul3A_283, %mul3A_288 : vector<16xf32>
        %add3A_302 = arith.addf %mul3A_293, %mul3A_298 : vector<16xf32>
        %add3A_303 = arith.addf %add3A_299, %add3A_300 : vector<16xf32>
        %add3A_304 = arith.addf %add3A_301, %add3A_302 : vector<16xf32>
        %add3A_305 = arith.addf %add3A_303, %add3A_304 : vector<16xf32>
        %swap3A_306 = arith.index_cast %scan3A_224 : i32 to index
        %swap3A_307 = arith.constant 0 : index
        %swap3A_308 = tpu.vector_load %arg13[%swap3A_306, %swap3A_307] {strides = array<i32>} : memref<16x272xf32, #tpu.memory_space<vmem>>, vector<1x16xf32>,
        %swap3A_309 = vector.shape_cast %swap3A_308 : vector<1x16xf32> to vector<16xf32>
        %swap3A_310 = vector.shape_cast %add3A_305 : vector<16xf32> to vector<1x16xf32>
        tpu.vector_store %arg13[%swap3A_306, %swap3A_307], %swap3A_310 {strides = array<i32>} : memref<16x272xf32, #tpu.memory_space<vmem>>, vector<1x16xf32>,
        %add3A_311 = arith.constant 16 : i32
        %add3A_312 = arith.addi %add3A_311, %scan3A_224 : i32
        %get3A_313 = arith.index_cast %add3A_312 : i32 to index
        %get3A_314 = arith.constant 0 : index
        %get3A_315 = tpu.vector_load %arg9[%get3A_313, %get3A_314] {strides = array<i32>} : memref<128x128xf32, #tpu.memory_space<vmem>>, vector<1x16xf32>,
        %get3A_316 = vector.shape_cast %get3A_315 : vector<1x16xf32> to vector<16xf32>
        %mul3A_317 = arith.mulf %get3A_316, %get3A_228 : vector<16xf32>
        %get3A_318 = arith.index_cast %add3A_312 : i32 to index
        %get3A_319 = arith.constant 16 : index
        %get3A_320 = tpu.vector_load %arg9[%get3A_318, %get3A_319] {strides = array<i32>} : memref<128x128xf32, #tpu.memory_space<vmem>>, vector<1x16xf32>,
        %get3A_321 = vector.shape_cast %get3A_320 : vector<1x16xf32> to vector<16xf32>
        %mul3A_322 = arith.mulf %get3A_321, %get3A_232 : vector<16xf32>
        %get3A_323 = arith.index_cast %add3A_312 : i32 to index
        %get3A_324 = arith.constant 32 : index
        %get3A_325 = tpu.vector_load %arg9[%get3A_323, %get3A_324] {strides = array<i32>} : memref<128x128xf32, #tpu.memory_space<vmem>>, vector<1x16xf32>,
        %get3A_326 = vector.shape_cast %get3A_325 : vector<1x16xf32> to vector<16xf32>
        %mul3A_327 = arith.mulf %get3A_326, %get3A_236 : vector<16xf32>
        %get3A_328 = arith.index_cast %add3A_312 : i32 to index
        %get3A_329 = arith.constant 48 : index
        %get3A_330 = tpu.vector_load %arg9[%get3A_328, %get3A_329] {strides = array<i32>} : memref<128x128xf32, #tpu.memory_space<vmem>>, vector<1x16xf32>,
        %get3A_331 = vector.shape_cast %get3A_330 : vector<1x16xf32> to vector<16xf32>
        %mul3A_332 = arith.mulf %get3A_331, %get3A_240 : vector<16xf32>
        %get3A_333 = arith.index_cast %add3A_312 : i32 to index
        %get3A_334 = arith.constant 64 : index
        %get3A_335 = tpu.vector_load %arg9[%get3A_333, %get3A_334] {strides = array<i32>} : memref<128x128xf32, #tpu.memory_space<vmem>>, vector<1x16xf32>,
        %get3A_336 = vector.shape_cast %get3A_335 : vector<1x16xf32> to vector<16xf32>
        %mul3A_337 = arith.mulf %get3A_336, %get3A_244 : vector<16xf32>
        %get3A_338 = arith.index_cast %add3A_312 : i32 to index
        %get3A_339 = arith.constant 80 : index
        %get3A_340 = tpu.vector_load %arg9[%get3A_338, %get3A_339] {strides = array<i32>} : memref<128x128xf32, #tpu.memory_space<vmem>>, vector<1x16xf32>,
        %get3A_341 = vector.shape_cast %get3A_340 : vector<1x16xf32> to vector<16xf32>
        %mul3A_342 = arith.mulf %get3A_341, %get3A_248 : vector<16xf32>
        %get3A_343 = arith.index_cast %add3A_312 : i32 to index
        %get3A_344 = arith.constant 96 : index
        %get3A_345 = tpu.vector_load %arg9[%get3A_343, %get3A_344] {strides = array<i32>} : memref<128x128xf32, #tpu.memory_space<vmem>>, vector<1x16xf32>,
        %get3A_346 = vector.shape_cast %get3A_345 : vector<1x16xf32> to vector<16xf32>
        %mul3A_347 = arith.mulf %get3A_346, %get3A_252 : vector<16xf32>
        %get3A_348 = arith.index_cast %add3A_312 : i32 to index
        %get3A_349 = arith.constant 112 : index
        %get3A_350 = tpu.vector_load %arg9[%get3A_348, %get3A_349] {strides = array<i32>} : memref<128x128xf32, #tpu.memory_space<vmem>>, vector<1x16xf32>,
        %get3A_351 = vector.shape_cast %get3A_350 : vector<1x16xf32> to vector<16xf32>
        %mul3A_352 = arith.mulf %get3A_351, %get3A_256 : vector<16xf32>
        %add3A_353 = arith.addf %mul3A_317, %mul3A_322 : vector<16xf32>
        %add3A_354 = arith.addf %mul3A_327, %mul3A_332 : vector<16xf32>
        %add3A_355 = arith.addf %mul3A_337, %mul3A_342 : vector<16xf32>
        %add3A_356 = arith.addf %mul3A_347, %mul3A_352 : vector<16xf32>
        %add3A_357 = arith.addf %add3A_353, %add3A_354 : vector<16xf32>
        %add3A_358 = arith.addf %add3A_355, %add3A_356 : vector<16xf32>
        %add3A_359 = arith.addf %add3A_357, %add3A_358 : vector<16xf32>
        %swap3A_360 = arith.index_cast %scan3A_224 : i32 to index
        %swap3A_361 = arith.constant 16 : index
        %swap3A_362 = tpu.vector_load %arg13[%swap3A_360, %swap3A_361] {strides = array<i32>} : memref<16x272xf32, #tpu.memory_space<vmem>>, vector<1x16xf32>,
        %swap3A_363 = vector.shape_cast %swap3A_362 : vector<1x16xf32> to vector<16xf32>
        %swap3A_364 = vector.shape_cast %add3A_359 : vector<16xf32> to vector<1x16xf32>
        tpu.vector_store %arg13[%swap3A_360, %swap3A_361], %swap3A_364 {strides = array<i32>} : memref<16x272xf32, #tpu.memory_space<vmem>>, vector<1x16xf32>,
        %add3A_365 = arith.constant 32 : i32
        %add3A_366 = arith.addi %add3A_365, %scan3A_224 : i32
        %get3A_367 = arith.index_cast %add3A_366 : i32 to index
        %get3A_368 = arith.constant 0 : index
        %get3A_369 = tpu.vector_load %arg9[%get3A_367, %get3A_368] {strides = array<i32>} : memref<128x128xf32, #tpu.memory_space<vmem>>, vector<1x16xf32>,
        %get3A_370 = vector.shape_cast %get3A_369 : vector<1x16xf32> to vector<16xf32>
        %mul3A_371 = arith.mulf %get3A_370, %get3A_228 : vector<16xf32>
        %get3A_372 = arith.index_cast %add3A_366 : i32 to index
        %get3A_373 = arith.constant 16 : index
        %get3A_374 = tpu.vector_load %arg9[%get3A_372, %get3A_373] {strides = array<i32>} : memref<128x128xf32, #tpu.memory_space<vmem>>, vector<1x16xf32>,
        %get3A_375 = vector.shape_cast %get3A_374 : vector<1x16xf32> to vector<16xf32>
        %mul3A_376 = arith.mulf %get3A_375, %get3A_232 : vector<16xf32>
        %get3A_377 = arith.index_cast %add3A_366 : i32 to index
        %get3A_378 = arith.constant 32 : index
        %get3A_379 = tpu.vector_load %arg9[%get3A_377, %get3A_378] {strides = array<i32>} : memref<128x128xf32, #tpu.memory_space<vmem>>, vector<1x16xf32>,
        %get3A_380 = vector.shape_cast %get3A_379 : vector<1x16xf32> to vector<16xf32>
        %mul3A_381 = arith.mulf %get3A_380, %get3A_236 : vector<16xf32>
        %get3A_382 = arith.index_cast %add3A_366 : i32 to index
        %get3A_383 = arith.constant 48 : index
        %get3A_384 = tpu.vector_load %arg9[%get3A_382, %get3A_383] {strides = array<i32>} : memref<128x128xf32, #tpu.memory_space<vmem>>, vector<1x16xf32>,
        %get3A_385 = vector.shape_cast %get3A_384 : vector<1x16xf32> to vector<16xf32>
        %mul3A_386 = arith.mulf %get3A_385, %get3A_240 : vector<16xf32>
        %get3A_387 = arith.index_cast %add3A_366 : i32 to index
        %get3A_388 = arith.constant 64 : index
        %get3A_389 = tpu.vector_load %arg9[%get3A_387, %get3A_388] {strides = array<i32>} : memref<128x128xf32, #tpu.memory_space<vmem>>, vector<1x16xf32>,
        %get3A_390 = vector.shape_cast %get3A_389 : vector<1x16xf32> to vector<16xf32>
        %mul3A_391 = arith.mulf %get3A_390, %get3A_244 : vector<16xf32>
        %get3A_392 = arith.index_cast %add3A_366 : i32 to index
        %get3A_393 = arith.constant 80 : index
        %get3A_394 = tpu.vector_load %arg9[%get3A_392, %get3A_393] {strides = array<i32>} : memref<128x128xf32, #tpu.memory_space<vmem>>, vector<1x16xf32>,
        %get3A_395 = vector.shape_cast %get3A_394 : vector<1x16xf32> to vector<16xf32>
        %mul3A_396 = arith.mulf %get3A_395, %get3A_248 : vector<16xf32>
        %get3A_397 = arith.index_cast %add3A_366 : i32 to index
        %get3A_398 = arith.constant 96 : index
        %get3A_399 = tpu.vector_load %arg9[%get3A_397, %get3A_398] {strides = array<i32>} : memref<128x128xf32, #tpu.memory_space<vmem>>, vector<1x16xf32>,
        %get3A_400 = vector.shape_cast %get3A_399 : vector<1x16xf32> to vector<16xf32>
        %mul3A_401 = arith.mulf %get3A_400, %get3A_252 : vector<16xf32>
        %get3A_402 = arith.index_cast %add3A_366 : i32 to index
        %get3A_403 = arith.constant 112 : index
        %get3A_404 = tpu.vector_load %arg9[%get3A_402, %get3A_403] {strides = array<i32>} : memref<128x128xf32, #tpu.memory_space<vmem>>, vector<1x16xf32>,
        %get3A_405 = vector.shape_cast %get3A_404 : vector<1x16xf32> to vector<16xf32>
        %mul3A_406 = arith.mulf %get3A_405, %get3A_256 : vector<16xf32>
        %add3A_407 = arith.addf %mul3A_371, %mul3A_376 : vector<16xf32>
        %add3A_408 = arith.addf %mul3A_381, %mul3A_386 : vector<16xf32>
        %add3A_409 = arith.addf %mul3A_391, %mul3A_396 : vector<16xf32>
        %add3A_410 = arith.addf %mul3A_401, %mul3A_406 : vector<16xf32>
        %add3A_411 = arith.addf %add3A_407, %add3A_408 : vector<16xf32>
        %add3A_412 = arith.addf %add3A_409, %add3A_410 : vector<16xf32>
        %add3A_413 = arith.addf %add3A_411, %add3A_412 : vector<16xf32>
        %swap3A_414 = arith.index_cast %scan3A_224 : i32 to index
        %swap3A_415 = arith.constant 32 : index
        %swap3A_416 = tpu.vector_load %arg13[%swap3A_414, %swap3A_415] {strides = array<i32>} : memref<16x272xf32, #tpu.memory_space<vmem>>, vector<1x16xf32>,
        %swap3A_417 = vector.shape_cast %swap3A_416 : vector<1x16xf32> to vector<16xf32>
        %swap3A_418 = vector.shape_cast %add3A_413 : vector<16xf32> to vector<1x16xf32>
        tpu.vector_store %arg13[%swap3A_414, %swap3A_415], %swap3A_418 {strides = array<i32>} : memref<16x272xf32, #tpu.memory_space<vmem>>, vector<1x16xf32>,
        %add3A_419 = arith.constant 48 : i32
        %add3A_420 = arith.addi %add3A_419, %scan3A_224 : i32
        %get3A_421 = arith.index_cast %add3A_420 : i32 to index
        %get3A_422 = arith.constant 0 : index
        %get3A_423 = tpu.vector_load %arg9[%get3A_421, %get3A_422] {strides = array<i32>} : memref<128x128xf32, #tpu.memory_space<vmem>>, vector<1x16xf32>,
        %get3A_424 = vector.shape_cast %get3A_423 : vector<1x16xf32> to vector<16xf32>
        %mul3A_425 = arith.mulf %get3A_424, %get3A_228 : vector<16xf32>
        %get3A_426 = arith.index_cast %add3A_420 : i32 to index
        %get3A_427 = arith.constant 16 : index
        %get3A_428 = tpu.vector_load %arg9[%get3A_426, %get3A_427] {strides = array<i32>} : memref<128x128xf32, #tpu.memory_space<vmem>>, vector<1x16xf32>,
        %get3A_429 = vector.shape_cast %get3A_428 : vector<1x16xf32> to vector<16xf32>
        %mul3A_430 = arith.mulf %get3A_429, %get3A_232 : vector<16xf32>
        %get3A_431 = arith.index_cast %add3A_420 : i32 to index
        %get3A_432 = arith.constant 32 : index
        %get3A_433 = tpu.vector_load %arg9[%get3A_431, %get3A_432] {strides = array<i32>} : memref<128x128xf32, #tpu.memory_space<vmem>>, vector<1x16xf32>,
        %get3A_434 = vector.shape_cast %get3A_433 : vector<1x16xf32> to vector<16xf32>
        %mul3A_435 = arith.mulf %get3A_434, %get3A_236 : vector<16xf32>
        %get3A_436 = arith.index_cast %add3A_420 : i32 to index
        %get3A_437 = arith.constant 48 : index
        %get3A_438 = tpu.vector_load %arg9[%get3A_436, %get3A_437] {strides = array<i32>} : memref<128x128xf32, #tpu.memory_space<vmem>>, vector<1x16xf32>,
        %get3A_439 = vector.shape_cast %get3A_438 : vector<1x16xf32> to vector<16xf32>
        %mul3A_440 = arith.mulf %get3A_439, %get3A_240 : vector<16xf32>
        %get3A_441 = arith.index_cast %add3A_420 : i32 to index
        %get3A_442 = arith.constant 64 : index
        %get3A_443 = tpu.vector_load %arg9[%get3A_441, %get3A_442] {strides = array<i32>} : memref<128x128xf32, #tpu.memory_space<vmem>>, vector<1x16xf32>,
        %get3A_444 = vector.shape_cast %get3A_443 : vector<1x16xf32> to vector<16xf32>
        %mul3A_445 = arith.mulf %get3A_444, %get3A_244 : vector<16xf32>
        %get3A_446 = arith.index_cast %add3A_420 : i32 to index
        %get3A_447 = arith.constant 80 : index
        %get3A_448 = tpu.vector_load %arg9[%get3A_446, %get3A_447] {strides = array<i32>} : memref<128x128xf32, #tpu.memory_space<vmem>>, vector<1x16xf32>,
        %get3A_449 = vector.shape_cast %get3A_448 : vector<1x16xf32> to vector<16xf32>
        %mul3A_450 = arith.mulf %get3A_449, %get3A_248 : vector<16xf32>
        %get3A_451 = arith.index_cast %add3A_420 : i32 to index
        %get3A_452 = arith.constant 96 : index
        %get3A_453 = tpu.vector_load %arg9[%get3A_451, %get3A_452] {strides = array<i32>} : memref<128x128xf32, #tpu.memory_space<vmem>>, vector<1x16xf32>,
        %get3A_454 = vector.shape_cast %get3A_453 : vector<1x16xf32> to vector<16xf32>
        %mul3A_455 = arith.mulf %get3A_454, %get3A_252 : vector<16xf32>
        %get3A_456 = arith.index_cast %add3A_420 : i32 to index
        %get3A_457 = arith.constant 112 : index
        %get3A_458 = tpu.vector_load %arg9[%get3A_456, %get3A_457] {strides = array<i32>} : memref<128x128xf32, #tpu.memory_space<vmem>>, vector<1x16xf32>,
        %get3A_459 = vector.shape_cast %get3A_458 : vector<1x16xf32> to vector<16xf32>
        %mul3A_460 = arith.mulf %get3A_459, %get3A_256 : vector<16xf32>
        %add3A_461 = arith.addf %mul3A_425, %mul3A_430 : vector<16xf32>
        %add3A_462 = arith.addf %mul3A_435, %mul3A_440 : vector<16xf32>
        %add3A_463 = arith.addf %mul3A_445, %mul3A_450 : vector<16xf32>
        %add3A_464 = arith.addf %mul3A_455, %mul3A_460 : vector<16xf32>
        %add3A_465 = arith.addf %add3A_461, %add3A_462 : vector<16xf32>
        %add3A_466 = arith.addf %add3A_463, %add3A_464 : vector<16xf32>
        %add3A_467 = arith.addf %add3A_465, %add3A_466 : vector<16xf32>
        %swap3A_468 = arith.index_cast %scan3A_224 : i32 to index
        %swap3A_469 = arith.constant 48 : index
        %swap3A_470 = tpu.vector_load %arg13[%swap3A_468, %swap3A_469] {strides = array<i32>} : memref<16x272xf32, #tpu.memory_space<vmem>>, vector<1x16xf32>,
        %swap3A_471 = vector.shape_cast %swap3A_470 : vector<1x16xf32> to vector<16xf32>
        %swap3A_472 = vector.shape_cast %add3A_467 : vector<16xf32> to vector<1x16xf32>
        tpu.vector_store %arg13[%swap3A_468, %swap3A_469], %swap3A_472 {strides = array<i32>} : memref<16x272xf32, #tpu.memory_space<vmem>>, vector<1x16xf32>,
        %add3A_473 = arith.constant 64 : i32
        %add3A_474 = arith.addi %add3A_473, %scan3A_224 : i32
        %get3A_475 = arith.index_cast %add3A_474 : i32 to index
        %get3A_476 = arith.constant 0 : index
        %get3A_477 = tpu.vector_load %arg9[%get3A_475, %get3A_476] {strides = array<i32>} : memref<128x128xf32, #tpu.memory_space<vmem>>, vector<1x16xf32>,
        %get3A_478 = vector.shape_cast %get3A_477 : vector<1x16xf32> to vector<16xf32>
        %mul3A_479 = arith.mulf %get3A_478, %get3A_228 : vector<16xf32>
        %get3A_480 = arith.index_cast %add3A_474 : i32 to index
        %get3A_481 = arith.constant 16 : index
        %get3A_482 = tpu.vector_load %arg9[%get3A_480, %get3A_481] {strides = array<i32>} : memref<128x128xf32, #tpu.memory_space<vmem>>, vector<1x16xf32>,
        %get3A_483 = vector.shape_cast %get3A_482 : vector<1x16xf32> to vector<16xf32>
        %mul3A_484 = arith.mulf %get3A_483, %get3A_232 : vector<16xf32>
        %get3A_485 = arith.index_cast %add3A_474 : i32 to index
        %get3A_486 = arith.constant 32 : index
        %get3A_487 = tpu.vector_load %arg9[%get3A_485, %get3A_486] {strides = array<i32>} : memref<128x128xf32, #tpu.memory_space<vmem>>, vector<1x16xf32>,
        %get3A_488 = vector.shape_cast %get3A_487 : vector<1x16xf32> to vector<16xf32>
        %mul3A_489 = arith.mulf %get3A_488, %get3A_236 : vector<16xf32>
        %get3A_490 = arith.index_cast %add3A_474 : i32 to index
        %get3A_491 = arith.constant 48 : index
        %get3A_492 = tpu.vector_load %arg9[%get3A_490, %get3A_491] {strides = array<i32>} : memref<128x128xf32, #tpu.memory_space<vmem>>, vector<1x16xf32>,
        %get3A_493 = vector.shape_cast %get3A_492 : vector<1x16xf32> to vector<16xf32>
        %mul3A_494 = arith.mulf %get3A_493, %get3A_240 : vector<16xf32>
        %get3A_495 = arith.index_cast %add3A_474 : i32 to index
        %get3A_496 = arith.constant 64 : index
        %get3A_497 = tpu.vector_load %arg9[%get3A_495, %get3A_496] {strides = array<i32>} : memref<128x128xf32, #tpu.memory_space<vmem>>, vector<1x16xf32>,
        %get3A_498 = vector.shape_cast %get3A_497 : vector<1x16xf32> to vector<16xf32>
        %mul3A_499 = arith.mulf %get3A_498, %get3A_244 : vector<16xf32>
        %get3A_500 = arith.index_cast %add3A_474 : i32 to index
        %get3A_501 = arith.constant 80 : index
        %get3A_502 = tpu.vector_load %arg9[%get3A_500, %get3A_501] {strides = array<i32>} : memref<128x128xf32, #tpu.memory_space<vmem>>, vector<1x16xf32>,
        %get3A_503 = vector.shape_cast %get3A_502 : vector<1x16xf32> to vector<16xf32>
        %mul3A_504 = arith.mulf %get3A_503, %get3A_248 : vector<16xf32>
        %get3A_505 = arith.index_cast %add3A_474 : i32 to index
        %get3A_506 = arith.constant 96 : index
        %get3A_507 = tpu.vector_load %arg9[%get3A_505, %get3A_506] {strides = array<i32>} : memref<128x128xf32, #tpu.memory_space<vmem>>, vector<1x16xf32>,
        %get3A_508 = vector.shape_cast %get3A_507 : vector<1x16xf32> to vector<16xf32>
        %mul3A_509 = arith.mulf %get3A_508, %get3A_252 : vector<16xf32>
        %get3A_510 = arith.index_cast %add3A_474 : i32 to index
        %get3A_511 = arith.constant 112 : index
        %get3A_512 = tpu.vector_load %arg9[%get3A_510, %get3A_511] {strides = array<i32>} : memref<128x128xf32, #tpu.memory_space<vmem>>, vector<1x16xf32>,
        %get3A_513 = vector.shape_cast %get3A_512 : vector<1x16xf32> to vector<16xf32>
        %mul3A_514 = arith.mulf %get3A_513, %get3A_256 : vector<16xf32>
        %add3A_515 = arith.addf %mul3A_479, %mul3A_484 : vector<16xf32>
        %add3A_516 = arith.addf %mul3A_489, %mul3A_494 : vector<16xf32>
        %add3A_517 = arith.addf %mul3A_499, %mul3A_504 : vector<16xf32>
        %add3A_518 = arith.addf %mul3A_509, %mul3A_514 : vector<16xf32>
        %add3A_519 = arith.addf %add3A_515, %add3A_516 : vector<16xf32>
        %add3A_520 = arith.addf %add3A_517, %add3A_518 : vector<16xf32>
        %add3A_521 = arith.addf %add3A_519, %add3A_520 : vector<16xf32>
        %swap3A_522 = arith.index_cast %scan3A_224 : i32 to index
        %swap3A_523 = arith.constant 64 : index
        %swap3A_524 = tpu.vector_load %arg13[%swap3A_522, %swap3A_523] {strides = array<i32>} : memref<16x272xf32, #tpu.memory_space<vmem>>, vector<1x16xf32>,
        %swap3A_525 = vector.shape_cast %swap3A_524 : vector<1x16xf32> to vector<16xf32>
        %swap3A_526 = vector.shape_cast %add3A_521 : vector<16xf32> to vector<1x16xf32>
        tpu.vector_store %arg13[%swap3A_522, %swap3A_523], %swap3A_526 {strides = array<i32>} : memref<16x272xf32, #tpu.memory_space<vmem>>, vector<1x16xf32>,
        %add3A_527 = arith.constant 80 : i32
        %add3A_528 = arith.addi %add3A_527, %scan3A_224 : i32
        %get3A_529 = arith.index_cast %add3A_528 : i32 to index
        %get3A_530 = arith.constant 0 : index
        %get3A_531 = tpu.vector_load %arg9[%get3A_529, %get3A_530] {strides = array<i32>} : memref<128x128xf32, #tpu.memory_space<vmem>>, vector<1x16xf32>,
        %get3A_532 = vector.shape_cast %get3A_531 : vector<1x16xf32> to vector<16xf32>
        %mul3A_533 = arith.mulf %get3A_532, %get3A_228 : vector<16xf32>
        %get3A_534 = arith.index_cast %add3A_528 : i32 to index
        %get3A_535 = arith.constant 16 : index
        %get3A_536 = tpu.vector_load %arg9[%get3A_534, %get3A_535] {strides = array<i32>} : memref<128x128xf32, #tpu.memory_space<vmem>>, vector<1x16xf32>,
        %get3A_537 = vector.shape_cast %get3A_536 : vector<1x16xf32> to vector<16xf32>
        %mul3A_538 = arith.mulf %get3A_537, %get3A_232 : vector<16xf32>
        %get3A_539 = arith.index_cast %add3A_528 : i32 to index
        %get3A_540 = arith.constant 32 : index
        %get3A_541 = tpu.vector_load %arg9[%get3A_539, %get3A_540] {strides = array<i32>} : memref<128x128xf32, #tpu.memory_space<vmem>>, vector<1x16xf32>,
        %get3A_542 = vector.shape_cast %get3A_541 : vector<1x16xf32> to vector<16xf32>
        %mul3A_543 = arith.mulf %get3A_542, %get3A_236 : vector<16xf32>
        %get3A_544 = arith.index_cast %add3A_528 : i32 to index
        %get3A_545 = arith.constant 48 : index
        %get3A_546 = tpu.vector_load %arg9[%get3A_544, %get3A_545] {strides = array<i32>} : memref<128x128xf32, #tpu.memory_space<vmem>>, vector<1x16xf32>,
        %get3A_547 = vector.shape_cast %get3A_546 : vector<1x16xf32> to vector<16xf32>
        %mul3A_548 = arith.mulf %get3A_547, %get3A_240 : vector<16xf32>
        %get3A_549 = arith.index_cast %add3A_528 : i32 to index
        %get3A_550 = arith.constant 64 : index
        %get3A_551 = tpu.vector_load %arg9[%get3A_549, %get3A_550] {strides = array<i32>} : memref<128x128xf32, #tpu.memory_space<vmem>>, vector<1x16xf32>,
        %get3A_552 = vector.shape_cast %get3A_551 : vector<1x16xf32> to vector<16xf32>
        %mul3A_553 = arith.mulf %get3A_552, %get3A_244 : vector<16xf32>
        %get3A_554 = arith.index_cast %add3A_528 : i32 to index
        %get3A_555 = arith.constant 80 : index
        %get3A_556 = tpu.vector_load %arg9[%get3A_554, %get3A_555] {strides = array<i32>} : memref<128x128xf32, #tpu.memory_space<vmem>>, vector<1x16xf32>,
        %get3A_557 = vector.shape_cast %get3A_556 : vector<1x16xf32> to vector<16xf32>
        %mul3A_558 = arith.mulf %get3A_557, %get3A_248 : vector<16xf32>
        %get3A_559 = arith.index_cast %add3A_528 : i32 to index
        %get3A_560 = arith.constant 96 : index
        %get3A_561 = tpu.vector_load %arg9[%get3A_559, %get3A_560] {strides = array<i32>} : memref<128x128xf32, #tpu.memory_space<vmem>>, vector<1x16xf32>,
        %get3A_562 = vector.shape_cast %get3A_561 : vector<1x16xf32> to vector<16xf32>
        %mul3A_563 = arith.mulf %get3A_562, %get3A_252 : vector<16xf32>
        %get3A_564 = arith.index_cast %add3A_528 : i32 to index
        %get3A_565 = arith.constant 112 : index
        %get3A_566 = tpu.vector_load %arg9[%get3A_564, %get3A_565] {strides = array<i32>} : memref<128x128xf32, #tpu.memory_space<vmem>>, vector<1x16xf32>,
        %get3A_567 = vector.shape_cast %get3A_566 : vector<1x16xf32> to vector<16xf32>
        %mul3A_568 = arith.mulf %get3A_567, %get3A_256 : vector<16xf32>
        %add3A_569 = arith.addf %mul3A_533, %mul3A_538 : vector<16xf32>
        %add3A_570 = arith.addf %mul3A_543, %mul3A_548 : vector<16xf32>
        %add3A_571 = arith.addf %mul3A_553, %mul3A_558 : vector<16xf32>
        %add3A_572 = arith.addf %mul3A_563, %mul3A_568 : vector<16xf32>
        %add3A_573 = arith.addf %add3A_569, %add3A_570 : vector<16xf32>
        %add3A_574 = arith.addf %add3A_571, %add3A_572 : vector<16xf32>
        %add3A_575 = arith.addf %add3A_573, %add3A_574 : vector<16xf32>
        %swap3A_576 = arith.index_cast %scan3A_224 : i32 to index
        %swap3A_577 = arith.constant 80 : index
        %swap3A_578 = tpu.vector_load %arg13[%swap3A_576, %swap3A_577] {strides = array<i32>} : memref<16x272xf32, #tpu.memory_space<vmem>>, vector<1x16xf32>,
        %swap3A_579 = vector.shape_cast %swap3A_578 : vector<1x16xf32> to vector<16xf32>
        %swap3A_580 = vector.shape_cast %add3A_575 : vector<16xf32> to vector<1x16xf32>
        tpu.vector_store %arg13[%swap3A_576, %swap3A_577], %swap3A_580 {strides = array<i32>} : memref<16x272xf32, #tpu.memory_space<vmem>>, vector<1x16xf32>,
        %add3A_581 = arith.constant 96 : i32
        %add3A_582 = arith.addi %add3A_581, %scan3A_224 : i32
        %get3A_583 = arith.index_cast %add3A_582 : i32 to index
        %get3A_584 = arith.constant 0 : index
        %get3A_585 = tpu.vector_load %arg9[%get3A_583, %get3A_584] {strides = array<i32>} : memref<128x128xf32, #tpu.memory_space<vmem>>, vector<1x16xf32>,
        %get3A_586 = vector.shape_cast %get3A_585 : vector<1x16xf32> to vector<16xf32>
        %mul3A_587 = arith.mulf %get3A_586, %get3A_228 : vector<16xf32>
        %get3A_588 = arith.index_cast %add3A_582 : i32 to index
        %get3A_589 = arith.constant 16 : index
        %get3A_590 = tpu.vector_load %arg9[%get3A_588, %get3A_589] {strides = array<i32>} : memref<128x128xf32, #tpu.memory_space<vmem>>, vector<1x16xf32>,
        %get3A_591 = vector.shape_cast %get3A_590 : vector<1x16xf32> to vector<16xf32>
        %mul3A_592 = arith.mulf %get3A_591, %get3A_232 : vector<16xf32>
        %get3A_593 = arith.index_cast %add3A_582 : i32 to index
        %get3A_594 = arith.constant 32 : index
        %get3A_595 = tpu.vector_load %arg9[%get3A_593, %get3A_594] {strides = array<i32>} : memref<128x128xf32, #tpu.memory_space<vmem>>, vector<1x16xf32>,
        %get3A_596 = vector.shape_cast %get3A_595 : vector<1x16xf32> to vector<16xf32>
        %mul3A_597 = arith.mulf %get3A_596, %get3A_236 : vector<16xf32>
        %get3A_598 = arith.index_cast %add3A_582 : i32 to index
        %get3A_599 = arith.constant 48 : index
        %get3A_600 = tpu.vector_load %arg9[%get3A_598, %get3A_599] {strides = array<i32>} : memref<128x128xf32, #tpu.memory_space<vmem>>, vector<1x16xf32>,
        %get3A_601 = vector.shape_cast %get3A_600 : vector<1x16xf32> to vector<16xf32>
        %mul3A_602 = arith.mulf %get3A_601, %get3A_240 : vector<16xf32>
        %get3A_603 = arith.index_cast %add3A_582 : i32 to index
        %get3A_604 = arith.constant 64 : index
        %get3A_605 = tpu.vector_load %arg9[%get3A_603, %get3A_604] {strides = array<i32>} : memref<128x128xf32, #tpu.memory_space<vmem>>, vector<1x16xf32>,
        %get3A_606 = vector.shape_cast %get3A_605 : vector<1x16xf32> to vector<16xf32>
        %mul3A_607 = arith.mulf %get3A_606, %get3A_244 : vector<16xf32>
        %get3A_608 = arith.index_cast %add3A_582 : i32 to index
        %get3A_609 = arith.constant 80 : index
        %get3A_610 = tpu.vector_load %arg9[%get3A_608, %get3A_609] {strides = array<i32>} : memref<128x128xf32, #tpu.memory_space<vmem>>, vector<1x16xf32>,
        %get3A_611 = vector.shape_cast %get3A_610 : vector<1x16xf32> to vector<16xf32>
        %mul3A_612 = arith.mulf %get3A_611, %get3A_248 : vector<16xf32>
        %get3A_613 = arith.index_cast %add3A_582 : i32 to index
        %get3A_614 = arith.constant 96 : index
        %get3A_615 = tpu.vector_load %arg9[%get3A_613, %get3A_614] {strides = array<i32>} : memref<128x128xf32, #tpu.memory_space<vmem>>, vector<1x16xf32>,
        %get3A_616 = vector.shape_cast %get3A_615 : vector<1x16xf32> to vector<16xf32>
        %mul3A_617 = arith.mulf %get3A_616, %get3A_252 : vector<16xf32>
        %get3A_618 = arith.index_cast %add3A_582 : i32 to index
        %get3A_619 = arith.constant 112 : index
        %get3A_620 = tpu.vector_load %arg9[%get3A_618, %get3A_619] {strides = array<i32>} : memref<128x128xf32, #tpu.memory_space<vmem>>, vector<1x16xf32>,
        %get3A_621 = vector.shape_cast %get3A_620 : vector<1x16xf32> to vector<16xf32>
        %mul3A_622 = arith.mulf %get3A_621, %get3A_256 : vector<16xf32>
        %add3A_623 = arith.addf %mul3A_587, %mul3A_592 : vector<16xf32>
        %add3A_624 = arith.addf %mul3A_597, %mul3A_602 : vector<16xf32>
        %add3A_625 = arith.addf %mul3A_607, %mul3A_612 : vector<16xf32>
        %add3A_626 = arith.addf %mul3A_617, %mul3A_622 : vector<16xf32>
        %add3A_627 = arith.addf %add3A_623, %add3A_624 : vector<16xf32>
        %add3A_628 = arith.addf %add3A_625, %add3A_626 : vector<16xf32>
        %add3A_629 = arith.addf %add3A_627, %add3A_628 : vector<16xf32>
        %swap3A_630 = arith.index_cast %scan3A_224 : i32 to index
        %swap3A_631 = arith.constant 96 : index
        %swap3A_632 = tpu.vector_load %arg13[%swap3A_630, %swap3A_631] {strides = array<i32>} : memref<16x272xf32, #tpu.memory_space<vmem>>, vector<1x16xf32>,
        %swap3A_633 = vector.shape_cast %swap3A_632 : vector<1x16xf32> to vector<16xf32>
        %swap3A_634 = vector.shape_cast %add3A_629 : vector<16xf32> to vector<1x16xf32>
        tpu.vector_store %arg13[%swap3A_630, %swap3A_631], %swap3A_634 {strides = array<i32>} : memref<16x272xf32, #tpu.memory_space<vmem>>, vector<1x16xf32>,
        %add3A_635 = arith.constant 112 : i32
        %add3A_636 = arith.addi %add3A_635, %scan3A_224 : i32
        %get3A_637 = arith.index_cast %add3A_636 : i32 to index
        %get3A_638 = arith.constant 0 : index
        %get3A_639 = tpu.vector_load %arg9[%get3A_637, %get3A_638] {strides = array<i32>} : memref<128x128xf32, #tpu.memory_space<vmem>>, vector<1x16xf32>,
        %get3A_640 = vector.shape_cast %get3A_639 : vector<1x16xf32> to vector<16xf32>
        %mul3A_641 = arith.mulf %get3A_640, %get3A_228 : vector<16xf32>
        %get3A_642 = arith.index_cast %add3A_636 : i32 to index
        %get3A_643 = arith.constant 16 : index
        %get3A_644 = tpu.vector_load %arg9[%get3A_642, %get3A_643] {strides = array<i32>} : memref<128x128xf32, #tpu.memory_space<vmem>>, vector<1x16xf32>,
        %get3A_645 = vector.shape_cast %get3A_644 : vector<1x16xf32> to vector<16xf32>
        %mul3A_646 = arith.mulf %get3A_645, %get3A_232 : vector<16xf32>
        %get3A_647 = arith.index_cast %add3A_636 : i32 to index
        %get3A_648 = arith.constant 32 : index
        %get3A_649 = tpu.vector_load %arg9[%get3A_647, %get3A_648] {strides = array<i32>} : memref<128x128xf32, #tpu.memory_space<vmem>>, vector<1x16xf32>,
        %get3A_650 = vector.shape_cast %get3A_649 : vector<1x16xf32> to vector<16xf32>
        %mul3A_651 = arith.mulf %get3A_650, %get3A_236 : vector<16xf32>
        %get3A_652 = arith.index_cast %add3A_636 : i32 to index
        %get3A_653 = arith.constant 48 : index
        %get3A_654 = tpu.vector_load %arg9[%get3A_652, %get3A_653] {strides = array<i32>} : memref<128x128xf32, #tpu.memory_space<vmem>>, vector<1x16xf32>,
        %get3A_655 = vector.shape_cast %get3A_654 : vector<1x16xf32> to vector<16xf32>
        %mul3A_656 = arith.mulf %get3A_655, %get3A_240 : vector<16xf32>
        %get3A_657 = arith.index_cast %add3A_636 : i32 to index
        %get3A_658 = arith.constant 64 : index
        %get3A_659 = tpu.vector_load %arg9[%get3A_657, %get3A_658] {strides = array<i32>} : memref<128x128xf32, #tpu.memory_space<vmem>>, vector<1x16xf32>,
        %get3A_660 = vector.shape_cast %get3A_659 : vector<1x16xf32> to vector<16xf32>
        %mul3A_661 = arith.mulf %get3A_660, %get3A_244 : vector<16xf32>
        %get3A_662 = arith.index_cast %add3A_636 : i32 to index
        %get3A_663 = arith.constant 80 : index
        %get3A_664 = tpu.vector_load %arg9[%get3A_662, %get3A_663] {strides = array<i32>} : memref<128x128xf32, #tpu.memory_space<vmem>>, vector<1x16xf32>,
        %get3A_665 = vector.shape_cast %get3A_664 : vector<1x16xf32> to vector<16xf32>
        %mul3A_666 = arith.mulf %get3A_665, %get3A_248 : vector<16xf32>
        %get3A_667 = arith.index_cast %add3A_636 : i32 to index
        %get3A_668 = arith.constant 96 : index
        %get3A_669 = tpu.vector_load %arg9[%get3A_667, %get3A_668] {strides = array<i32>} : memref<128x128xf32, #tpu.memory_space<vmem>>, vector<1x16xf32>,
        %get3A_670 = vector.shape_cast %get3A_669 : vector<1x16xf32> to vector<16xf32>
        %mul3A_671 = arith.mulf %get3A_670, %get3A_252 : vector<16xf32>
        %get3A_672 = arith.index_cast %add3A_636 : i32 to index
        %get3A_673 = arith.constant 112 : index
        %get3A_674 = tpu.vector_load %arg9[%get3A_672, %get3A_673] {strides = array<i32>} : memref<128x128xf32, #tpu.memory_space<vmem>>, vector<1x16xf32>,
        %get3A_675 = vector.shape_cast %get3A_674 : vector<1x16xf32> to vector<16xf32>
        %mul3A_676 = arith.mulf %get3A_675, %get3A_256 : vector<16xf32>
        %add3A_677 = arith.addf %mul3A_641, %mul3A_646 : vector<16xf32>
        %add3A_678 = arith.addf %mul3A_651, %mul3A_656 : vector<16xf32>
        %add3A_679 = arith.addf %mul3A_661, %mul3A_666 : vector<16xf32>
        %add3A_680 = arith.addf %mul3A_671, %mul3A_676 : vector<16xf32>
        %add3A_681 = arith.addf %add3A_677, %add3A_678 : vector<16xf32>
        %add3A_682 = arith.addf %add3A_679, %add3A_680 : vector<16xf32>
        %add3A_683 = arith.addf %add3A_681, %add3A_682 : vector<16xf32>
        %swap3A_684 = arith.index_cast %scan3A_224 : i32 to index
        %swap3A_685 = arith.constant 112 : index
        %swap3A_686 = tpu.vector_load %arg13[%swap3A_684, %swap3A_685] {strides = array<i32>} : memref<16x272xf32, #tpu.memory_space<vmem>>, vector<1x16xf32>,
        %swap3A_687 = vector.shape_cast %swap3A_686 : vector<1x16xf32> to vector<16xf32>
        %swap3A_688 = vector.shape_cast %add3A_683 : vector<16xf32> to vector<1x16xf32>
        tpu.vector_store %arg13[%swap3A_684, %swap3A_685], %swap3A_688 {strides = array<i32>} : memref<16x272xf32, #tpu.memory_space<vmem>>, vector<1x16xf32>,
      }
      %scan3A_191 = arith.constant 16 : i32
      %add3A_192 = arith.constant 1 : i32
      %add3A_193 = arith.addi %scan3A_157, %add3A_192 : i32
      %lt3A_194 = arith.constant 8 : i32
      %lt3A_195 = arith.cmpi slt, %add3A_193, %lt3A_194 : i32
      %convert_element_type3A = arith.extui %lt3A_195 : i1 to i32
      %cond3A = arith.constant 0 : i32
      %cond3A_196 = arith.cmpi ne, %convert_element_type3A, %cond3A : i32
      scf.if %cond3A_196 {
        %add3A_224 = arith.constant 1 : i32
        %add3A_225 = arith.addi %scan3A_157, %add3A_224 : i32
        %sub3A_226 = arith.constant 1 : i32
        %sub3A_227 = arith.subi %sub3A_226, %and3A_158 : i32
        %mul3A_228 = arith.constant 16 : i32
        %mul3A_229 = arith.muli %add3A_225, %mul3A_228 : i32
        %get3A_230 = arith.index_cast %mul3A_229 : i32 to index
        %get3A_231 = tpu.vector_load %arg6[%get3A_230] {strides = array<i32>} : memref<128xi32, #tpu.memory_space<vmem>>, vector<16xi32>,
        %get3A_232 = vector.shape_cast %get3A_231 : vector<16xi32> to vector<16xi32>
        %add3A_233 = arith.constant 100000 : i32
        %add3A_234 = vector.broadcast %add3A_233 : i32 to vector<16xi32>
        %add3A_235 = arith.addi %get3A_232, %add3A_234 : vector<16xi32>
        %shift_right_arithmetic3A_236 = arith.constant 1 : i32
        %shift_right_arithmetic3A_237 = vector.broadcast %shift_right_arithmetic3A_236 : i32 to vector<16xi32>
        %shift_right_arithmetic3A_238 = arith.shrsi %add3A_235, %shift_right_arithmetic3A_237 : vector<16xi32>
        %sub3A_239 = arith.constant 1 : i32
        %sub3A_240 = vector.broadcast %sub3A_239 : i32 to vector<16xi32>
        %sub3A_241 = arith.subi %shift_right_arithmetic3A_238, %sub3A_240 : vector<16xi32>
        %max3A_242 = arith.constant 0 : i32
        %max3A_243 = vector.broadcast %max3A_242 : i32 to vector<16xi32>
        %max3A_244 = arith.maxsi %sub3A_241, %max3A_243 : vector<16xi32>
        %swap3A_245 = arith.index_cast %sub3A_227 : i32 to index
        %swap3A_246 = arith.constant 0 : index
        %swap3A_247 = tpu.vector_load %arg7[%swap3A_245, %swap3A_246] {strides = array<i32>} : memref<2x128xi32, #tpu.memory_space<vmem>>, vector<1x16xi32>,
        %swap3A_248 = vector.shape_cast %swap3A_247 : vector<1x16xi32> to vector<16xi32>
        %swap3A_249 = vector.shape_cast %max3A_244 : vector<16xi32> to vector<1x16xi32>
        tpu.vector_store %arg7[%swap3A_245, %swap3A_246], %swap3A_249 {strides = array<i32>} : memref<2x128xi32, #tpu.memory_space<vmem>>, vector<1x16xi32>,
        %shift_right_arithmetic3A_250 = arith.constant 2 : i32
        %shift_right_arithmetic3A_251 = vector.broadcast %shift_right_arithmetic3A_250 : i32 to vector<16xi32>
        %shift_right_arithmetic3A_252 = arith.shrsi %add3A_235, %shift_right_arithmetic3A_251 : vector<16xi32>
        %sub3A_253 = arith.constant 1 : i32
        %sub3A_254 = vector.broadcast %sub3A_253 : i32 to vector<16xi32>
        %sub3A_255 = arith.subi %shift_right_arithmetic3A_252, %sub3A_254 : vector<16xi32>
        %max3A_256 = arith.constant 0 : i32
        %max3A_257 = vector.broadcast %max3A_256 : i32 to vector<16xi32>
        %max3A_258 = arith.maxsi %sub3A_255, %max3A_257 : vector<16xi32>
        %swap3A_259 = arith.index_cast %sub3A_227 : i32 to index
        %swap3A_260 = arith.constant 16 : index
        %swap3A_261 = tpu.vector_load %arg7[%swap3A_259, %swap3A_260] {strides = array<i32>} : memref<2x128xi32, #tpu.memory_space<vmem>>, vector<1x16xi32>,
        %swap3A_262 = vector.shape_cast %swap3A_261 : vector<1x16xi32> to vector<16xi32>
        %swap3A_263 = vector.shape_cast %max3A_258 : vector<16xi32> to vector<1x16xi32>
        tpu.vector_store %arg7[%swap3A_259, %swap3A_260], %swap3A_263 {strides = array<i32>} : memref<2x128xi32, #tpu.memory_space<vmem>>, vector<1x16xi32>,
        %shift_right_arithmetic3A_264 = arith.constant 3 : i32
        %shift_right_arithmetic3A_265 = vector.broadcast %shift_right_arithmetic3A_264 : i32 to vector<16xi32>
        %shift_right_arithmetic3A_266 = arith.shrsi %add3A_235, %shift_right_arithmetic3A_265 : vector<16xi32>
        %sub3A_267 = arith.constant 1 : i32
        %sub3A_268 = vector.broadcast %sub3A_267 : i32 to vector<16xi32>
        %sub3A_269 = arith.subi %shift_right_arithmetic3A_266, %sub3A_268 : vector<16xi32>
        %max3A_270 = arith.constant 0 : i32
        %max3A_271 = vector.broadcast %max3A_270 : i32 to vector<16xi32>
        %max3A_272 = arith.maxsi %sub3A_269, %max3A_271 : vector<16xi32>
        %swap3A_273 = arith.index_cast %sub3A_227 : i32 to index
        %swap3A_274 = arith.constant 32 : index
        %swap3A_275 = tpu.vector_load %arg7[%swap3A_273, %swap3A_274] {strides = array<i32>} : memref<2x128xi32, #tpu.memory_space<vmem>>, vector<1x16xi32>,
        %swap3A_276 = vector.shape_cast %swap3A_275 : vector<1x16xi32> to vector<16xi32>
        %swap3A_277 = vector.shape_cast %max3A_272 : vector<16xi32> to vector<1x16xi32>
        tpu.vector_store %arg7[%swap3A_273, %swap3A_274], %swap3A_277 {strides = array<i32>} : memref<2x128xi32, #tpu.memory_space<vmem>>, vector<1x16xi32>,
        %shift_right_arithmetic3A_278 = arith.constant 4 : i32
        %shift_right_arithmetic3A_279 = vector.broadcast %shift_right_arithmetic3A_278 : i32 to vector<16xi32>
        %shift_right_arithmetic3A_280 = arith.shrsi %add3A_235, %shift_right_arithmetic3A_279 : vector<16xi32>
        %sub3A_281 = arith.constant 1 : i32
        %sub3A_282 = vector.broadcast %sub3A_281 : i32 to vector<16xi32>
        %sub3A_283 = arith.subi %shift_right_arithmetic3A_280, %sub3A_282 : vector<16xi32>
        %max3A_284 = arith.constant 0 : i32
        %max3A_285 = vector.broadcast %max3A_284 : i32 to vector<16xi32>
        %max3A_286 = arith.maxsi %sub3A_283, %max3A_285 : vector<16xi32>
        %swap3A_287 = arith.index_cast %sub3A_227 : i32 to index
        %swap3A_288 = arith.constant 48 : index
        %swap3A_289 = tpu.vector_load %arg7[%swap3A_287, %swap3A_288] {strides = array<i32>} : memref<2x128xi32, #tpu.memory_space<vmem>>, vector<1x16xi32>,
        %swap3A_290 = vector.shape_cast %swap3A_289 : vector<1x16xi32> to vector<16xi32>
        %swap3A_291 = vector.shape_cast %max3A_286 : vector<16xi32> to vector<1x16xi32>
        tpu.vector_store %arg7[%swap3A_287, %swap3A_288], %swap3A_291 {strides = array<i32>} : memref<2x128xi32, #tpu.memory_space<vmem>>, vector<1x16xi32>,
        %shift_right_arithmetic3A_292 = arith.constant 5 : i32
        %shift_right_arithmetic3A_293 = vector.broadcast %shift_right_arithmetic3A_292 : i32 to vector<16xi32>
        %shift_right_arithmetic3A_294 = arith.shrsi %add3A_235, %shift_right_arithmetic3A_293 : vector<16xi32>
        %sub3A_295 = arith.constant 1 : i32
        %sub3A_296 = vector.broadcast %sub3A_295 : i32 to vector<16xi32>
        %sub3A_297 = arith.subi %shift_right_arithmetic3A_294, %sub3A_296 : vector<16xi32>
        %max3A_298 = arith.constant 0 : i32
        %max3A_299 = vector.broadcast %max3A_298 : i32 to vector<16xi32>
        %max3A_300 = arith.maxsi %sub3A_297, %max3A_299 : vector<16xi32>
        %swap3A_301 = arith.index_cast %sub3A_227 : i32 to index
        %swap3A_302 = arith.constant 64 : index
        %swap3A_303 = tpu.vector_load %arg7[%swap3A_301, %swap3A_302] {strides = array<i32>} : memref<2x128xi32, #tpu.memory_space<vmem>>, vector<1x16xi32>,
        %swap3A_304 = vector.shape_cast %swap3A_303 : vector<1x16xi32> to vector<16xi32>
        %swap3A_305 = vector.shape_cast %max3A_300 : vector<16xi32> to vector<1x16xi32>
        tpu.vector_store %arg7[%swap3A_301, %swap3A_302], %swap3A_305 {strides = array<i32>} : memref<2x128xi32, #tpu.memory_space<vmem>>, vector<1x16xi32>,
        %shift_right_arithmetic3A_306 = arith.constant 6 : i32
        %shift_right_arithmetic3A_307 = vector.broadcast %shift_right_arithmetic3A_306 : i32 to vector<16xi32>
        %shift_right_arithmetic3A_308 = arith.shrsi %add3A_235, %shift_right_arithmetic3A_307 : vector<16xi32>
        %sub3A_309 = arith.constant 1 : i32
        %sub3A_310 = vector.broadcast %sub3A_309 : i32 to vector<16xi32>
        %sub3A_311 = arith.subi %shift_right_arithmetic3A_308, %sub3A_310 : vector<16xi32>
        %max3A_312 = arith.constant 0 : i32
        %max3A_313 = vector.broadcast %max3A_312 : i32 to vector<16xi32>
        %max3A_314 = arith.maxsi %sub3A_311, %max3A_313 : vector<16xi32>
        %swap3A_315 = arith.index_cast %sub3A_227 : i32 to index
        %swap3A_316 = arith.constant 80 : index
        %swap3A_317 = tpu.vector_load %arg7[%swap3A_315, %swap3A_316] {strides = array<i32>} : memref<2x128xi32, #tpu.memory_space<vmem>>, vector<1x16xi32>,
        %swap3A_318 = vector.shape_cast %swap3A_317 : vector<1x16xi32> to vector<16xi32>
        %swap3A_319 = vector.shape_cast %max3A_314 : vector<16xi32> to vector<1x16xi32>
        tpu.vector_store %arg7[%swap3A_315, %swap3A_316], %swap3A_319 {strides = array<i32>} : memref<2x128xi32, #tpu.memory_space<vmem>>, vector<1x16xi32>,
        %shift_right_arithmetic3A_320 = arith.constant 7 : i32
        %shift_right_arithmetic3A_321 = vector.broadcast %shift_right_arithmetic3A_320 : i32 to vector<16xi32>
        %shift_right_arithmetic3A_322 = arith.shrsi %add3A_235, %shift_right_arithmetic3A_321 : vector<16xi32>
        %sub3A_323 = arith.constant 1 : i32
        %sub3A_324 = vector.broadcast %sub3A_323 : i32 to vector<16xi32>
        %sub3A_325 = arith.subi %shift_right_arithmetic3A_322, %sub3A_324 : vector<16xi32>
        %max3A_326 = arith.constant 0 : i32
        %max3A_327 = vector.broadcast %max3A_326 : i32 to vector<16xi32>
        %max3A_328 = arith.maxsi %sub3A_325, %max3A_327 : vector<16xi32>
        %swap3A_329 = arith.index_cast %sub3A_227 : i32 to index
        %swap3A_330 = arith.constant 96 : index
        %swap3A_331 = tpu.vector_load %arg7[%swap3A_329, %swap3A_330] {strides = array<i32>} : memref<2x128xi32, #tpu.memory_space<vmem>>, vector<1x16xi32>,
        %swap3A_332 = vector.shape_cast %swap3A_331 : vector<1x16xi32> to vector<16xi32>
        %swap3A_333 = vector.shape_cast %max3A_328 : vector<16xi32> to vector<1x16xi32>
        tpu.vector_store %arg7[%swap3A_329, %swap3A_330], %swap3A_333 {strides = array<i32>} : memref<2x128xi32, #tpu.memory_space<vmem>>, vector<1x16xi32>,
        %shift_right_arithmetic3A_334 = arith.constant 8 : i32
        %shift_right_arithmetic3A_335 = vector.broadcast %shift_right_arithmetic3A_334 : i32 to vector<16xi32>
        %shift_right_arithmetic3A_336 = arith.shrsi %add3A_235, %shift_right_arithmetic3A_335 : vector<16xi32>
        %sub3A_337 = arith.constant 1 : i32
        %sub3A_338 = vector.broadcast %sub3A_337 : i32 to vector<16xi32>
        %sub3A_339 = arith.subi %shift_right_arithmetic3A_336, %sub3A_338 : vector<16xi32>
        %max3A_340 = arith.constant 0 : i32
        %max3A_341 = vector.broadcast %max3A_340 : i32 to vector<16xi32>
        %max3A_342 = arith.maxsi %sub3A_339, %max3A_341 : vector<16xi32>
        %swap3A_343 = arith.index_cast %sub3A_227 : i32 to index
        %swap3A_344 = arith.constant 112 : index
        %swap3A_345 = tpu.vector_load %arg7[%swap3A_343, %swap3A_344] {strides = array<i32>} : memref<2x128xi32, #tpu.memory_space<vmem>>, vector<1x16xi32>,
        %swap3A_346 = vector.shape_cast %swap3A_345 : vector<1x16xi32> to vector<16xi32>
        %swap3A_347 = vector.shape_cast %max3A_342 : vector<16xi32> to vector<1x16xi32>
        tpu.vector_store %arg7[%swap3A_343, %swap3A_344], %swap3A_347 {strides = array<i32>} : memref<2x128xi32, #tpu.memory_space<vmem>>, vector<1x16xi32>,
        %shift_right_arithmetic3A_348 = arith.constant 9 : i32
        %shift_right_arithmetic3A_349 = vector.broadcast %shift_right_arithmetic3A_348 : i32 to vector<16xi32>
        %shift_right_arithmetic3A_350 = arith.shrsi %add3A_235, %shift_right_arithmetic3A_349 : vector<16xi32>
        %sub3A_351 = arith.constant 1 : i32
        %sub3A_352 = vector.broadcast %sub3A_351 : i32 to vector<16xi32>
        %sub3A_353 = arith.subi %shift_right_arithmetic3A_350, %sub3A_352 : vector<16xi32>
        %max3A_354 = arith.constant 0 : i32
        %max3A_355 = vector.broadcast %max3A_354 : i32 to vector<16xi32>
        %max3A_356 = arith.maxsi %sub3A_353, %max3A_355 : vector<16xi32>
        %swap3A_357 = arith.index_cast %sub3A_227 : i32 to index
        %swap3A_358 = arith.constant 0 : index
        %swap3A_359 = tpu.vector_load %arg8[%swap3A_357, %swap3A_358] {strides = array<i32>} : memref<2x16xi32, #tpu.memory_space<vmem>>, vector<1x16xi32>,
        %swap3A_360 = vector.shape_cast %swap3A_359 : vector<1x16xi32> to vector<16xi32>
        %swap3A_361 = vector.shape_cast %max3A_356 : vector<16xi32> to vector<1x16xi32>
        tpu.vector_store %arg8[%swap3A_357, %swap3A_358], %swap3A_361 {strides = array<i32>} : memref<2x16xi32, #tpu.memory_space<vmem>>, vector<1x16xi32>,
        %sub3A_362 = arith.constant 1 : i32
        %sub3A_363 = arith.subi %sub3A_362, %and3A_158 : i32
        %dma_start3A_364 = arith.constant 0 : i32
        %dma_start3A_365 = tpu.memref_slice %arg7[%sub3A_363, %dma_start3A_364] : memref<2x128xi32, #tpu.memory_space<vmem>> -> memref<1x128xi32, #tpu.memory_space<vmem>>
        %dma_start3A_366 = tpu.memref_squeeze %dma_start3A_365 : memref<1x128xi32, #tpu.memory_space<vmem>> -> memref<128xi32, #tpu.memory_space<vmem>>
        %dma_start3A_367 = arith.constant 0 : i32
        %dma_start3A_368 = arith.constant 0 : i32
        %dma_start3A_369 = tpu.memref_slice %arg4[%dma_start3A_367, %dma_start3A_368] : memref<99999x128xf32, #tpu.memory_space<hbm>> -> memref<99999x128xf32, #tpu.memory_space<hbm>>
        tpu.enqueue_indirect_dma source(%dma_start3A_369 : memref<99999x128xf32, #tpu.memory_space<hbm>>) target(%arg9 : memref<128x128xf32, #tpu.memory_space<vmem>>) offsets(%dma_start3A_366 : memref<128xi32, #tpu.memory_space<vmem>>) semaphore(%arg14 : memref<!tpu.dma_semaphore, #tpu.memory_space<semaphore_mem>>)
      } else {
      }
      %dma_wait3A_197 = arith.constant 0 : i32
      %dma_wait3A_198 = tpu.memref_slice %arg8[%and3A_158, %dma_wait3A_197] : memref<2x16xi32, #tpu.memory_space<vmem>> -> memref<1x16xi32, #tpu.memory_space<vmem>>
      %dma_wait3A_199 = tpu.memref_squeeze %dma_wait3A_198 : memref<1x16xi32, #tpu.memory_space<vmem>> -> memref<16xi32, #tpu.memory_space<vmem>>
      %dma_wait3A_200 = arith.constant 0 : i32
      %dma_wait3A_201 = arith.constant 0 : i32
      %dma_wait3A_202 = tpu.memref_slice %arg4[%dma_wait3A_200, %dma_wait3A_201] : memref<99999x128xf32, #tpu.memory_space<hbm>> -> memref<99999x128xf32, #tpu.memory_space<hbm>>
      tpu.wait_indirect_dma semaphore(%arg15 : memref<!tpu.dma_semaphore, #tpu.memory_space<semaphore_mem>>) src(%dma_wait3A_202 : memref<99999x128xf32, #tpu.memory_space<hbm>>) dst(%arg10 : memref<16x128xf32, #tpu.memory_space<vmem>>)
      %mul3A_203 = arith.constant 16 : i32
      %mul3A_204 = arith.muli %scan3A_157, %mul3A_203 : i32
      %get3A_205 = arith.index_cast %mul3A_204 : i32 to index
      %get3A_206 = tpu.vector_load %arg6[%get3A_205] {strides = array<i32>} : memref<128xi32, #tpu.memory_space<vmem>>, vector<16xi32>,
      %get3A_207 = vector.shape_cast %get3A_206 : vector<16xi32> to vector<16xi32>
      %scan3A_208 = arith.constant 0 : i32
      %scan3A_209 = arith.constant 16 : i32
      %scan3A_210 = arith.addi %scan3A_208, %scan3A_209 : i32
      %scan3A_211 = arith.constant 1 : i32
      %scan3A_212 = scf.for %scan3A_224 = %scan3A_208 to %scan3A_210 step %scan3A_211 iter_args(%scan3A_225 = %get3A_207) -> (vector<16xi32>)  : i32 {
        %get3A_226 = arith.index_cast %scan3A_224 : i32 to index
        %get3A_227 = arith.constant 0 : index
        %get3A_228 = tpu.vector_load %arg12[%get3A_226, %get3A_227] {strides = array<i32>} : memref<16x128xf32, #tpu.memory_space<vmem>>, vector<1x16xf32>,
        %get3A_229 = vector.shape_cast %get3A_228 : vector<1x16xf32> to vector<16xf32>
        %get3A_230 = arith.index_cast %scan3A_224 : i32 to index
        %get3A_231 = arith.constant 16 : index
        %get3A_232 = tpu.vector_load %arg12[%get3A_230, %get3A_231] {strides = array<i32>} : memref<16x128xf32, #tpu.memory_space<vmem>>, vector<1x16xf32>,
        %get3A_233 = vector.shape_cast %get3A_232 : vector<1x16xf32> to vector<16xf32>
        %get3A_234 = arith.index_cast %scan3A_224 : i32 to index
        %get3A_235 = arith.constant 32 : index
        %get3A_236 = tpu.vector_load %arg12[%get3A_234, %get3A_235] {strides = array<i32>} : memref<16x128xf32, #tpu.memory_space<vmem>>, vector<1x16xf32>,
        %get3A_237 = vector.shape_cast %get3A_236 : vector<1x16xf32> to vector<16xf32>
        %get3A_238 = arith.index_cast %scan3A_224 : i32 to index
        %get3A_239 = arith.constant 48 : index
        %get3A_240 = tpu.vector_load %arg12[%get3A_238, %get3A_239] {strides = array<i32>} : memref<16x128xf32, #tpu.memory_space<vmem>>, vector<1x16xf32>,
        %get3A_241 = vector.shape_cast %get3A_240 : vector<1x16xf32> to vector<16xf32>
        %get3A_242 = arith.index_cast %scan3A_224 : i32 to index
        %get3A_243 = arith.constant 64 : index
        %get3A_244 = tpu.vector_load %arg12[%get3A_242, %get3A_243] {strides = array<i32>} : memref<16x128xf32, #tpu.memory_space<vmem>>, vector<1x16xf32>,
        %get3A_245 = vector.shape_cast %get3A_244 : vector<1x16xf32> to vector<16xf32>
        %get3A_246 = arith.index_cast %scan3A_224 : i32 to index
        %get3A_247 = arith.constant 80 : index
        %get3A_248 = tpu.vector_load %arg12[%get3A_246, %get3A_247] {strides = array<i32>} : memref<16x128xf32, #tpu.memory_space<vmem>>, vector<1x16xf32>,
        %get3A_249 = vector.shape_cast %get3A_248 : vector<1x16xf32> to vector<16xf32>
        %get3A_250 = arith.index_cast %scan3A_224 : i32 to index
        %get3A_251 = arith.constant 96 : index
        %get3A_252 = tpu.vector_load %arg12[%get3A_250, %get3A_251] {strides = array<i32>} : memref<16x128xf32, #tpu.memory_space<vmem>>, vector<1x16xf32>,
        %get3A_253 = vector.shape_cast %get3A_252 : vector<1x16xf32> to vector<16xf32>
        %get3A_254 = arith.index_cast %scan3A_224 : i32 to index
        %get3A_255 = arith.constant 112 : index
        %get3A_256 = tpu.vector_load %arg12[%get3A_254, %get3A_255] {strides = array<i32>} : memref<16x128xf32, #tpu.memory_space<vmem>>, vector<1x16xf32>,
        %get3A_257 = vector.shape_cast %get3A_256 : vector<1x16xf32> to vector<16xf32>
        %add3A_258 = arith.constant 0 : i32
        %add3A_259 = arith.addi %add3A_258, %scan3A_224 : i32
        %get3A_260 = arith.index_cast %add3A_259 : i32 to index
        %get3A_261 = arith.constant 0 : index
        %get3A_262 = tpu.vector_load %arg10[%get3A_260, %get3A_261] {strides = array<i32>} : memref<16x128xf32, #tpu.memory_space<vmem>>, vector<1x16xf32>,
        %get3A_263 = vector.shape_cast %get3A_262 : vector<1x16xf32> to vector<16xf32>
        %mul3A_264 = arith.mulf %get3A_263, %get3A_229 : vector<16xf32>
        %get3A_265 = arith.index_cast %add3A_259 : i32 to index
        %get3A_266 = arith.constant 16 : index
        %get3A_267 = tpu.vector_load %arg10[%get3A_265, %get3A_266] {strides = array<i32>} : memref<16x128xf32, #tpu.memory_space<vmem>>, vector<1x16xf32>,
        %get3A_268 = vector.shape_cast %get3A_267 : vector<1x16xf32> to vector<16xf32>
        %mul3A_269 = arith.mulf %get3A_268, %get3A_233 : vector<16xf32>
        %get3A_270 = arith.index_cast %add3A_259 : i32 to index
        %get3A_271 = arith.constant 32 : index
        %get3A_272 = tpu.vector_load %arg10[%get3A_270, %get3A_271] {strides = array<i32>} : memref<16x128xf32, #tpu.memory_space<vmem>>, vector<1x16xf32>,
        %get3A_273 = vector.shape_cast %get3A_272 : vector<1x16xf32> to vector<16xf32>
        %mul3A_274 = arith.mulf %get3A_273, %get3A_237 : vector<16xf32>
        %get3A_275 = arith.index_cast %add3A_259 : i32 to index
        %get3A_276 = arith.constant 48 : index
        %get3A_277 = tpu.vector_load %arg10[%get3A_275, %get3A_276] {strides = array<i32>} : memref<16x128xf32, #tpu.memory_space<vmem>>, vector<1x16xf32>,
        %get3A_278 = vector.shape_cast %get3A_277 : vector<1x16xf32> to vector<16xf32>
        %mul3A_279 = arith.mulf %get3A_278, %get3A_241 : vector<16xf32>
        %get3A_280 = arith.index_cast %add3A_259 : i32 to index
        %get3A_281 = arith.constant 64 : index
        %get3A_282 = tpu.vector_load %arg10[%get3A_280, %get3A_281] {strides = array<i32>} : memref<16x128xf32, #tpu.memory_space<vmem>>, vector<1x16xf32>,
        %get3A_283 = vector.shape_cast %get3A_282 : vector<1x16xf32> to vector<16xf32>
        %mul3A_284 = arith.mulf %get3A_283, %get3A_245 : vector<16xf32>
        %get3A_285 = arith.index_cast %add3A_259 : i32 to index
        %get3A_286 = arith.constant 80 : index
        %get3A_287 = tpu.vector_load %arg10[%get3A_285, %get3A_286] {strides = array<i32>} : memref<16x128xf32, #tpu.memory_space<vmem>>, vector<1x16xf32>,
        %get3A_288 = vector.shape_cast %get3A_287 : vector<1x16xf32> to vector<16xf32>
        %mul3A_289 = arith.mulf %get3A_288, %get3A_249 : vector<16xf32>
        %get3A_290 = arith.index_cast %add3A_259 : i32 to index
        %get3A_291 = arith.constant 96 : index
        %get3A_292 = tpu.vector_load %arg10[%get3A_290, %get3A_291] {strides = array<i32>} : memref<16x128xf32, #tpu.memory_space<vmem>>, vector<1x16xf32>,
        %get3A_293 = vector.shape_cast %get3A_292 : vector<1x16xf32> to vector<16xf32>
        %mul3A_294 = arith.mulf %get3A_293, %get3A_253 : vector<16xf32>
        %get3A_295 = arith.index_cast %add3A_259 : i32 to index
        %get3A_296 = arith.constant 112 : index
        %get3A_297 = tpu.vector_load %arg10[%get3A_295, %get3A_296] {strides = array<i32>} : memref<16x128xf32, #tpu.memory_space<vmem>>, vector<1x16xf32>,
        %get3A_298 = vector.shape_cast %get3A_297 : vector<1x16xf32> to vector<16xf32>
        %mul3A_299 = arith.mulf %get3A_298, %get3A_257 : vector<16xf32>
        %add3A_300 = arith.addf %mul3A_264, %mul3A_269 : vector<16xf32>
        %add3A_301 = arith.addf %mul3A_274, %mul3A_279 : vector<16xf32>
        %add3A_302 = arith.addf %mul3A_284, %mul3A_289 : vector<16xf32>
        %add3A_303 = arith.addf %mul3A_294, %mul3A_299 : vector<16xf32>
        %add3A_304 = arith.addf %add3A_300, %add3A_301 : vector<16xf32>
        %add3A_305 = arith.addf %add3A_302, %add3A_303 : vector<16xf32>
        %add3A_306 = arith.addf %add3A_304, %add3A_305 : vector<16xf32>
        %swap3A_307 = arith.index_cast %scan3A_224 : i32 to index
        %swap3A_308 = arith.constant 128 : index
        %swap3A_309 = tpu.vector_load %arg13[%swap3A_307, %swap3A_308] {strides = array<i32>} : memref<16x272xf32, #tpu.memory_space<vmem>>, vector<1x16xf32>,
        %swap3A_310 = vector.shape_cast %swap3A_309 : vector<1x16xf32> to vector<16xf32>
        %swap3A_311 = vector.shape_cast %add3A_306 : vector<16xf32> to vector<1x16xf32>
        tpu.vector_store %arg13[%swap3A_307, %swap3A_308], %swap3A_311 {strides = array<i32>} : memref<16x272xf32, #tpu.memory_space<vmem>>, vector<1x16xf32>,
        %slice3A = vector.extract_strided_slice %scan3A_225 {offsets = [0], sizes = [1], strides = [1]} : vector<16xi32> to vector<1xi32>
        %squeeze3A = vector.extract %slice3A[0] : i32 from vector<1xi32>
        %add3A_312 = arith.constant 100000 : i32
        %add3A_313 = arith.addi %squeeze3A, %add3A_312 : i32
        %shift_right_arithmetic3A_314 = arith.constant 10 : i32
        %shift_right_arithmetic3A_315 = arith.shrsi %add3A_313, %shift_right_arithmetic3A_314 : i32
        %sub3A_316 = arith.constant 1 : i32
        %sub3A_317 = arith.subi %shift_right_arithmetic3A_315, %sub3A_316 : i32
        %max3A_318 = arith.constant 0 : i32
        %max3A_319 = arith.maxsi %sub3A_317, %max3A_318 : i32
        %get3A_320 = arith.index_cast %max3A_319 : i32 to index
        %get3A_321 = arith.constant 0 : index
        %get3A_322 = tpu.vector_load %arg11[%get3A_320, %get3A_321] {strides = array<i32>} : memref<256x128xf32, #tpu.memory_space<vmem>>, vector<1x16xf32>,
        %get3A_323 = vector.shape_cast %get3A_322 : vector<1x16xf32> to vector<16xf32>
        %mul3A_324 = arith.mulf %get3A_323, %get3A_229 : vector<16xf32>
        %get3A_325 = arith.index_cast %max3A_319 : i32 to index
        %get3A_326 = arith.constant 16 : index
        %get3A_327 = tpu.vector_load %arg11[%get3A_325, %get3A_326] {strides = array<i32>} : memref<256x128xf32, #tpu.memory_space<vmem>>, vector<1x16xf32>,
        %get3A_328 = vector.shape_cast %get3A_327 : vector<1x16xf32> to vector<16xf32>
        %mul3A_329 = arith.mulf %get3A_328, %get3A_233 : vector<16xf32>
        %get3A_330 = arith.index_cast %max3A_319 : i32 to index
        %get3A_331 = arith.constant 32 : index
        %get3A_332 = tpu.vector_load %arg11[%get3A_330, %get3A_331] {strides = array<i32>} : memref<256x128xf32, #tpu.memory_space<vmem>>, vector<1x16xf32>,
        %get3A_333 = vector.shape_cast %get3A_332 : vector<1x16xf32> to vector<16xf32>
        %mul3A_334 = arith.mulf %get3A_333, %get3A_237 : vector<16xf32>
        %get3A_335 = arith.index_cast %max3A_319 : i32 to index
        %get3A_336 = arith.constant 48 : index
        %get3A_337 = tpu.vector_load %arg11[%get3A_335, %get3A_336] {strides = array<i32>} : memref<256x128xf32, #tpu.memory_space<vmem>>, vector<1x16xf32>,
        %get3A_338 = vector.shape_cast %get3A_337 : vector<1x16xf32> to vector<16xf32>
        %mul3A_339 = arith.mulf %get3A_338, %get3A_241 : vector<16xf32>
        %get3A_340 = arith.index_cast %max3A_319 : i32 to index
        %get3A_341 = arith.constant 64 : index
        %get3A_342 = tpu.vector_load %arg11[%get3A_340, %get3A_341] {strides = array<i32>} : memref<256x128xf32, #tpu.memory_space<vmem>>, vector<1x16xf32>,
        %get3A_343 = vector.shape_cast %get3A_342 : vector<1x16xf32> to vector<16xf32>
        %mul3A_344 = arith.mulf %get3A_343, %get3A_245 : vector<16xf32>
        %get3A_345 = arith.index_cast %max3A_319 : i32 to index
        %get3A_346 = arith.constant 80 : index
        %get3A_347 = tpu.vector_load %arg11[%get3A_345, %get3A_346] {strides = array<i32>} : memref<256x128xf32, #tpu.memory_space<vmem>>, vector<1x16xf32>,
        %get3A_348 = vector.shape_cast %get3A_347 : vector<1x16xf32> to vector<16xf32>
        %mul3A_349 = arith.mulf %get3A_348, %get3A_249 : vector<16xf32>
        %get3A_350 = arith.index_cast %max3A_319 : i32 to index
        %get3A_351 = arith.constant 96 : index
        %get3A_352 = tpu.vector_load %arg11[%get3A_350, %get3A_351] {strides = array<i32>} : memref<256x128xf32, #tpu.memory_space<vmem>>, vector<1x16xf32>,
        %get3A_353 = vector.shape_cast %get3A_352 : vector<1x16xf32> to vector<16xf32>
        %mul3A_354 = arith.mulf %get3A_353, %get3A_253 : vector<16xf32>
        %get3A_355 = arith.index_cast %max3A_319 : i32 to index
        %get3A_356 = arith.constant 112 : index
        %get3A_357 = tpu.vector_load %arg11[%get3A_355, %get3A_356] {strides = array<i32>} : memref<256x128xf32, #tpu.memory_space<vmem>>, vector<1x16xf32>,
        %get3A_358 = vector.shape_cast %get3A_357 : vector<1x16xf32> to vector<16xf32>
        %mul3A_359 = arith.mulf %get3A_358, %get3A_257 : vector<16xf32>
        %add3A_360 = arith.addf %mul3A_324, %mul3A_329 : vector<16xf32>
        %add3A_361 = arith.addf %mul3A_334, %mul3A_339 : vector<16xf32>
        %add3A_362 = arith.addf %mul3A_344, %mul3A_349 : vector<16xf32>
        %add3A_363 = arith.addf %mul3A_354, %mul3A_359 : vector<16xf32>
        %add3A_364 = arith.addf %add3A_360, %add3A_361 : vector<16xf32>
        %add3A_365 = arith.addf %add3A_362, %add3A_363 : vector<16xf32>
        %add3A_366 = arith.addf %add3A_364, %add3A_365 : vector<16xf32>
        %swap3A_367 = arith.index_cast %scan3A_224 : i32 to index
        %swap3A_368 = arith.constant 144 : index
        %swap3A_369 = tpu.vector_load %arg13[%swap3A_367, %swap3A_368] {strides = array<i32>} : memref<16x272xf32, #tpu.memory_space<vmem>>, vector<1x16xf32>,
        %swap3A_370 = vector.shape_cast %swap3A_369 : vector<1x16xf32> to vector<16xf32>
        %swap3A_371 = vector.shape_cast %add3A_366 : vector<16xf32> to vector<1x16xf32>
        tpu.vector_store %arg13[%swap3A_367, %swap3A_368], %swap3A_371 {strides = array<i32>} : memref<16x272xf32, #tpu.memory_space<vmem>>, vector<1x16xf32>,
        %shift_right_arithmetic3A_372 = arith.constant 11 : i32
        %shift_right_arithmetic3A_373 = arith.shrsi %add3A_313, %shift_right_arithmetic3A_372 : i32
        %sub3A_374 = arith.constant 1 : i32
        %sub3A_375 = arith.subi %shift_right_arithmetic3A_373, %sub3A_374 : i32
        %max3A_376 = arith.constant 0 : i32
        %max3A_377 = arith.maxsi %sub3A_375, %max3A_376 : i32
        %get3A_378 = arith.index_cast %max3A_377 : i32 to index
        %get3A_379 = arith.constant 0 : index
        %get3A_380 = tpu.vector_load %arg11[%get3A_378, %get3A_379] {strides = array<i32>} : memref<256x128xf32, #tpu.memory_space<vmem>>, vector<1x16xf32>,
        %get3A_381 = vector.shape_cast %get3A_380 : vector<1x16xf32> to vector<16xf32>
        %mul3A_382 = arith.mulf %get3A_381, %get3A_229 : vector<16xf32>
        %get3A_383 = arith.index_cast %max3A_377 : i32 to index
        %get3A_384 = arith.constant 16 : index
        %get3A_385 = tpu.vector_load %arg11[%get3A_383, %get3A_384] {strides = array<i32>} : memref<256x128xf32, #tpu.memory_space<vmem>>, vector<1x16xf32>,
        %get3A_386 = vector.shape_cast %get3A_385 : vector<1x16xf32> to vector<16xf32>
        %mul3A_387 = arith.mulf %get3A_386, %get3A_233 : vector<16xf32>
        %get3A_388 = arith.index_cast %max3A_377 : i32 to index
        %get3A_389 = arith.constant 32 : index
        %get3A_390 = tpu.vector_load %arg11[%get3A_388, %get3A_389] {strides = array<i32>} : memref<256x128xf32, #tpu.memory_space<vmem>>, vector<1x16xf32>,
        %get3A_391 = vector.shape_cast %get3A_390 : vector<1x16xf32> to vector<16xf32>
        %mul3A_392 = arith.mulf %get3A_391, %get3A_237 : vector<16xf32>
        %get3A_393 = arith.index_cast %max3A_377 : i32 to index
        %get3A_394 = arith.constant 48 : index
        %get3A_395 = tpu.vector_load %arg11[%get3A_393, %get3A_394] {strides = array<i32>} : memref<256x128xf32, #tpu.memory_space<vmem>>, vector<1x16xf32>,
        %get3A_396 = vector.shape_cast %get3A_395 : vector<1x16xf32> to vector<16xf32>
        %mul3A_397 = arith.mulf %get3A_396, %get3A_241 : vector<16xf32>
        %get3A_398 = arith.index_cast %max3A_377 : i32 to index
        %get3A_399 = arith.constant 64 : index
        %get3A_400 = tpu.vector_load %arg11[%get3A_398, %get3A_399] {strides = array<i32>} : memref<256x128xf32, #tpu.memory_space<vmem>>, vector<1x16xf32>,
        %get3A_401 = vector.shape_cast %get3A_400 : vector<1x16xf32> to vector<16xf32>
        %mul3A_402 = arith.mulf %get3A_401, %get3A_245 : vector<16xf32>
        %get3A_403 = arith.index_cast %max3A_377 : i32 to index
        %get3A_404 = arith.constant 80 : index
        %get3A_405 = tpu.vector_load %arg11[%get3A_403, %get3A_404] {strides = array<i32>} : memref<256x128xf32, #tpu.memory_space<vmem>>, vector<1x16xf32>,
        %get3A_406 = vector.shape_cast %get3A_405 : vector<1x16xf32> to vector<16xf32>
        %mul3A_407 = arith.mulf %get3A_406, %get3A_249 : vector<16xf32>
        %get3A_408 = arith.index_cast %max3A_377 : i32 to index
        %get3A_409 = arith.constant 96 : index
        %get3A_410 = tpu.vector_load %arg11[%get3A_408, %get3A_409] {strides = array<i32>} : memref<256x128xf32, #tpu.memory_space<vmem>>, vector<1x16xf32>,
        %get3A_411 = vector.shape_cast %get3A_410 : vector<1x16xf32> to vector<16xf32>
        %mul3A_412 = arith.mulf %get3A_411, %get3A_253 : vector<16xf32>
        %get3A_413 = arith.index_cast %max3A_377 : i32 to index
        %get3A_414 = arith.constant 112 : index
        %get3A_415 = tpu.vector_load %arg11[%get3A_413, %get3A_414] {strides = array<i32>} : memref<256x128xf32, #tpu.memory_space<vmem>>, vector<1x16xf32>,
        %get3A_416 = vector.shape_cast %get3A_415 : vector<1x16xf32> to vector<16xf32>
        %mul3A_417 = arith.mulf %get3A_416, %get3A_257 : vector<16xf32>
        %add3A_418 = arith.addf %mul3A_382, %mul3A_387 : vector<16xf32>
        %add3A_419 = arith.addf %mul3A_392, %mul3A_397 : vector<16xf32>
        %add3A_420 = arith.addf %mul3A_402, %mul3A_407 : vector<16xf32>
        %add3A_421 = arith.addf %mul3A_412, %mul3A_417 : vector<16xf32>
        %add3A_422 = arith.addf %add3A_418, %add3A_419 : vector<16xf32>
        %add3A_423 = arith.addf %add3A_420, %add3A_421 : vector<16xf32>
        %add3A_424 = arith.addf %add3A_422, %add3A_423 : vector<16xf32>
        %swap3A_425 = arith.index_cast %scan3A_224 : i32 to index
        %swap3A_426 = arith.constant 160 : index
        %swap3A_427 = tpu.vector_load %arg13[%swap3A_425, %swap3A_426] {strides = array<i32>} : memref<16x272xf32, #tpu.memory_space<vmem>>, vector<1x16xf32>,
        %swap3A_428 = vector.shape_cast %swap3A_427 : vector<1x16xf32> to vector<16xf32>
        %swap3A_429 = vector.shape_cast %add3A_424 : vector<16xf32> to vector<1x16xf32>
        tpu.vector_store %arg13[%swap3A_425, %swap3A_426], %swap3A_429 {strides = array<i32>} : memref<16x272xf32, #tpu.memory_space<vmem>>, vector<1x16xf32>,
        %shift_right_arithmetic3A_430 = arith.constant 12 : i32
        %shift_right_arithmetic3A_431 = arith.shrsi %add3A_313, %shift_right_arithmetic3A_430 : i32
        %sub3A_432 = arith.constant 1 : i32
        %sub3A_433 = arith.subi %shift_right_arithmetic3A_431, %sub3A_432 : i32
        %max3A_434 = arith.constant 0 : i32
        %max3A_435 = arith.maxsi %sub3A_433, %max3A_434 : i32
        %get3A_436 = arith.index_cast %max3A_435 : i32 to index
        %get3A_437 = arith.constant 0 : index
        %get3A_438 = tpu.vector_load %arg11[%get3A_436, %get3A_437] {strides = array<i32>} : memref<256x128xf32, #tpu.memory_space<vmem>>, vector<1x16xf32>,
        %get3A_439 = vector.shape_cast %get3A_438 : vector<1x16xf32> to vector<16xf32>
        %mul3A_440 = arith.mulf %get3A_439, %get3A_229 : vector<16xf32>
        %get3A_441 = arith.index_cast %max3A_435 : i32 to index
        %get3A_442 = arith.constant 16 : index
        %get3A_443 = tpu.vector_load %arg11[%get3A_441, %get3A_442] {strides = array<i32>} : memref<256x128xf32, #tpu.memory_space<vmem>>, vector<1x16xf32>,
        %get3A_444 = vector.shape_cast %get3A_443 : vector<1x16xf32> to vector<16xf32>
        %mul3A_445 = arith.mulf %get3A_444, %get3A_233 : vector<16xf32>
        %get3A_446 = arith.index_cast %max3A_435 : i32 to index
        %get3A_447 = arith.constant 32 : index
        %get3A_448 = tpu.vector_load %arg11[%get3A_446, %get3A_447] {strides = array<i32>} : memref<256x128xf32, #tpu.memory_space<vmem>>, vector<1x16xf32>,
        %get3A_449 = vector.shape_cast %get3A_448 : vector<1x16xf32> to vector<16xf32>
        %mul3A_450 = arith.mulf %get3A_449, %get3A_237 : vector<16xf32>
        %get3A_451 = arith.index_cast %max3A_435 : i32 to index
        %get3A_452 = arith.constant 48 : index
        %get3A_453 = tpu.vector_load %arg11[%get3A_451, %get3A_452] {strides = array<i32>} : memref<256x128xf32, #tpu.memory_space<vmem>>, vector<1x16xf32>,
        %get3A_454 = vector.shape_cast %get3A_453 : vector<1x16xf32> to vector<16xf32>
        %mul3A_455 = arith.mulf %get3A_454, %get3A_241 : vector<16xf32>
        %get3A_456 = arith.index_cast %max3A_435 : i32 to index
        %get3A_457 = arith.constant 64 : index
        %get3A_458 = tpu.vector_load %arg11[%get3A_456, %get3A_457] {strides = array<i32>} : memref<256x128xf32, #tpu.memory_space<vmem>>, vector<1x16xf32>,
        %get3A_459 = vector.shape_cast %get3A_458 : vector<1x16xf32> to vector<16xf32>
        %mul3A_460 = arith.mulf %get3A_459, %get3A_245 : vector<16xf32>
        %get3A_461 = arith.index_cast %max3A_435 : i32 to index
        %get3A_462 = arith.constant 80 : index
        %get3A_463 = tpu.vector_load %arg11[%get3A_461, %get3A_462] {strides = array<i32>} : memref<256x128xf32, #tpu.memory_space<vmem>>, vector<1x16xf32>,
        %get3A_464 = vector.shape_cast %get3A_463 : vector<1x16xf32> to vector<16xf32>
        %mul3A_465 = arith.mulf %get3A_464, %get3A_249 : vector<16xf32>
        %get3A_466 = arith.index_cast %max3A_435 : i32 to index
        %get3A_467 = arith.constant 96 : index
        %get3A_468 = tpu.vector_load %arg11[%get3A_466, %get3A_467] {strides = array<i32>} : memref<256x128xf32, #tpu.memory_space<vmem>>, vector<1x16xf32>,
        %get3A_469 = vector.shape_cast %get3A_468 : vector<1x16xf32> to vector<16xf32>
        %mul3A_470 = arith.mulf %get3A_469, %get3A_253 : vector<16xf32>
        %get3A_471 = arith.index_cast %max3A_435 : i32 to index
        %get3A_472 = arith.constant 112 : index
        %get3A_473 = tpu.vector_load %arg11[%get3A_471, %get3A_472] {strides = array<i32>} : memref<256x128xf32, #tpu.memory_space<vmem>>, vector<1x16xf32>,
        %get3A_474 = vector.shape_cast %get3A_473 : vector<1x16xf32> to vector<16xf32>
        %mul3A_475 = arith.mulf %get3A_474, %get3A_257 : vector<16xf32>
        %add3A_476 = arith.addf %mul3A_440, %mul3A_445 : vector<16xf32>
        %add3A_477 = arith.addf %mul3A_450, %mul3A_455 : vector<16xf32>
        %add3A_478 = arith.addf %mul3A_460, %mul3A_465 : vector<16xf32>
        %add3A_479 = arith.addf %mul3A_470, %mul3A_475 : vector<16xf32>
        %add3A_480 = arith.addf %add3A_476, %add3A_477 : vector<16xf32>
        %add3A_481 = arith.addf %add3A_478, %add3A_479 : vector<16xf32>
        %add3A_482 = arith.addf %add3A_480, %add3A_481 : vector<16xf32>
        %swap3A_483 = arith.index_cast %scan3A_224 : i32 to index
        %swap3A_484 = arith.constant 176 : index
        %swap3A_485 = tpu.vector_load %arg13[%swap3A_483, %swap3A_484] {strides = array<i32>} : memref<16x272xf32, #tpu.memory_space<vmem>>, vector<1x16xf32>,
        %swap3A_486 = vector.shape_cast %swap3A_485 : vector<1x16xf32> to vector<16xf32>
        %swap3A_487 = vector.shape_cast %add3A_482 : vector<16xf32> to vector<1x16xf32>
        tpu.vector_store %arg13[%swap3A_483, %swap3A_484], %swap3A_487 {strides = array<i32>} : memref<16x272xf32, #tpu.memory_space<vmem>>, vector<1x16xf32>,
        %shift_right_arithmetic3A_488 = arith.constant 13 : i32
        %shift_right_arithmetic3A_489 = arith.shrsi %add3A_313, %shift_right_arithmetic3A_488 : i32
        %sub3A_490 = arith.constant 1 : i32
        %sub3A_491 = arith.subi %shift_right_arithmetic3A_489, %sub3A_490 : i32
        %max3A_492 = arith.constant 0 : i32
        %max3A_493 = arith.maxsi %sub3A_491, %max3A_492 : i32
        %get3A_494 = arith.index_cast %max3A_493 : i32 to index
        %get3A_495 = arith.constant 0 : index
        %get3A_496 = tpu.vector_load %arg11[%get3A_494, %get3A_495] {strides = array<i32>} : memref<256x128xf32, #tpu.memory_space<vmem>>, vector<1x16xf32>,
        %get3A_497 = vector.shape_cast %get3A_496 : vector<1x16xf32> to vector<16xf32>
        %mul3A_498 = arith.mulf %get3A_497, %get3A_229 : vector<16xf32>
        %get3A_499 = arith.index_cast %max3A_493 : i32 to index
        %get3A_500 = arith.constant 16 : index
        %get3A_501 = tpu.vector_load %arg11[%get3A_499, %get3A_500] {strides = array<i32>} : memref<256x128xf32, #tpu.memory_space<vmem>>, vector<1x16xf32>,
        %get3A_502 = vector.shape_cast %get3A_501 : vector<1x16xf32> to vector<16xf32>
        %mul3A_503 = arith.mulf %get3A_502, %get3A_233 : vector<16xf32>
        %get3A_504 = arith.index_cast %max3A_493 : i32 to index
        %get3A_505 = arith.constant 32 : index
        %get3A_506 = tpu.vector_load %arg11[%get3A_504, %get3A_505] {strides = array<i32>} : memref<256x128xf32, #tpu.memory_space<vmem>>, vector<1x16xf32>,
        %get3A_507 = vector.shape_cast %get3A_506 : vector<1x16xf32> to vector<16xf32>
        %mul3A_508 = arith.mulf %get3A_507, %get3A_237 : vector<16xf32>
        %get3A_509 = arith.index_cast %max3A_493 : i32 to index
        %get3A_510 = arith.constant 48 : index
        %get3A_511 = tpu.vector_load %arg11[%get3A_509, %get3A_510] {strides = array<i32>} : memref<256x128xf32, #tpu.memory_space<vmem>>, vector<1x16xf32>,
        %get3A_512 = vector.shape_cast %get3A_511 : vector<1x16xf32> to vector<16xf32>
        %mul3A_513 = arith.mulf %get3A_512, %get3A_241 : vector<16xf32>
        %get3A_514 = arith.index_cast %max3A_493 : i32 to index
        %get3A_515 = arith.constant 64 : index
        %get3A_516 = tpu.vector_load %arg11[%get3A_514, %get3A_515] {strides = array<i32>} : memref<256x128xf32, #tpu.memory_space<vmem>>, vector<1x16xf32>,
        %get3A_517 = vector.shape_cast %get3A_516 : vector<1x16xf32> to vector<16xf32>
        %mul3A_518 = arith.mulf %get3A_517, %get3A_245 : vector<16xf32>
        %get3A_519 = arith.index_cast %max3A_493 : i32 to index
        %get3A_520 = arith.constant 80 : index
        %get3A_521 = tpu.vector_load %arg11[%get3A_519, %get3A_520] {strides = array<i32>} : memref<256x128xf32, #tpu.memory_space<vmem>>, vector<1x16xf32>,
        %get3A_522 = vector.shape_cast %get3A_521 : vector<1x16xf32> to vector<16xf32>
        %mul3A_523 = arith.mulf %get3A_522, %get3A_249 : vector<16xf32>
        %get3A_524 = arith.index_cast %max3A_493 : i32 to index
        %get3A_525 = arith.constant 96 : index
        %get3A_526 = tpu.vector_load %arg11[%get3A_524, %get3A_525] {strides = array<i32>} : memref<256x128xf32, #tpu.memory_space<vmem>>, vector<1x16xf32>,
        %get3A_527 = vector.shape_cast %get3A_526 : vector<1x16xf32> to vector<16xf32>
        %mul3A_528 = arith.mulf %get3A_527, %get3A_253 : vector<16xf32>
        %get3A_529 = arith.index_cast %max3A_493 : i32 to index
        %get3A_530 = arith.constant 112 : index
        %get3A_531 = tpu.vector_load %arg11[%get3A_529, %get3A_530] {strides = array<i32>} : memref<256x128xf32, #tpu.memory_space<vmem>>, vector<1x16xf32>,
        %get3A_532 = vector.shape_cast %get3A_531 : vector<1x16xf32> to vector<16xf32>
        %mul3A_533 = arith.mulf %get3A_532, %get3A_257 : vector<16xf32>
        %add3A_534 = arith.addf %mul3A_498, %mul3A_503 : vector<16xf32>
        %add3A_535 = arith.addf %mul3A_508, %mul3A_513 : vector<16xf32>
        %add3A_536 = arith.addf %mul3A_518, %mul3A_523 : vector<16xf32>
        %add3A_537 = arith.addf %mul3A_528, %mul3A_533 : vector<16xf32>
        %add3A_538 = arith.addf %add3A_534, %add3A_535 : vector<16xf32>
        %add3A_539 = arith.addf %add3A_536, %add3A_537 : vector<16xf32>
        %add3A_540 = arith.addf %add3A_538, %add3A_539 : vector<16xf32>
        %swap3A_541 = arith.index_cast %scan3A_224 : i32 to index
        %swap3A_542 = arith.constant 192 : index
        %swap3A_543 = tpu.vector_load %arg13[%swap3A_541, %swap3A_542] {strides = array<i32>} : memref<16x272xf32, #tpu.memory_space<vmem>>, vector<1x16xf32>,
        %swap3A_544 = vector.shape_cast %swap3A_543 : vector<1x16xf32> to vector<16xf32>
        %swap3A_545 = vector.shape_cast %add3A_540 : vector<16xf32> to vector<1x16xf32>
        tpu.vector_store %arg13[%swap3A_541, %swap3A_542], %swap3A_545 {strides = array<i32>} : memref<16x272xf32, #tpu.memory_space<vmem>>, vector<1x16xf32>,
        %shift_right_arithmetic3A_546 = arith.constant 14 : i32
        %shift_right_arithmetic3A_547 = arith.shrsi %add3A_313, %shift_right_arithmetic3A_546 : i32
        %sub3A_548 = arith.constant 1 : i32
        %sub3A_549 = arith.subi %shift_right_arithmetic3A_547, %sub3A_548 : i32
        %max3A_550 = arith.constant 0 : i32
        %max3A_551 = arith.maxsi %sub3A_549, %max3A_550 : i32
        %get3A_552 = arith.index_cast %max3A_551 : i32 to index
        %get3A_553 = arith.constant 0 : index
        %get3A_554 = tpu.vector_load %arg11[%get3A_552, %get3A_553] {strides = array<i32>} : memref<256x128xf32, #tpu.memory_space<vmem>>, vector<1x16xf32>,
        %get3A_555 = vector.shape_cast %get3A_554 : vector<1x16xf32> to vector<16xf32>
        %mul3A_556 = arith.mulf %get3A_555, %get3A_229 : vector<16xf32>
        %get3A_557 = arith.index_cast %max3A_551 : i32 to index
        %get3A_558 = arith.constant 16 : index
        %get3A_559 = tpu.vector_load %arg11[%get3A_557, %get3A_558] {strides = array<i32>} : memref<256x128xf32, #tpu.memory_space<vmem>>, vector<1x16xf32>,
        %get3A_560 = vector.shape_cast %get3A_559 : vector<1x16xf32> to vector<16xf32>
        %mul3A_561 = arith.mulf %get3A_560, %get3A_233 : vector<16xf32>
        %get3A_562 = arith.index_cast %max3A_551 : i32 to index
        %get3A_563 = arith.constant 32 : index
        %get3A_564 = tpu.vector_load %arg11[%get3A_562, %get3A_563] {strides = array<i32>} : memref<256x128xf32, #tpu.memory_space<vmem>>, vector<1x16xf32>,
        %get3A_565 = vector.shape_cast %get3A_564 : vector<1x16xf32> to vector<16xf32>
        %mul3A_566 = arith.mulf %get3A_565, %get3A_237 : vector<16xf32>
        %get3A_567 = arith.index_cast %max3A_551 : i32 to index
        %get3A_568 = arith.constant 48 : index
        %get3A_569 = tpu.vector_load %arg11[%get3A_567, %get3A_568] {strides = array<i32>} : memref<256x128xf32, #tpu.memory_space<vmem>>, vector<1x16xf32>,
        %get3A_570 = vector.shape_cast %get3A_569 : vector<1x16xf32> to vector<16xf32>
        %mul3A_571 = arith.mulf %get3A_570, %get3A_241 : vector<16xf32>
        %get3A_572 = arith.index_cast %max3A_551 : i32 to index
        %get3A_573 = arith.constant 64 : index
        %get3A_574 = tpu.vector_load %arg11[%get3A_572, %get3A_573] {strides = array<i32>} : memref<256x128xf32, #tpu.memory_space<vmem>>, vector<1x16xf32>,
        %get3A_575 = vector.shape_cast %get3A_574 : vector<1x16xf32> to vector<16xf32>
        %mul3A_576 = arith.mulf %get3A_575, %get3A_245 : vector<16xf32>
        %get3A_577 = arith.index_cast %max3A_551 : i32 to index
        %get3A_578 = arith.constant 80 : index
        %get3A_579 = tpu.vector_load %arg11[%get3A_577, %get3A_578] {strides = array<i32>} : memref<256x128xf32, #tpu.memory_space<vmem>>, vector<1x16xf32>,
        %get3A_580 = vector.shape_cast %get3A_579 : vector<1x16xf32> to vector<16xf32>
        %mul3A_581 = arith.mulf %get3A_580, %get3A_249 : vector<16xf32>
        %get3A_582 = arith.index_cast %max3A_551 : i32 to index
        %get3A_583 = arith.constant 96 : index
        %get3A_584 = tpu.vector_load %arg11[%get3A_582, %get3A_583] {strides = array<i32>} : memref<256x128xf32, #tpu.memory_space<vmem>>, vector<1x16xf32>,
        %get3A_585 = vector.shape_cast %get3A_584 : vector<1x16xf32> to vector<16xf32>
        %mul3A_586 = arith.mulf %get3A_585, %get3A_253 : vector<16xf32>
        %get3A_587 = arith.index_cast %max3A_551 : i32 to index
        %get3A_588 = arith.constant 112 : index
        %get3A_589 = tpu.vector_load %arg11[%get3A_587, %get3A_588] {strides = array<i32>} : memref<256x128xf32, #tpu.memory_space<vmem>>, vector<1x16xf32>,
        %get3A_590 = vector.shape_cast %get3A_589 : vector<1x16xf32> to vector<16xf32>
        %mul3A_591 = arith.mulf %get3A_590, %get3A_257 : vector<16xf32>
        %add3A_592 = arith.addf %mul3A_556, %mul3A_561 : vector<16xf32>
        %add3A_593 = arith.addf %mul3A_566, %mul3A_571 : vector<16xf32>
        %add3A_594 = arith.addf %mul3A_576, %mul3A_581 : vector<16xf32>
        %add3A_595 = arith.addf %mul3A_586, %mul3A_591 : vector<16xf32>
        %add3A_596 = arith.addf %add3A_592, %add3A_593 : vector<16xf32>
        %add3A_597 = arith.addf %add3A_594, %add3A_595 : vector<16xf32>
        %add3A_598 = arith.addf %add3A_596, %add3A_597 : vector<16xf32>
        %swap3A_599 = arith.index_cast %scan3A_224 : i32 to index
        %swap3A_600 = arith.constant 208 : index
        %swap3A_601 = tpu.vector_load %arg13[%swap3A_599, %swap3A_600] {strides = array<i32>} : memref<16x272xf32, #tpu.memory_space<vmem>>, vector<1x16xf32>,
        %swap3A_602 = vector.shape_cast %swap3A_601 : vector<1x16xf32> to vector<16xf32>
        %swap3A_603 = vector.shape_cast %add3A_598 : vector<16xf32> to vector<1x16xf32>
        tpu.vector_store %arg13[%swap3A_599, %swap3A_600], %swap3A_603 {strides = array<i32>} : memref<16x272xf32, #tpu.memory_space<vmem>>, vector<1x16xf32>,
        %shift_right_arithmetic3A_604 = arith.constant 15 : i32
        %shift_right_arithmetic3A_605 = arith.shrsi %add3A_313, %shift_right_arithmetic3A_604 : i32
        %sub3A_606 = arith.constant 1 : i32
        %sub3A_607 = arith.subi %shift_right_arithmetic3A_605, %sub3A_606 : i32
        %max3A_608 = arith.constant 0 : i32
        %max3A_609 = arith.maxsi %sub3A_607, %max3A_608 : i32
        %get3A_610 = arith.index_cast %max3A_609 : i32 to index
        %get3A_611 = arith.constant 0 : index
        %get3A_612 = tpu.vector_load %arg11[%get3A_610, %get3A_611] {strides = array<i32>} : memref<256x128xf32, #tpu.memory_space<vmem>>, vector<1x16xf32>,
        %get3A_613 = vector.shape_cast %get3A_612 : vector<1x16xf32> to vector<16xf32>
        %mul3A_614 = arith.mulf %get3A_613, %get3A_229 : vector<16xf32>
        %get3A_615 = arith.index_cast %max3A_609 : i32 to index
        %get3A_616 = arith.constant 16 : index
        %get3A_617 = tpu.vector_load %arg11[%get3A_615, %get3A_616] {strides = array<i32>} : memref<256x128xf32, #tpu.memory_space<vmem>>, vector<1x16xf32>,
        %get3A_618 = vector.shape_cast %get3A_617 : vector<1x16xf32> to vector<16xf32>
        %mul3A_619 = arith.mulf %get3A_618, %get3A_233 : vector<16xf32>
        %get3A_620 = arith.index_cast %max3A_609 : i32 to index
        %get3A_621 = arith.constant 32 : index
        %get3A_622 = tpu.vector_load %arg11[%get3A_620, %get3A_621] {strides = array<i32>} : memref<256x128xf32, #tpu.memory_space<vmem>>, vector<1x16xf32>,
        %get3A_623 = vector.shape_cast %get3A_622 : vector<1x16xf32> to vector<16xf32>
        %mul3A_624 = arith.mulf %get3A_623, %get3A_237 : vector<16xf32>
        %get3A_625 = arith.index_cast %max3A_609 : i32 to index
        %get3A_626 = arith.constant 48 : index
        %get3A_627 = tpu.vector_load %arg11[%get3A_625, %get3A_626] {strides = array<i32>} : memref<256x128xf32, #tpu.memory_space<vmem>>, vector<1x16xf32>,
        %get3A_628 = vector.shape_cast %get3A_627 : vector<1x16xf32> to vector<16xf32>
        %mul3A_629 = arith.mulf %get3A_628, %get3A_241 : vector<16xf32>
        %get3A_630 = arith.index_cast %max3A_609 : i32 to index
        %get3A_631 = arith.constant 64 : index
        %get3A_632 = tpu.vector_load %arg11[%get3A_630, %get3A_631] {strides = array<i32>} : memref<256x128xf32, #tpu.memory_space<vmem>>, vector<1x16xf32>,
        %get3A_633 = vector.shape_cast %get3A_632 : vector<1x16xf32> to vector<16xf32>
        %mul3A_634 = arith.mulf %get3A_633, %get3A_245 : vector<16xf32>
        %get3A_635 = arith.index_cast %max3A_609 : i32 to index
        %get3A_636 = arith.constant 80 : index
        %get3A_637 = tpu.vector_load %arg11[%get3A_635, %get3A_636] {strides = array<i32>} : memref<256x128xf32, #tpu.memory_space<vmem>>, vector<1x16xf32>,
        %get3A_638 = vector.shape_cast %get3A_637 : vector<1x16xf32> to vector<16xf32>
        %mul3A_639 = arith.mulf %get3A_638, %get3A_249 : vector<16xf32>
        %get3A_640 = arith.index_cast %max3A_609 : i32 to index
        %get3A_641 = arith.constant 96 : index
        %get3A_642 = tpu.vector_load %arg11[%get3A_640, %get3A_641] {strides = array<i32>} : memref<256x128xf32, #tpu.memory_space<vmem>>, vector<1x16xf32>,
        %get3A_643 = vector.shape_cast %get3A_642 : vector<1x16xf32> to vector<16xf32>
        %mul3A_644 = arith.mulf %get3A_643, %get3A_253 : vector<16xf32>
        %get3A_645 = arith.index_cast %max3A_609 : i32 to index
        %get3A_646 = arith.constant 112 : index
        %get3A_647 = tpu.vector_load %arg11[%get3A_645, %get3A_646] {strides = array<i32>} : memref<256x128xf32, #tpu.memory_space<vmem>>, vector<1x16xf32>,
        %get3A_648 = vector.shape_cast %get3A_647 : vector<1x16xf32> to vector<16xf32>
        %mul3A_649 = arith.mulf %get3A_648, %get3A_257 : vector<16xf32>
        %add3A_650 = arith.addf %mul3A_614, %mul3A_619 : vector<16xf32>
        %add3A_651 = arith.addf %mul3A_624, %mul3A_629 : vector<16xf32>
        %add3A_652 = arith.addf %mul3A_634, %mul3A_639 : vector<16xf32>
        %add3A_653 = arith.addf %mul3A_644, %mul3A_649 : vector<16xf32>
        %add3A_654 = arith.addf %add3A_650, %add3A_651 : vector<16xf32>
        %add3A_655 = arith.addf %add3A_652, %add3A_653 : vector<16xf32>
        %add3A_656 = arith.addf %add3A_654, %add3A_655 : vector<16xf32>
        %swap3A_657 = arith.index_cast %scan3A_224 : i32 to index
        %swap3A_658 = arith.constant 224 : index
        %swap3A_659 = tpu.vector_load %arg13[%swap3A_657, %swap3A_658] {strides = array<i32>} : memref<16x272xf32, #tpu.memory_space<vmem>>, vector<1x16xf32>,
        %swap3A_660 = vector.shape_cast %swap3A_659 : vector<1x16xf32> to vector<16xf32>
        %swap3A_661 = vector.shape_cast %add3A_656 : vector<16xf32> to vector<1x16xf32>
        tpu.vector_store %arg13[%swap3A_657, %swap3A_658], %swap3A_661 {strides = array<i32>} : memref<16x272xf32, #tpu.memory_space<vmem>>, vector<1x16xf32>,
        %shift_right_arithmetic3A_662 = arith.constant 16 : i32
        %shift_right_arithmetic3A_663 = arith.shrsi %add3A_313, %shift_right_arithmetic3A_662 : i32
        %sub3A_664 = arith.constant 1 : i32
        %sub3A_665 = arith.subi %shift_right_arithmetic3A_663, %sub3A_664 : i32
        %max3A_666 = arith.constant 0 : i32
        %max3A_667 = arith.maxsi %sub3A_665, %max3A_666 : i32
        %get3A_668 = arith.index_cast %max3A_667 : i32 to index
        %get3A_669 = arith.constant 0 : index
        %get3A_670 = tpu.vector_load %arg11[%get3A_668, %get3A_669] {strides = array<i32>} : memref<256x128xf32, #tpu.memory_space<vmem>>, vector<1x16xf32>,
        %get3A_671 = vector.shape_cast %get3A_670 : vector<1x16xf32> to vector<16xf32>
        %mul3A_672 = arith.mulf %get3A_671, %get3A_229 : vector<16xf32>
        %get3A_673 = arith.index_cast %max3A_667 : i32 to index
        %get3A_674 = arith.constant 16 : index
        %get3A_675 = tpu.vector_load %arg11[%get3A_673, %get3A_674] {strides = array<i32>} : memref<256x128xf32, #tpu.memory_space<vmem>>, vector<1x16xf32>,
        %get3A_676 = vector.shape_cast %get3A_675 : vector<1x16xf32> to vector<16xf32>
        %mul3A_677 = arith.mulf %get3A_676, %get3A_233 : vector<16xf32>
        %get3A_678 = arith.index_cast %max3A_667 : i32 to index
        %get3A_679 = arith.constant 32 : index
        %get3A_680 = tpu.vector_load %arg11[%get3A_678, %get3A_679] {strides = array<i32>} : memref<256x128xf32, #tpu.memory_space<vmem>>, vector<1x16xf32>,
        %get3A_681 = vector.shape_cast %get3A_680 : vector<1x16xf32> to vector<16xf32>
        %mul3A_682 = arith.mulf %get3A_681, %get3A_237 : vector<16xf32>
        %get3A_683 = arith.index_cast %max3A_667 : i32 to index
        %get3A_684 = arith.constant 48 : index
        %get3A_685 = tpu.vector_load %arg11[%get3A_683, %get3A_684] {strides = array<i32>} : memref<256x128xf32, #tpu.memory_space<vmem>>, vector<1x16xf32>,
        %get3A_686 = vector.shape_cast %get3A_685 : vector<1x16xf32> to vector<16xf32>
        %mul3A_687 = arith.mulf %get3A_686, %get3A_241 : vector<16xf32>
        %get3A_688 = arith.index_cast %max3A_667 : i32 to index
        %get3A_689 = arith.constant 64 : index
        %get3A_690 = tpu.vector_load %arg11[%get3A_688, %get3A_689] {strides = array<i32>} : memref<256x128xf32, #tpu.memory_space<vmem>>, vector<1x16xf32>,
        %get3A_691 = vector.shape_cast %get3A_690 : vector<1x16xf32> to vector<16xf32>
        %mul3A_692 = arith.mulf %get3A_691, %get3A_245 : vector<16xf32>
        %get3A_693 = arith.index_cast %max3A_667 : i32 to index
        %get3A_694 = arith.constant 80 : index
        %get3A_695 = tpu.vector_load %arg11[%get3A_693, %get3A_694] {strides = array<i32>} : memref<256x128xf32, #tpu.memory_space<vmem>>, vector<1x16xf32>,
        %get3A_696 = vector.shape_cast %get3A_695 : vector<1x16xf32> to vector<16xf32>
        %mul3A_697 = arith.mulf %get3A_696, %get3A_249 : vector<16xf32>
        %get3A_698 = arith.index_cast %max3A_667 : i32 to index
        %get3A_699 = arith.constant 96 : index
        %get3A_700 = tpu.vector_load %arg11[%get3A_698, %get3A_699] {strides = array<i32>} : memref<256x128xf32, #tpu.memory_space<vmem>>, vector<1x16xf32>,
        %get3A_701 = vector.shape_cast %get3A_700 : vector<1x16xf32> to vector<16xf32>
        %mul3A_702 = arith.mulf %get3A_701, %get3A_253 : vector<16xf32>
        %get3A_703 = arith.index_cast %max3A_667 : i32 to index
        %get3A_704 = arith.constant 112 : index
        %get3A_705 = tpu.vector_load %arg11[%get3A_703, %get3A_704] {strides = array<i32>} : memref<256x128xf32, #tpu.memory_space<vmem>>, vector<1x16xf32>,
        %get3A_706 = vector.shape_cast %get3A_705 : vector<1x16xf32> to vector<16xf32>
        %mul3A_707 = arith.mulf %get3A_706, %get3A_257 : vector<16xf32>
        %add3A_708 = arith.addf %mul3A_672, %mul3A_677 : vector<16xf32>
        %add3A_709 = arith.addf %mul3A_682, %mul3A_687 : vector<16xf32>
        %add3A_710 = arith.addf %mul3A_692, %mul3A_697 : vector<16xf32>
        %add3A_711 = arith.addf %mul3A_702, %mul3A_707 : vector<16xf32>
        %add3A_712 = arith.addf %add3A_708, %add3A_709 : vector<16xf32>
        %add3A_713 = arith.addf %add3A_710, %add3A_711 : vector<16xf32>
        %add3A_714 = arith.addf %add3A_712, %add3A_713 : vector<16xf32>
        %swap3A_715 = arith.index_cast %scan3A_224 : i32 to index
        %swap3A_716 = arith.constant 240 : index
        %swap3A_717 = tpu.vector_load %arg13[%swap3A_715, %swap3A_716] {strides = array<i32>} : memref<16x272xf32, #tpu.memory_space<vmem>>, vector<1x16xf32>,
        %swap3A_718 = vector.shape_cast %swap3A_717 : vector<1x16xf32> to vector<16xf32>
        %swap3A_719 = vector.shape_cast %add3A_714 : vector<16xf32> to vector<1x16xf32>
        tpu.vector_store %arg13[%swap3A_715, %swap3A_716], %swap3A_719 {strides = array<i32>} : memref<16x272xf32, #tpu.memory_space<vmem>>, vector<1x16xf32>,
        %shift_right_arithmetic3A_720 = arith.constant 17 : i32
        %shift_right_arithmetic3A_721 = arith.shrsi %add3A_313, %shift_right_arithmetic3A_720 : i32
        %sub3A_722 = arith.constant 1 : i32
        %sub3A_723 = arith.subi %shift_right_arithmetic3A_721, %sub3A_722 : i32
        %max3A_724 = arith.constant 0 : i32
        %max3A_725 = arith.maxsi %sub3A_723, %max3A_724 : i32
        %get3A_726 = arith.index_cast %max3A_725 : i32 to index
        %get3A_727 = arith.constant 0 : index
        %get3A_728 = tpu.vector_load %arg11[%get3A_726, %get3A_727] {strides = array<i32>} : memref<256x128xf32, #tpu.memory_space<vmem>>, vector<1x16xf32>,
        %get3A_729 = vector.shape_cast %get3A_728 : vector<1x16xf32> to vector<16xf32>
        %mul3A_730 = arith.mulf %get3A_729, %get3A_229 : vector<16xf32>
        %get3A_731 = arith.index_cast %max3A_725 : i32 to index
        %get3A_732 = arith.constant 16 : index
        %get3A_733 = tpu.vector_load %arg11[%get3A_731, %get3A_732] {strides = array<i32>} : memref<256x128xf32, #tpu.memory_space<vmem>>, vector<1x16xf32>,
        %get3A_734 = vector.shape_cast %get3A_733 : vector<1x16xf32> to vector<16xf32>
        %mul3A_735 = arith.mulf %get3A_734, %get3A_233 : vector<16xf32>
        %get3A_736 = arith.index_cast %max3A_725 : i32 to index
        %get3A_737 = arith.constant 32 : index
        %get3A_738 = tpu.vector_load %arg11[%get3A_736, %get3A_737] {strides = array<i32>} : memref<256x128xf32, #tpu.memory_space<vmem>>, vector<1x16xf32>,
        %get3A_739 = vector.shape_cast %get3A_738 : vector<1x16xf32> to vector<16xf32>
        %mul3A_740 = arith.mulf %get3A_739, %get3A_237 : vector<16xf32>
        %get3A_741 = arith.index_cast %max3A_725 : i32 to index
        %get3A_742 = arith.constant 48 : index
        %get3A_743 = tpu.vector_load %arg11[%get3A_741, %get3A_742] {strides = array<i32>} : memref<256x128xf32, #tpu.memory_space<vmem>>, vector<1x16xf32>,
        %get3A_744 = vector.shape_cast %get3A_743 : vector<1x16xf32> to vector<16xf32>
        %mul3A_745 = arith.mulf %get3A_744, %get3A_241 : vector<16xf32>
        %get3A_746 = arith.index_cast %max3A_725 : i32 to index
        %get3A_747 = arith.constant 64 : index
        %get3A_748 = tpu.vector_load %arg11[%get3A_746, %get3A_747] {strides = array<i32>} : memref<256x128xf32, #tpu.memory_space<vmem>>, vector<1x16xf32>,
        %get3A_749 = vector.shape_cast %get3A_748 : vector<1x16xf32> to vector<16xf32>
        %mul3A_750 = arith.mulf %get3A_749, %get3A_245 : vector<16xf32>
        %get3A_751 = arith.index_cast %max3A_725 : i32 to index
        %get3A_752 = arith.constant 80 : index
        %get3A_753 = tpu.vector_load %arg11[%get3A_751, %get3A_752] {strides = array<i32>} : memref<256x128xf32, #tpu.memory_space<vmem>>, vector<1x16xf32>,
        %get3A_754 = vector.shape_cast %get3A_753 : vector<1x16xf32> to vector<16xf32>
        %mul3A_755 = arith.mulf %get3A_754, %get3A_249 : vector<16xf32>
        %get3A_756 = arith.index_cast %max3A_725 : i32 to index
        %get3A_757 = arith.constant 96 : index
        %get3A_758 = tpu.vector_load %arg11[%get3A_756, %get3A_757] {strides = array<i32>} : memref<256x128xf32, #tpu.memory_space<vmem>>, vector<1x16xf32>,
        %get3A_759 = vector.shape_cast %get3A_758 : vector<1x16xf32> to vector<16xf32>
        %mul3A_760 = arith.mulf %get3A_759, %get3A_253 : vector<16xf32>
        %get3A_761 = arith.index_cast %max3A_725 : i32 to index
        %get3A_762 = arith.constant 112 : index
        %get3A_763 = tpu.vector_load %arg11[%get3A_761, %get3A_762] {strides = array<i32>} : memref<256x128xf32, #tpu.memory_space<vmem>>, vector<1x16xf32>,
        %get3A_764 = vector.shape_cast %get3A_763 : vector<1x16xf32> to vector<16xf32>
        %mul3A_765 = arith.mulf %get3A_764, %get3A_257 : vector<16xf32>
        %add3A_766 = arith.addf %mul3A_730, %mul3A_735 : vector<16xf32>
        %add3A_767 = arith.addf %mul3A_740, %mul3A_745 : vector<16xf32>
        %add3A_768 = arith.addf %mul3A_750, %mul3A_755 : vector<16xf32>
        %add3A_769 = arith.addf %mul3A_760, %mul3A_765 : vector<16xf32>
        %add3A_770 = arith.addf %add3A_766, %add3A_767 : vector<16xf32>
        %add3A_771 = arith.addf %add3A_768, %add3A_769 : vector<16xf32>
        %add3A_772 = arith.addf %add3A_770, %add3A_771 : vector<16xf32>
        %swap3A_773 = arith.index_cast %scan3A_224 : i32 to index
        %swap3A_774 = arith.constant 256 : index
        %swap3A_775 = tpu.vector_load %arg13[%swap3A_773, %swap3A_774] {strides = array<i32>} : memref<16x272xf32, #tpu.memory_space<vmem>>, vector<1x16xf32>,
        %swap3A_776 = vector.shape_cast %swap3A_775 : vector<1x16xf32> to vector<16xf32>
        %swap3A_777 = vector.shape_cast %add3A_772 : vector<16xf32> to vector<1x16xf32>
        tpu.vector_store %arg13[%swap3A_773, %swap3A_774], %swap3A_777 {strides = array<i32>} : memref<16x272xf32, #tpu.memory_space<vmem>>, vector<1x16xf32>,
        %lt3A_778 = arith.constant 0 : i32
        %lt3A_779 = vector.broadcast %lt3A_778 : i32 to vector<16xi32>
        %lt3A_780 = arith.cmpi slt, %select_n3A_180, %lt3A_779 : vector<16xi32>
        %add3A_781 = arith.constant 16 : i32
        %add3A_782 = vector.broadcast %add3A_781 : i32 to vector<16xi32>
        %add3A_783 = arith.addi %select_n3A_180, %add3A_782 : vector<16xi32>
        %select_n3A_784 = arith.select %lt3A_780, %add3A_783, %select_n3A_180 : vector<16xi1>, vector<16xi32>
        %broadcast_in_dim3A = vector.shape_cast %select_n3A_784 : vector<16xi32> to vector<16x1xi32>
        %gather3A = vector.shape_cast %broadcast_in_dim3A : vector<16x1xi32> to vector<16xi32>
        %gather3A_785 = tpu.dynamic_gather %scan3A_225[%gather3A] in [0] : vector<16xi32>, vector<16xi32> -> vector<16xi32>
        scf.yield %gather3A_785 : vector<16xi32>
      }
      %scan3A_213 = arith.constant 16 : i32
      %add3A_214 = arith.constant 1 : i32
      %add3A_215 = arith.addi %scan3A_157, %add3A_214 : i32
      %lt3A_216 = arith.constant 8 : i32
      %lt3A_217 = arith.cmpi slt, %add3A_215, %lt3A_216 : i32
      %convert_element_type3A_218 = arith.extui %lt3A_217 : i1 to i32
      %cond3A_219 = arith.constant 0 : i32
      %cond3A_220 = arith.cmpi ne, %convert_element_type3A_218, %cond3A_219 : i32
      scf.if %cond3A_220 {
        %sub3A_224 = arith.constant 1 : i32
        %sub3A_225 = arith.subi %sub3A_224, %and3A_158 : i32
        %dma_start3A_226 = arith.constant 0 : i32
        %dma_start3A_227 = tpu.memref_slice %arg8[%sub3A_225, %dma_start3A_226] : memref<2x16xi32, #tpu.memory_space<vmem>> -> memref<1x16xi32, #tpu.memory_space<vmem>>
        %dma_start3A_228 = tpu.memref_squeeze %dma_start3A_227 : memref<1x16xi32, #tpu.memory_space<vmem>> -> memref<16xi32, #tpu.memory_space<vmem>>
        %dma_start3A_229 = arith.constant 0 : i32
        %dma_start3A_230 = arith.constant 0 : i32
        %dma_start3A_231 = tpu.memref_slice %arg4[%dma_start3A_229, %dma_start3A_230] : memref<99999x128xf32, #tpu.memory_space<hbm>> -> memref<99999x128xf32, #tpu.memory_space<hbm>>
        tpu.enqueue_indirect_dma source(%dma_start3A_231 : memref<99999x128xf32, #tpu.memory_space<hbm>>) target(%arg10 : memref<16x128xf32, #tpu.memory_space<vmem>>) offsets(%dma_start3A_228 : memref<16xi32, #tpu.memory_space<vmem>>) semaphore(%arg15 : memref<!tpu.dma_semaphore, #tpu.memory_space<semaphore_mem>>)
      } else {
      }
      %mul3A_221 = arith.constant 16 : i32
      %mul3A_222 = arith.muli %scan3A_157, %mul3A_221 : i32
      %add3A_223 = arith.addi %mul3A_2, %mul3A_222 : i32
      "tpu.region"() ({
        %run_scoped3A = tpu.sem_alloc : memref<!tpu.dma_semaphore, #tpu.memory_space<semaphore_mem>>
        %dma_start3A_224 = arith.constant 0 : i32
        %dma_start3A_225 = tpu.memref_slice %arg5[%add3A_223, %dma_start3A_224] : memref<4096x272xf32, #tpu.memory_space<hbm>> -> memref<16x272xf32, #tpu.memory_space<hbm>>
        %dma_start3A_226 = arith.constant 0 : i32
        %dma_start3A_227 = tpu.memref_slice %arg5[%add3A_223, %dma_start3A_226] : memref<4096x272xf32, #tpu.memory_space<hbm>> -> memref<16x272xf32, #tpu.memory_space<hbm>>
        tpu.enqueue_dma source(%arg13 : memref<16x272xf32, #tpu.memory_space<vmem>>) target(%dma_start3A_227 : memref<16x272xf32, #tpu.memory_space<hbm>>) target_semaphore(%run_scoped3A : memref<!tpu.dma_semaphore, #tpu.memory_space<semaphore_mem>>)
        %dma_wait3A_228 = arith.constant 0 : i32
        %dma_wait3A_229 = tpu.memref_slice %arg5[%add3A_223, %dma_wait3A_228] : memref<4096x272xf32, #tpu.memory_space<hbm>> -> memref<16x272xf32, #tpu.memory_space<hbm>>
        %dma_wait3A_230 = arith.constant 0 : i32
        %dma_wait3A_231 = tpu.memref_slice %arg5[%add3A_223, %dma_wait3A_230] : memref<4096x272xf32, #tpu.memory_space<hbm>> -> memref<16x272xf32, #tpu.memory_space<hbm>>
        tpu.wait_dma2 semaphore(%run_scoped3A : memref<!tpu.dma_semaphore, #tpu.memory_space<semaphore_mem>>) src(%arg13 : memref<16x272xf32, #tpu.memory_space<vmem>>) dst(%dma_wait3A_231 : memref<16x272xf32, #tpu.memory_space<hbm>>)
        tpu.yield
      }) : () -> ()
    }
    %scan3A_156 = arith.constant 8 : i32
    return
  }
}

module attributes {stable_mosaic.version = 14 : i64} {
  func.func @body(%arg0: i32, %arg1: memref<2048x272xf32, #tpu.memory_space<vmem>>, %arg2: memref<2048x1xi32, #tpu.memory_space<vmem>>, %arg3: memref<272x17xf32, #tpu.memory_space<vmem>>, %arg4: memref<2048xf32, #tpu.memory_space<vmem>>) attributes {dimension_semantics = [#tpu.dimension_semantics<arbitrary>], iteration_bounds = array<i64: 2>, scalar_prefetch = 0 : i64, scratch_operands = 0 : i64, tpu.core_type = #tpu.core_type<tc>, window_params = [{transform_indices = @transform_0, window_bounds = array<i64: 2048, 272>}, {transform_indices = @transform_1, window_bounds = array<i64: 2048, 1>}, {pipeline_mode = #tpu.pipeline_mode<synchronous>, transform_indices = @transform_2, window_bounds = array<i64: 272, 17>}, {transform_indices = @transform_3, window_bounds = array<i64: 2048>}]} {
    %get3A = arith.constant 0 : index
    %get3A_0 = arith.constant 0 : index
    %get3A_1 = vector.load %arg1[%get3A, %get3A_0] : memref<2048x272xf32, #tpu.memory_space<vmem>>, vector<2048x272xf32>
    %get3A_2 = arith.constant 0 : index
    %get3A_3 = arith.constant 0 : index
    %get3A_4 = vector.load %arg3[%get3A_2, %get3A_3] : memref<272x17xf32, #tpu.memory_space<vmem>>, vector<272x17xf32>
    %dot_general3A = arith.constant dense<0.000000e+00> : vector<2048x17xf32>
    %dot_general3A_5 = tpu.matmul %get3A_1, %get3A_4, %dot_general3A {dimension_numbers = #tpu.dot_dimension_numbers<[1], [0], [0], [1], [0, 0, 1, 1], [], []>, transpose_lhs_hint = false} : vector<2048x272xf32>, vector<272x17xf32>, vector<2048x17xf32> -> vector<2048x17xf32>
    %get3A_6 = arith.constant 0 : index
    %get3A_7 = arith.constant 0 : index
    %get3A_8 = vector.load %arg2[%get3A_6, %get3A_7] : memref<2048x1xi32, #tpu.memory_space<vmem>>, vector<2048x1xi32>
    %add3A = arith.constant 99999 : i32
    %add3A_9 = vector.broadcast %add3A : i32 to vector<2048x1xi32>
    %add3A_10 = arith.addi %get3A_8, %add3A_9 : vector<2048x1xi32>
    %gt3A = arith.constant 0 : i32
    %gt3A_11 = vector.broadcast %gt3A : i32 to vector<2048x1xi32>
    %gt3A_12 = arith.cmpi sgt, %add3A_10, %gt3A_11 : vector<2048x1xi32>
    %sub3A = arith.constant 1 : i32
    %sub3A_13 = vector.broadcast %sub3A : i32 to vector<2048x1xi32>
    %sub3A_14 = arith.subi %add3A_10, %sub3A_13 : vector<2048x1xi32>
    %and3A = arith.constant 1 : i32
    %and3A_15 = vector.broadcast %and3A : i32 to vector<2048x1xi32>
    %and3A_16 = arith.andi %sub3A_14, %and3A_15 : vector<2048x1xi32>
    %mul3A = arith.constant 2 : i32
    %mul3A_17 = vector.broadcast %mul3A : i32 to vector<2048x1xi32>
    %mul3A_18 = arith.muli %mul3A_17, %and3A_16 : vector<2048x1xi32>
    %sub3A_19 = arith.constant 1 : i32
    %sub3A_20 = vector.broadcast %sub3A_19 : i32 to vector<2048x1xi32>
    %sub3A_21 = arith.subi %sub3A_20, %mul3A_18 : vector<2048x1xi32>
    %convert_element_type3A = arith.sitofp %sub3A_21 : vector<2048x1xi32> to vector<2048x1xf32>
    %convert_element_type3A_22 = arith.extui %gt3A_12 : vector<2048x1xi1> to vector<2048x1xi32>
    %convert_element_type3A_23 = arith.sitofp %convert_element_type3A_22 : vector<2048x1xi32> to vector<2048x1xf32>
    %shift_right_arithmetic3A = arith.constant 1 : i32
    %shift_right_arithmetic3A_24 = vector.broadcast %shift_right_arithmetic3A : i32 to vector<2048x1xi32>
    %shift_right_arithmetic3A_25 = arith.shrsi %sub3A_14, %shift_right_arithmetic3A_24 : vector<2048x1xi32>
    %jit3A = arith.constant 0 : i32
    %broadcast_in_dim3A = vector.broadcast %jit3A : i32 to vector<2048x1xi32>
    %select_n3A = arith.select %gt3A_12, %shift_right_arithmetic3A_25, %broadcast_in_dim3A : vector<2048x1xi1>, vector<2048x1xi32>
    %gt3A_26 = arith.constant 0 : i32
    %gt3A_27 = vector.broadcast %gt3A_26 : i32 to vector<2048x1xi32>
    %gt3A_28 = arith.cmpi sgt, %select_n3A, %gt3A_27 : vector<2048x1xi32>
    %sub3A_29 = arith.constant 1 : i32
    %sub3A_30 = vector.broadcast %sub3A_29 : i32 to vector<2048x1xi32>
    %sub3A_31 = arith.subi %select_n3A, %sub3A_30 : vector<2048x1xi32>
    %and3A_32 = arith.constant 1 : i32
    %and3A_33 = vector.broadcast %and3A_32 : i32 to vector<2048x1xi32>
    %and3A_34 = arith.andi %sub3A_31, %and3A_33 : vector<2048x1xi32>
    %mul3A_35 = arith.constant 2 : i32
    %mul3A_36 = vector.broadcast %mul3A_35 : i32 to vector<2048x1xi32>
    %mul3A_37 = arith.muli %mul3A_36, %and3A_34 : vector<2048x1xi32>
    %sub3A_38 = arith.constant 1 : i32
    %sub3A_39 = vector.broadcast %sub3A_38 : i32 to vector<2048x1xi32>
    %sub3A_40 = arith.subi %sub3A_39, %mul3A_37 : vector<2048x1xi32>
    %convert_element_type3A_41 = arith.sitofp %sub3A_40 : vector<2048x1xi32> to vector<2048x1xf32>
    %convert_element_type3A_42 = arith.extui %gt3A_28 : vector<2048x1xi1> to vector<2048x1xi32>
    %convert_element_type3A_43 = arith.sitofp %convert_element_type3A_42 : vector<2048x1xi32> to vector<2048x1xf32>
    %shift_right_arithmetic3A_44 = arith.constant 1 : i32
    %shift_right_arithmetic3A_45 = vector.broadcast %shift_right_arithmetic3A_44 : i32 to vector<2048x1xi32>
    %shift_right_arithmetic3A_46 = arith.shrsi %sub3A_31, %shift_right_arithmetic3A_45 : vector<2048x1xi32>
    %jit3A_47 = arith.constant 0 : i32
    %broadcast_in_dim3A_48 = vector.broadcast %jit3A_47 : i32 to vector<2048x1xi32>
    %select_n3A_49 = arith.select %gt3A_28, %shift_right_arithmetic3A_46, %broadcast_in_dim3A_48 : vector<2048x1xi1>, vector<2048x1xi32>
    %gt3A_50 = arith.constant 0 : i32
    %gt3A_51 = vector.broadcast %gt3A_50 : i32 to vector<2048x1xi32>
    %gt3A_52 = arith.cmpi sgt, %select_n3A_49, %gt3A_51 : vector<2048x1xi32>
    %sub3A_53 = arith.constant 1 : i32
    %sub3A_54 = vector.broadcast %sub3A_53 : i32 to vector<2048x1xi32>
    %sub3A_55 = arith.subi %select_n3A_49, %sub3A_54 : vector<2048x1xi32>
    %and3A_56 = arith.constant 1 : i32
    %and3A_57 = vector.broadcast %and3A_56 : i32 to vector<2048x1xi32>
    %and3A_58 = arith.andi %sub3A_55, %and3A_57 : vector<2048x1xi32>
    %mul3A_59 = arith.constant 2 : i32
    %mul3A_60 = vector.broadcast %mul3A_59 : i32 to vector<2048x1xi32>
    %mul3A_61 = arith.muli %mul3A_60, %and3A_58 : vector<2048x1xi32>
    %sub3A_62 = arith.constant 1 : i32
    %sub3A_63 = vector.broadcast %sub3A_62 : i32 to vector<2048x1xi32>
    %sub3A_64 = arith.subi %sub3A_63, %mul3A_61 : vector<2048x1xi32>
    %convert_element_type3A_65 = arith.sitofp %sub3A_64 : vector<2048x1xi32> to vector<2048x1xf32>
    %convert_element_type3A_66 = arith.extui %gt3A_52 : vector<2048x1xi1> to vector<2048x1xi32>
    %convert_element_type3A_67 = arith.sitofp %convert_element_type3A_66 : vector<2048x1xi32> to vector<2048x1xf32>
    %shift_right_arithmetic3A_68 = arith.constant 1 : i32
    %shift_right_arithmetic3A_69 = vector.broadcast %shift_right_arithmetic3A_68 : i32 to vector<2048x1xi32>
    %shift_right_arithmetic3A_70 = arith.shrsi %sub3A_55, %shift_right_arithmetic3A_69 : vector<2048x1xi32>
    %jit3A_71 = arith.constant 0 : i32
    %broadcast_in_dim3A_72 = vector.broadcast %jit3A_71 : i32 to vector<2048x1xi32>
    %select_n3A_73 = arith.select %gt3A_52, %shift_right_arithmetic3A_70, %broadcast_in_dim3A_72 : vector<2048x1xi1>, vector<2048x1xi32>
    %gt3A_74 = arith.constant 0 : i32
    %gt3A_75 = vector.broadcast %gt3A_74 : i32 to vector<2048x1xi32>
    %gt3A_76 = arith.cmpi sgt, %select_n3A_73, %gt3A_75 : vector<2048x1xi32>
    %sub3A_77 = arith.constant 1 : i32
    %sub3A_78 = vector.broadcast %sub3A_77 : i32 to vector<2048x1xi32>
    %sub3A_79 = arith.subi %select_n3A_73, %sub3A_78 : vector<2048x1xi32>
    %and3A_80 = arith.constant 1 : i32
    %and3A_81 = vector.broadcast %and3A_80 : i32 to vector<2048x1xi32>
    %and3A_82 = arith.andi %sub3A_79, %and3A_81 : vector<2048x1xi32>
    %mul3A_83 = arith.constant 2 : i32
    %mul3A_84 = vector.broadcast %mul3A_83 : i32 to vector<2048x1xi32>
    %mul3A_85 = arith.muli %mul3A_84, %and3A_82 : vector<2048x1xi32>
    %sub3A_86 = arith.constant 1 : i32
    %sub3A_87 = vector.broadcast %sub3A_86 : i32 to vector<2048x1xi32>
    %sub3A_88 = arith.subi %sub3A_87, %mul3A_85 : vector<2048x1xi32>
    %convert_element_type3A_89 = arith.sitofp %sub3A_88 : vector<2048x1xi32> to vector<2048x1xf32>
    %convert_element_type3A_90 = arith.extui %gt3A_76 : vector<2048x1xi1> to vector<2048x1xi32>
    %convert_element_type3A_91 = arith.sitofp %convert_element_type3A_90 : vector<2048x1xi32> to vector<2048x1xf32>
    %shift_right_arithmetic3A_92 = arith.constant 1 : i32
    %shift_right_arithmetic3A_93 = vector.broadcast %shift_right_arithmetic3A_92 : i32 to vector<2048x1xi32>
    %shift_right_arithmetic3A_94 = arith.shrsi %sub3A_79, %shift_right_arithmetic3A_93 : vector<2048x1xi32>
    %jit3A_95 = arith.constant 0 : i32
    %broadcast_in_dim3A_96 = vector.broadcast %jit3A_95 : i32 to vector<2048x1xi32>
    %select_n3A_97 = arith.select %gt3A_76, %shift_right_arithmetic3A_94, %broadcast_in_dim3A_96 : vector<2048x1xi1>, vector<2048x1xi32>
    %gt3A_98 = arith.constant 0 : i32
    %gt3A_99 = vector.broadcast %gt3A_98 : i32 to vector<2048x1xi32>
    %gt3A_100 = arith.cmpi sgt, %select_n3A_97, %gt3A_99 : vector<2048x1xi32>
    %sub3A_101 = arith.constant 1 : i32
    %sub3A_102 = vector.broadcast %sub3A_101 : i32 to vector<2048x1xi32>
    %sub3A_103 = arith.subi %select_n3A_97, %sub3A_102 : vector<2048x1xi32>
    %and3A_104 = arith.constant 1 : i32
    %and3A_105 = vector.broadcast %and3A_104 : i32 to vector<2048x1xi32>
    %and3A_106 = arith.andi %sub3A_103, %and3A_105 : vector<2048x1xi32>
    %mul3A_107 = arith.constant 2 : i32
    %mul3A_108 = vector.broadcast %mul3A_107 : i32 to vector<2048x1xi32>
    %mul3A_109 = arith.muli %mul3A_108, %and3A_106 : vector<2048x1xi32>
    %sub3A_110 = arith.constant 1 : i32
    %sub3A_111 = vector.broadcast %sub3A_110 : i32 to vector<2048x1xi32>
    %sub3A_112 = arith.subi %sub3A_111, %mul3A_109 : vector<2048x1xi32>
    %convert_element_type3A_113 = arith.sitofp %sub3A_112 : vector<2048x1xi32> to vector<2048x1xf32>
    %convert_element_type3A_114 = arith.extui %gt3A_100 : vector<2048x1xi1> to vector<2048x1xi32>
    %convert_element_type3A_115 = arith.sitofp %convert_element_type3A_114 : vector<2048x1xi32> to vector<2048x1xf32>
    %shift_right_arithmetic3A_116 = arith.constant 1 : i32
    %shift_right_arithmetic3A_117 = vector.broadcast %shift_right_arithmetic3A_116 : i32 to vector<2048x1xi32>
    %shift_right_arithmetic3A_118 = arith.shrsi %sub3A_103, %shift_right_arithmetic3A_117 : vector<2048x1xi32>
    %jit3A_119 = arith.constant 0 : i32
    %broadcast_in_dim3A_120 = vector.broadcast %jit3A_119 : i32 to vector<2048x1xi32>
    %select_n3A_121 = arith.select %gt3A_100, %shift_right_arithmetic3A_118, %broadcast_in_dim3A_120 : vector<2048x1xi1>, vector<2048x1xi32>
    %gt3A_122 = arith.constant 0 : i32
    %gt3A_123 = vector.broadcast %gt3A_122 : i32 to vector<2048x1xi32>
    %gt3A_124 = arith.cmpi sgt, %select_n3A_121, %gt3A_123 : vector<2048x1xi32>
    %sub3A_125 = arith.constant 1 : i32
    %sub3A_126 = vector.broadcast %sub3A_125 : i32 to vector<2048x1xi32>
    %sub3A_127 = arith.subi %select_n3A_121, %sub3A_126 : vector<2048x1xi32>
    %and3A_128 = arith.constant 1 : i32
    %and3A_129 = vector.broadcast %and3A_128 : i32 to vector<2048x1xi32>
    %and3A_130 = arith.andi %sub3A_127, %and3A_129 : vector<2048x1xi32>
    %mul3A_131 = arith.constant 2 : i32
    %mul3A_132 = vector.broadcast %mul3A_131 : i32 to vector<2048x1xi32>
    %mul3A_133 = arith.muli %mul3A_132, %and3A_130 : vector<2048x1xi32>
    %sub3A_134 = arith.constant 1 : i32
    %sub3A_135 = vector.broadcast %sub3A_134 : i32 to vector<2048x1xi32>
    %sub3A_136 = arith.subi %sub3A_135, %mul3A_133 : vector<2048x1xi32>
    %convert_element_type3A_137 = arith.sitofp %sub3A_136 : vector<2048x1xi32> to vector<2048x1xf32>
    %convert_element_type3A_138 = arith.extui %gt3A_124 : vector<2048x1xi1> to vector<2048x1xi32>
    %convert_element_type3A_139 = arith.sitofp %convert_element_type3A_138 : vector<2048x1xi32> to vector<2048x1xf32>
    %shift_right_arithmetic3A_140 = arith.constant 1 : i32
    %shift_right_arithmetic3A_141 = vector.broadcast %shift_right_arithmetic3A_140 : i32 to vector<2048x1xi32>
    %shift_right_arithmetic3A_142 = arith.shrsi %sub3A_127, %shift_right_arithmetic3A_141 : vector<2048x1xi32>
    %jit3A_143 = arith.constant 0 : i32
    %broadcast_in_dim3A_144 = vector.broadcast %jit3A_143 : i32 to vector<2048x1xi32>
    %select_n3A_145 = arith.select %gt3A_124, %shift_right_arithmetic3A_142, %broadcast_in_dim3A_144 : vector<2048x1xi1>, vector<2048x1xi32>
    %gt3A_146 = arith.constant 0 : i32
    %gt3A_147 = vector.broadcast %gt3A_146 : i32 to vector<2048x1xi32>
    %gt3A_148 = arith.cmpi sgt, %select_n3A_145, %gt3A_147 : vector<2048x1xi32>
    %sub3A_149 = arith.constant 1 : i32
    %sub3A_150 = vector.broadcast %sub3A_149 : i32 to vector<2048x1xi32>
    %sub3A_151 = arith.subi %select_n3A_145, %sub3A_150 : vector<2048x1xi32>
    %and3A_152 = arith.constant 1 : i32
    %and3A_153 = vector.broadcast %and3A_152 : i32 to vector<2048x1xi32>
    %and3A_154 = arith.andi %sub3A_151, %and3A_153 : vector<2048x1xi32>
    %mul3A_155 = arith.constant 2 : i32
    %mul3A_156 = vector.broadcast %mul3A_155 : i32 to vector<2048x1xi32>
    %mul3A_157 = arith.muli %mul3A_156, %and3A_154 : vector<2048x1xi32>
    %sub3A_158 = arith.constant 1 : i32
    %sub3A_159 = vector.broadcast %sub3A_158 : i32 to vector<2048x1xi32>
    %sub3A_160 = arith.subi %sub3A_159, %mul3A_157 : vector<2048x1xi32>
    %convert_element_type3A_161 = arith.sitofp %sub3A_160 : vector<2048x1xi32> to vector<2048x1xf32>
    %convert_element_type3A_162 = arith.extui %gt3A_148 : vector<2048x1xi1> to vector<2048x1xi32>
    %convert_element_type3A_163 = arith.sitofp %convert_element_type3A_162 : vector<2048x1xi32> to vector<2048x1xf32>
    %shift_right_arithmetic3A_164 = arith.constant 1 : i32
    %shift_right_arithmetic3A_165 = vector.broadcast %shift_right_arithmetic3A_164 : i32 to vector<2048x1xi32>
    %shift_right_arithmetic3A_166 = arith.shrsi %sub3A_151, %shift_right_arithmetic3A_165 : vector<2048x1xi32>
    %jit3A_167 = arith.constant 0 : i32
    %broadcast_in_dim3A_168 = vector.broadcast %jit3A_167 : i32 to vector<2048x1xi32>
    %select_n3A_169 = arith.select %gt3A_148, %shift_right_arithmetic3A_166, %broadcast_in_dim3A_168 : vector<2048x1xi1>, vector<2048x1xi32>
    %gt3A_170 = arith.constant 0 : i32
    %gt3A_171 = vector.broadcast %gt3A_170 : i32 to vector<2048x1xi32>
    %gt3A_172 = arith.cmpi sgt, %select_n3A_169, %gt3A_171 : vector<2048x1xi32>
    %sub3A_173 = arith.constant 1 : i32
    %sub3A_174 = vector.broadcast %sub3A_173 : i32 to vector<2048x1xi32>
    %sub3A_175 = arith.subi %select_n3A_169, %sub3A_174 : vector<2048x1xi32>
    %and3A_176 = arith.constant 1 : i32
    %and3A_177 = vector.broadcast %and3A_176 : i32 to vector<2048x1xi32>
    %and3A_178 = arith.andi %sub3A_175, %and3A_177 : vector<2048x1xi32>
    %mul3A_179 = arith.constant 2 : i32
    %mul3A_180 = vector.broadcast %mul3A_179 : i32 to vector<2048x1xi32>
    %mul3A_181 = arith.muli %mul3A_180, %and3A_178 : vector<2048x1xi32>
    %sub3A_182 = arith.constant 1 : i32
    %sub3A_183 = vector.broadcast %sub3A_182 : i32 to vector<2048x1xi32>
    %sub3A_184 = arith.subi %sub3A_183, %mul3A_181 : vector<2048x1xi32>
    %convert_element_type3A_185 = arith.sitofp %sub3A_184 : vector<2048x1xi32> to vector<2048x1xf32>
    %convert_element_type3A_186 = arith.extui %gt3A_172 : vector<2048x1xi1> to vector<2048x1xi32>
    %convert_element_type3A_187 = arith.sitofp %convert_element_type3A_186 : vector<2048x1xi32> to vector<2048x1xf32>
    %shift_right_arithmetic3A_188 = arith.constant 1 : i32
    %shift_right_arithmetic3A_189 = vector.broadcast %shift_right_arithmetic3A_188 : i32 to vector<2048x1xi32>
    %shift_right_arithmetic3A_190 = arith.shrsi %sub3A_175, %shift_right_arithmetic3A_189 : vector<2048x1xi32>
    %jit3A_191 = arith.constant 0 : i32
    %broadcast_in_dim3A_192 = vector.broadcast %jit3A_191 : i32 to vector<2048x1xi32>
    %select_n3A_193 = arith.select %gt3A_172, %shift_right_arithmetic3A_190, %broadcast_in_dim3A_192 : vector<2048x1xi1>, vector<2048x1xi32>
    %gt3A_194 = arith.constant 0 : i32
    %gt3A_195 = vector.broadcast %gt3A_194 : i32 to vector<2048x1xi32>
    %gt3A_196 = arith.cmpi sgt, %select_n3A_193, %gt3A_195 : vector<2048x1xi32>
    %sub3A_197 = arith.constant 1 : i32
    %sub3A_198 = vector.broadcast %sub3A_197 : i32 to vector<2048x1xi32>
    %sub3A_199 = arith.subi %select_n3A_193, %sub3A_198 : vector<2048x1xi32>
    %and3A_200 = arith.constant 1 : i32
    %and3A_201 = vector.broadcast %and3A_200 : i32 to vector<2048x1xi32>
    %and3A_202 = arith.andi %sub3A_199, %and3A_201 : vector<2048x1xi32>
    %mul3A_203 = arith.constant 2 : i32
    %mul3A_204 = vector.broadcast %mul3A_203 : i32 to vector<2048x1xi32>
    %mul3A_205 = arith.muli %mul3A_204, %and3A_202 : vector<2048x1xi32>
    %sub3A_206 = arith.constant 1 : i32
    %sub3A_207 = vector.broadcast %sub3A_206 : i32 to vector<2048x1xi32>
    %sub3A_208 = arith.subi %sub3A_207, %mul3A_205 : vector<2048x1xi32>
    %convert_element_type3A_209 = arith.sitofp %sub3A_208 : vector<2048x1xi32> to vector<2048x1xf32>
    %convert_element_type3A_210 = arith.extui %gt3A_196 : vector<2048x1xi1> to vector<2048x1xi32>
    %convert_element_type3A_211 = arith.sitofp %convert_element_type3A_210 : vector<2048x1xi32> to vector<2048x1xf32>
    %shift_right_arithmetic3A_212 = arith.constant 1 : i32
    %shift_right_arithmetic3A_213 = vector.broadcast %shift_right_arithmetic3A_212 : i32 to vector<2048x1xi32>
    %shift_right_arithmetic3A_214 = arith.shrsi %sub3A_199, %shift_right_arithmetic3A_213 : vector<2048x1xi32>
    %jit3A_215 = arith.constant 0 : i32
    %broadcast_in_dim3A_216 = vector.broadcast %jit3A_215 : i32 to vector<2048x1xi32>
    %select_n3A_217 = arith.select %gt3A_196, %shift_right_arithmetic3A_214, %broadcast_in_dim3A_216 : vector<2048x1xi1>, vector<2048x1xi32>
    %gt3A_218 = arith.constant 0 : i32
    %gt3A_219 = vector.broadcast %gt3A_218 : i32 to vector<2048x1xi32>
    %gt3A_220 = arith.cmpi sgt, %select_n3A_217, %gt3A_219 : vector<2048x1xi32>
    %sub3A_221 = arith.constant 1 : i32
    %sub3A_222 = vector.broadcast %sub3A_221 : i32 to vector<2048x1xi32>
    %sub3A_223 = arith.subi %select_n3A_217, %sub3A_222 : vector<2048x1xi32>
    %and3A_224 = arith.constant 1 : i32
    %and3A_225 = vector.broadcast %and3A_224 : i32 to vector<2048x1xi32>
    %and3A_226 = arith.andi %sub3A_223, %and3A_225 : vector<2048x1xi32>
    %mul3A_227 = arith.constant 2 : i32
    %mul3A_228 = vector.broadcast %mul3A_227 : i32 to vector<2048x1xi32>
    %mul3A_229 = arith.muli %mul3A_228, %and3A_226 : vector<2048x1xi32>
    %sub3A_230 = arith.constant 1 : i32
    %sub3A_231 = vector.broadcast %sub3A_230 : i32 to vector<2048x1xi32>
    %sub3A_232 = arith.subi %sub3A_231, %mul3A_229 : vector<2048x1xi32>
    %convert_element_type3A_233 = arith.sitofp %sub3A_232 : vector<2048x1xi32> to vector<2048x1xf32>
    %convert_element_type3A_234 = arith.extui %gt3A_220 : vector<2048x1xi1> to vector<2048x1xi32>
    %convert_element_type3A_235 = arith.sitofp %convert_element_type3A_234 : vector<2048x1xi32> to vector<2048x1xf32>
    %shift_right_arithmetic3A_236 = arith.constant 1 : i32
    %shift_right_arithmetic3A_237 = vector.broadcast %shift_right_arithmetic3A_236 : i32 to vector<2048x1xi32>
    %shift_right_arithmetic3A_238 = arith.shrsi %sub3A_223, %shift_right_arithmetic3A_237 : vector<2048x1xi32>
    %jit3A_239 = arith.constant 0 : i32
    %broadcast_in_dim3A_240 = vector.broadcast %jit3A_239 : i32 to vector<2048x1xi32>
    %select_n3A_241 = arith.select %gt3A_220, %shift_right_arithmetic3A_238, %broadcast_in_dim3A_240 : vector<2048x1xi1>, vector<2048x1xi32>
    %gt3A_242 = arith.constant 0 : i32
    %gt3A_243 = vector.broadcast %gt3A_242 : i32 to vector<2048x1xi32>
    %gt3A_244 = arith.cmpi sgt, %select_n3A_241, %gt3A_243 : vector<2048x1xi32>
    %sub3A_245 = arith.constant 1 : i32
    %sub3A_246 = vector.broadcast %sub3A_245 : i32 to vector<2048x1xi32>
    %sub3A_247 = arith.subi %select_n3A_241, %sub3A_246 : vector<2048x1xi32>
    %and3A_248 = arith.constant 1 : i32
    %and3A_249 = vector.broadcast %and3A_248 : i32 to vector<2048x1xi32>
    %and3A_250 = arith.andi %sub3A_247, %and3A_249 : vector<2048x1xi32>
    %mul3A_251 = arith.constant 2 : i32
    %mul3A_252 = vector.broadcast %mul3A_251 : i32 to vector<2048x1xi32>
    %mul3A_253 = arith.muli %mul3A_252, %and3A_250 : vector<2048x1xi32>
    %sub3A_254 = arith.constant 1 : i32
    %sub3A_255 = vector.broadcast %sub3A_254 : i32 to vector<2048x1xi32>
    %sub3A_256 = arith.subi %sub3A_255, %mul3A_253 : vector<2048x1xi32>
    %convert_element_type3A_257 = arith.sitofp %sub3A_256 : vector<2048x1xi32> to vector<2048x1xf32>
    %convert_element_type3A_258 = arith.extui %gt3A_244 : vector<2048x1xi1> to vector<2048x1xi32>
    %convert_element_type3A_259 = arith.sitofp %convert_element_type3A_258 : vector<2048x1xi32> to vector<2048x1xf32>
    %shift_right_arithmetic3A_260 = arith.constant 1 : i32
    %shift_right_arithmetic3A_261 = vector.broadcast %shift_right_arithmetic3A_260 : i32 to vector<2048x1xi32>
    %shift_right_arithmetic3A_262 = arith.shrsi %sub3A_247, %shift_right_arithmetic3A_261 : vector<2048x1xi32>
    %jit3A_263 = arith.constant 0 : i32
    %broadcast_in_dim3A_264 = vector.broadcast %jit3A_263 : i32 to vector<2048x1xi32>
    %select_n3A_265 = arith.select %gt3A_244, %shift_right_arithmetic3A_262, %broadcast_in_dim3A_264 : vector<2048x1xi1>, vector<2048x1xi32>
    %gt3A_266 = arith.constant 0 : i32
    %gt3A_267 = vector.broadcast %gt3A_266 : i32 to vector<2048x1xi32>
    %gt3A_268 = arith.cmpi sgt, %select_n3A_265, %gt3A_267 : vector<2048x1xi32>
    %sub3A_269 = arith.constant 1 : i32
    %sub3A_270 = vector.broadcast %sub3A_269 : i32 to vector<2048x1xi32>
    %sub3A_271 = arith.subi %select_n3A_265, %sub3A_270 : vector<2048x1xi32>
    %and3A_272 = arith.constant 1 : i32
    %and3A_273 = vector.broadcast %and3A_272 : i32 to vector<2048x1xi32>
    %and3A_274 = arith.andi %sub3A_271, %and3A_273 : vector<2048x1xi32>
    %mul3A_275 = arith.constant 2 : i32
    %mul3A_276 = vector.broadcast %mul3A_275 : i32 to vector<2048x1xi32>
    %mul3A_277 = arith.muli %mul3A_276, %and3A_274 : vector<2048x1xi32>
    %sub3A_278 = arith.constant 1 : i32
    %sub3A_279 = vector.broadcast %sub3A_278 : i32 to vector<2048x1xi32>
    %sub3A_280 = arith.subi %sub3A_279, %mul3A_277 : vector<2048x1xi32>
    %convert_element_type3A_281 = arith.sitofp %sub3A_280 : vector<2048x1xi32> to vector<2048x1xf32>
    %convert_element_type3A_282 = arith.extui %gt3A_268 : vector<2048x1xi1> to vector<2048x1xi32>
    %convert_element_type3A_283 = arith.sitofp %convert_element_type3A_282 : vector<2048x1xi32> to vector<2048x1xf32>
    %shift_right_arithmetic3A_284 = arith.constant 1 : i32
    %shift_right_arithmetic3A_285 = vector.broadcast %shift_right_arithmetic3A_284 : i32 to vector<2048x1xi32>
    %shift_right_arithmetic3A_286 = arith.shrsi %sub3A_271, %shift_right_arithmetic3A_285 : vector<2048x1xi32>
    %jit3A_287 = arith.constant 0 : i32
    %broadcast_in_dim3A_288 = vector.broadcast %jit3A_287 : i32 to vector<2048x1xi32>
    %select_n3A_289 = arith.select %gt3A_268, %shift_right_arithmetic3A_286, %broadcast_in_dim3A_288 : vector<2048x1xi1>, vector<2048x1xi32>
    %gt3A_290 = arith.constant 0 : i32
    %gt3A_291 = vector.broadcast %gt3A_290 : i32 to vector<2048x1xi32>
    %gt3A_292 = arith.cmpi sgt, %select_n3A_289, %gt3A_291 : vector<2048x1xi32>
    %sub3A_293 = arith.constant 1 : i32
    %sub3A_294 = vector.broadcast %sub3A_293 : i32 to vector<2048x1xi32>
    %sub3A_295 = arith.subi %select_n3A_289, %sub3A_294 : vector<2048x1xi32>
    %and3A_296 = arith.constant 1 : i32
    %and3A_297 = vector.broadcast %and3A_296 : i32 to vector<2048x1xi32>
    %and3A_298 = arith.andi %sub3A_295, %and3A_297 : vector<2048x1xi32>
    %mul3A_299 = arith.constant 2 : i32
    %mul3A_300 = vector.broadcast %mul3A_299 : i32 to vector<2048x1xi32>
    %mul3A_301 = arith.muli %mul3A_300, %and3A_298 : vector<2048x1xi32>
    %sub3A_302 = arith.constant 1 : i32
    %sub3A_303 = vector.broadcast %sub3A_302 : i32 to vector<2048x1xi32>
    %sub3A_304 = arith.subi %sub3A_303, %mul3A_301 : vector<2048x1xi32>
    %convert_element_type3A_305 = arith.sitofp %sub3A_304 : vector<2048x1xi32> to vector<2048x1xf32>
    %convert_element_type3A_306 = arith.extui %gt3A_292 : vector<2048x1xi1> to vector<2048x1xi32>
    %convert_element_type3A_307 = arith.sitofp %convert_element_type3A_306 : vector<2048x1xi32> to vector<2048x1xf32>
    %shift_right_arithmetic3A_308 = arith.constant 1 : i32
    %shift_right_arithmetic3A_309 = vector.broadcast %shift_right_arithmetic3A_308 : i32 to vector<2048x1xi32>
    %shift_right_arithmetic3A_310 = arith.shrsi %sub3A_295, %shift_right_arithmetic3A_309 : vector<2048x1xi32>
    %jit3A_311 = arith.constant 0 : i32
    %broadcast_in_dim3A_312 = vector.broadcast %jit3A_311 : i32 to vector<2048x1xi32>
    %select_n3A_313 = arith.select %gt3A_292, %shift_right_arithmetic3A_310, %broadcast_in_dim3A_312 : vector<2048x1xi1>, vector<2048x1xi32>
    %gt3A_314 = arith.constant 0 : i32
    %gt3A_315 = vector.broadcast %gt3A_314 : i32 to vector<2048x1xi32>
    %gt3A_316 = arith.cmpi sgt, %select_n3A_313, %gt3A_315 : vector<2048x1xi32>
    %sub3A_317 = arith.constant 1 : i32
    %sub3A_318 = vector.broadcast %sub3A_317 : i32 to vector<2048x1xi32>
    %sub3A_319 = arith.subi %select_n3A_313, %sub3A_318 : vector<2048x1xi32>
    %and3A_320 = arith.constant 1 : i32
    %and3A_321 = vector.broadcast %and3A_320 : i32 to vector<2048x1xi32>
    %and3A_322 = arith.andi %sub3A_319, %and3A_321 : vector<2048x1xi32>
    %mul3A_323 = arith.constant 2 : i32
    %mul3A_324 = vector.broadcast %mul3A_323 : i32 to vector<2048x1xi32>
    %mul3A_325 = arith.muli %mul3A_324, %and3A_322 : vector<2048x1xi32>
    %sub3A_326 = arith.constant 1 : i32
    %sub3A_327 = vector.broadcast %sub3A_326 : i32 to vector<2048x1xi32>
    %sub3A_328 = arith.subi %sub3A_327, %mul3A_325 : vector<2048x1xi32>
    %convert_element_type3A_329 = arith.sitofp %sub3A_328 : vector<2048x1xi32> to vector<2048x1xf32>
    %convert_element_type3A_330 = arith.extui %gt3A_316 : vector<2048x1xi1> to vector<2048x1xi32>
    %convert_element_type3A_331 = arith.sitofp %convert_element_type3A_330 : vector<2048x1xi32> to vector<2048x1xf32>
    %shift_right_arithmetic3A_332 = arith.constant 1 : i32
    %shift_right_arithmetic3A_333 = vector.broadcast %shift_right_arithmetic3A_332 : i32 to vector<2048x1xi32>
    %shift_right_arithmetic3A_334 = arith.shrsi %sub3A_319, %shift_right_arithmetic3A_333 : vector<2048x1xi32>
    %jit3A_335 = arith.constant 0 : i32
    %broadcast_in_dim3A_336 = vector.broadcast %jit3A_335 : i32 to vector<2048x1xi32>
    %select_n3A_337 = arith.select %gt3A_316, %shift_right_arithmetic3A_334, %broadcast_in_dim3A_336 : vector<2048x1xi1>, vector<2048x1xi32>
    %gt3A_338 = arith.constant 0 : i32
    %gt3A_339 = vector.broadcast %gt3A_338 : i32 to vector<2048x1xi32>
    %gt3A_340 = arith.cmpi sgt, %select_n3A_337, %gt3A_339 : vector<2048x1xi32>
    %sub3A_341 = arith.constant 1 : i32
    %sub3A_342 = vector.broadcast %sub3A_341 : i32 to vector<2048x1xi32>
    %sub3A_343 = arith.subi %select_n3A_337, %sub3A_342 : vector<2048x1xi32>
    %and3A_344 = arith.constant 1 : i32
    %and3A_345 = vector.broadcast %and3A_344 : i32 to vector<2048x1xi32>
    %and3A_346 = arith.andi %sub3A_343, %and3A_345 : vector<2048x1xi32>
    %mul3A_347 = arith.constant 2 : i32
    %mul3A_348 = vector.broadcast %mul3A_347 : i32 to vector<2048x1xi32>
    %mul3A_349 = arith.muli %mul3A_348, %and3A_346 : vector<2048x1xi32>
    %sub3A_350 = arith.constant 1 : i32
    %sub3A_351 = vector.broadcast %sub3A_350 : i32 to vector<2048x1xi32>
    %sub3A_352 = arith.subi %sub3A_351, %mul3A_349 : vector<2048x1xi32>
    %convert_element_type3A_353 = arith.sitofp %sub3A_352 : vector<2048x1xi32> to vector<2048x1xf32>
    %convert_element_type3A_354 = arith.extui %gt3A_340 : vector<2048x1xi1> to vector<2048x1xi32>
    %convert_element_type3A_355 = arith.sitofp %convert_element_type3A_354 : vector<2048x1xi32> to vector<2048x1xf32>
    %shift_right_arithmetic3A_356 = arith.constant 1 : i32
    %shift_right_arithmetic3A_357 = vector.broadcast %shift_right_arithmetic3A_356 : i32 to vector<2048x1xi32>
    %shift_right_arithmetic3A_358 = arith.shrsi %sub3A_343, %shift_right_arithmetic3A_357 : vector<2048x1xi32>
    %jit3A_359 = arith.constant 0 : i32
    %broadcast_in_dim3A_360 = vector.broadcast %jit3A_359 : i32 to vector<2048x1xi32>
    %select_n3A_361 = arith.select %gt3A_340, %shift_right_arithmetic3A_358, %broadcast_in_dim3A_360 : vector<2048x1xi1>, vector<2048x1xi32>
    %gt3A_362 = arith.constant 0 : i32
    %gt3A_363 = vector.broadcast %gt3A_362 : i32 to vector<2048x1xi32>
    %gt3A_364 = arith.cmpi sgt, %select_n3A_361, %gt3A_363 : vector<2048x1xi32>
    %sub3A_365 = arith.constant 1 : i32
    %sub3A_366 = vector.broadcast %sub3A_365 : i32 to vector<2048x1xi32>
    %sub3A_367 = arith.subi %select_n3A_361, %sub3A_366 : vector<2048x1xi32>
    %and3A_368 = arith.constant 1 : i32
    %and3A_369 = vector.broadcast %and3A_368 : i32 to vector<2048x1xi32>
    %and3A_370 = arith.andi %sub3A_367, %and3A_369 : vector<2048x1xi32>
    %mul3A_371 = arith.constant 2 : i32
    %mul3A_372 = vector.broadcast %mul3A_371 : i32 to vector<2048x1xi32>
    %mul3A_373 = arith.muli %mul3A_372, %and3A_370 : vector<2048x1xi32>
    %sub3A_374 = arith.constant 1 : i32
    %sub3A_375 = vector.broadcast %sub3A_374 : i32 to vector<2048x1xi32>
    %sub3A_376 = arith.subi %sub3A_375, %mul3A_373 : vector<2048x1xi32>
    %convert_element_type3A_377 = arith.sitofp %sub3A_376 : vector<2048x1xi32> to vector<2048x1xf32>
    %convert_element_type3A_378 = arith.extui %gt3A_364 : vector<2048x1xi1> to vector<2048x1xi32>
    %convert_element_type3A_379 = arith.sitofp %convert_element_type3A_378 : vector<2048x1xi32> to vector<2048x1xf32>
    %shift_right_arithmetic3A_380 = arith.constant 1 : i32
    %shift_right_arithmetic3A_381 = vector.broadcast %shift_right_arithmetic3A_380 : i32 to vector<2048x1xi32>
    %shift_right_arithmetic3A_382 = arith.shrsi %sub3A_367, %shift_right_arithmetic3A_381 : vector<2048x1xi32>
    %jit3A_383 = arith.constant 0 : i32
    %broadcast_in_dim3A_384 = vector.broadcast %jit3A_383 : i32 to vector<2048x1xi32>
    %select_n3A_385 = arith.select %gt3A_364, %shift_right_arithmetic3A_382, %broadcast_in_dim3A_384 : vector<2048x1xi1>, vector<2048x1xi32>
    %gt3A_386 = arith.constant 0 : i32
    %gt3A_387 = vector.broadcast %gt3A_386 : i32 to vector<2048x1xi32>
    %gt3A_388 = arith.cmpi sgt, %select_n3A_385, %gt3A_387 : vector<2048x1xi32>
    %sub3A_389 = arith.constant 1 : i32
    %sub3A_390 = vector.broadcast %sub3A_389 : i32 to vector<2048x1xi32>
    %sub3A_391 = arith.subi %select_n3A_385, %sub3A_390 : vector<2048x1xi32>
    %and3A_392 = arith.constant 1 : i32
    %and3A_393 = vector.broadcast %and3A_392 : i32 to vector<2048x1xi32>
    %and3A_394 = arith.andi %sub3A_391, %and3A_393 : vector<2048x1xi32>
    %mul3A_395 = arith.constant 2 : i32
    %mul3A_396 = vector.broadcast %mul3A_395 : i32 to vector<2048x1xi32>
    %mul3A_397 = arith.muli %mul3A_396, %and3A_394 : vector<2048x1xi32>
    %sub3A_398 = arith.constant 1 : i32
    %sub3A_399 = vector.broadcast %sub3A_398 : i32 to vector<2048x1xi32>
    %sub3A_400 = arith.subi %sub3A_399, %mul3A_397 : vector<2048x1xi32>
    %convert_element_type3A_401 = arith.sitofp %sub3A_400 : vector<2048x1xi32> to vector<2048x1xf32>
    %convert_element_type3A_402 = arith.extui %gt3A_388 : vector<2048x1xi1> to vector<2048x1xi32>
    %convert_element_type3A_403 = arith.sitofp %convert_element_type3A_402 : vector<2048x1xi32> to vector<2048x1xf32>
    %concatenate3A = tpu.concatenate %convert_element_type3A, %convert_element_type3A_41, %convert_element_type3A_65, %convert_element_type3A_89, %convert_element_type3A_113, %convert_element_type3A_137, %convert_element_type3A_161, %convert_element_type3A_185, %convert_element_type3A_209, %convert_element_type3A_233, %convert_element_type3A_257, %convert_element_type3A_281, %convert_element_type3A_305, %convert_element_type3A_329, %convert_element_type3A_353, %convert_element_type3A_377, %convert_element_type3A_401 in 1 : vector<2048x1xf32>, vector<2048x1xf32>, vector<2048x1xf32>, vector<2048x1xf32>, vector<2048x1xf32>, vector<2048x1xf32>, vector<2048x1xf32>, vector<2048x1xf32>, vector<2048x1xf32>, vector<2048x1xf32>, vector<2048x1xf32>, vector<2048x1xf32>, vector<2048x1xf32>, vector<2048x1xf32>, vector<2048x1xf32>, vector<2048x1xf32>, vector<2048x1xf32> -> vector<2048x17xf32>
    %concatenate3A_404 = tpu.concatenate %convert_element_type3A_23, %convert_element_type3A_43, %convert_element_type3A_67, %convert_element_type3A_91, %convert_element_type3A_115, %convert_element_type3A_139, %convert_element_type3A_163, %convert_element_type3A_187, %convert_element_type3A_211, %convert_element_type3A_235, %convert_element_type3A_259, %convert_element_type3A_283, %convert_element_type3A_307, %convert_element_type3A_331, %convert_element_type3A_355, %convert_element_type3A_379, %convert_element_type3A_403 in 1 : vector<2048x1xf32>, vector<2048x1xf32>, vector<2048x1xf32>, vector<2048x1xf32>, vector<2048x1xf32>, vector<2048x1xf32>, vector<2048x1xf32>, vector<2048x1xf32>, vector<2048x1xf32>, vector<2048x1xf32>, vector<2048x1xf32>, vector<2048x1xf32>, vector<2048x1xf32>, vector<2048x1xf32>, vector<2048x1xf32>, vector<2048x1xf32>, vector<2048x1xf32> -> vector<2048x17xf32>
    %mul3A_405 = arith.mulf %concatenate3A, %dot_general3A_5 : vector<2048x17xf32>
    %max3A = arith.constant 0.000000e+00 : f32
    %max3A_406 = vector.broadcast %max3A : f32 to vector<2048x17xf32>
    %max3A_407 = arith.maximumf %mul3A_405, %max3A_406 : vector<2048x17xf32>
    %abs3A = math.absf %mul3A_405 : vector<2048x17xf32>
    %neg3A = arith.constant 0.000000e+00 : f32
    %neg3A_408 = vector.broadcast %neg3A : f32 to vector<2048x17xf32>
    %neg3A_409 = arith.subf %neg3A_408, %abs3A : vector<2048x17xf32>
    %exp3A = math.exp %neg3A_409 : vector<2048x17xf32>
    %log1p3A = math.log1p %exp3A : vector<2048x17xf32>
    %add3A_410 = arith.addf %max3A_407, %log1p3A : vector<2048x17xf32>
    %mul3A_411 = arith.mulf %add3A_410, %concatenate3A_404 : vector<2048x17xf32>
    %reduce_sum3A = arith.constant dense<0.000000e+00> : vector<2048xf32>
    %reduce_sum3A_412 = vector.multi_reduction <add>, %mul3A_411, %reduce_sum3A [1] : vector<2048x17xf32> to vector<2048xf32>
    %swap3A = arith.constant 0 : index
    %swap3A_413 = vector.load %arg4[%swap3A] : memref<2048xf32, #tpu.memory_space<vmem>>, vector<2048xf32>
    tpu.vector_store %arg4[%swap3A], %reduce_sum3A_412 {strides = array<i32>} : memref<2048xf32, #tpu.memory_space<vmem>>, vector<2048xf32>,
    return
  }
  func.func @transform_0(%arg0: i32) -> (i32, i32) {
    %c0_i32 = arith.constant 0 : i32
    %c0_i32_0 = arith.constant 0 : i32
    return %arg0, %c0_i32 : i32, i32
  }
  func.func @transform_1(%arg0: i32) -> (i32, i32) {
    %c0_i32 = arith.constant 0 : i32
    %c0_i32_0 = arith.constant 0 : i32
    return %arg0, %c0_i32 : i32, i32
  }
  func.func @transform_2(%arg0: i32) -> (i32, i32) {
    %c0_i32 = arith.constant 0 : i32
    %c0_i32_0 = arith.constant 0 : i32
    %c0_i32_1 = arith.constant 0 : i32
    return %c0_i32, %c0_i32_0 : i32, i32
  }
  func.func @transform_3(%arg0: i32) -> i32 {
    %c0_i32 = arith.constant 0 : i32
    return %arg0 : i32
  }
}

</mosaic_0001>

<sc_bundles>
// kernel: kernel.4.cloned.1.call-start
scs
__scs_entry_jumppad:
0x0: {  	(pc) =	sbr.rel $0x88, $3  }
0x1: {  	(tag) =	ssettag $0x0;
	lr =	simm.s32 $0x1  }
0x2: {  	[smem:$0x3F9E] =	sst lr;
	_ =	strace $0xD0000000  }
0x3: {  	_ = 	snop  }
0x4: {  	_ = 	snop  }
0x5: {  	_ = 	snop  }
0x6: {  	_ = 	snop  }
0x7: {  	_ = 	snop  }
__scs_overlays_trampoline_lowered:
0x8: {  	[smem:$0x3FAD] =	sst s0  }
0x9: {  	[smem:$0x3FAE] =	sst s1  }
0xa: {  	[smem:$0x3FAF] =	sst s2  }
0xb: {  	[smem:$0x3FB0] =	sst s3  }
0xc: {  	[smem:$0x3FB1] =	sst s4  }
0xd: {  	[smem:$0x3FB2] =	sst s5  }
0xe: {  	[smem:$0x3FB3] =	sst s6  }
0xf: {  	[smem:$0x3FB4] =	sst s7  }
0x10: {  	[smem:$0x3FB5] =	sst s8  }
0x11: {  	[smem:$0x3FB6] =	sst s9;
	s0 =	simm.s32 @!p0 $0x0  }
0x12: {  	s1 =	sld [smem:$0x3F9C];
	s0 =	simm.s32 @p0 $0x1  }
0x13: {  	[smem:$0x3FB7] =	sst s0;
	s0 =	simm.s32 @!p1 $0x0  }
0x14: {  	s2 =	sld [smem:$0x3F9B];
	s0 =	simm.s32 @p1 $0x1  }
0x15: {  	[smem:$0x3FB8] =	sst s0;
	s0 =	simm.s32 @!p2 $0x0  }
0x16: {  	s3 =	sld [smem:$0x3FDB];
	s0 =	simm.s32 @p2 $0x1  }
0x17: {  	s4 =	simm.s32 $0x1BF5;
	[smem:$0x3FBA] =	sst s0  }
0x18: {  	s0 =	sld [smem:$0x3F9D];
	_ =	swait.ge [sflag:s4], $0x0  }
0x19: {  	s7 =	sld [smem:$0x3F9E]  }
0x1a: {  	s8 =	sadd.s32 $0xFFFFE003, lr  }
0x1b: {  	s9 =	sadd.s32 $0xFFFFFEF7, lr;
	s5 =	simm.s32 $0xFFFFFFFF;
	p2 =	slt.u32 s8, $0xFFFFF086  }
0x1c: {  	p1 =	slt.u32 s9, $0xF7A;
	s5 =	simm.s32 @!p2 $0x0  }
0x1d: {  	s5 =	simm.s32 @p1 $0x1;
	p0 =	seq.s32 s7, s2  }
0x1e: {  	s7 =	smul.u32 @!p0 $0xF7A, s2;
	p2 =	seq.s32 @!p0 s5, $0x0  }
0x1f: {  	s9 =	smul.u32 $0xF7A, s1;
	s8 =	simm.s32 @!p0 $0x1BF5;
	p2 =	por !p2, p0  }
0x20: {  	[sflag:s8] =	ssyncset.s32 @!p0 $0xFFFFF086;
	s6 =	sadd.s32 @!p0 s3, s7;
	s7 =	simm.s32 @!p0 $0x108  }
0x21: {  	s3 =	sadd.s32 s3, s9;
	s6 =	sadd.s32 @!p0 $0x88, s6;
	s7 =	simm.s32 @p2 $0x1082  }
0x22: {  	[simem:s7], [sflag:s8] =	dma.local @!p0 [hbm:s6], $0xF7A  }
0x23: {  	s9 =	sor.u32 $0xD0000000, s2;
	s6 =	simm.s32 $0x108;
	_ =	swait.ge @!p0 [sflag:s8], $0x0  }
0x24: {  	s3 =	sadd.s32 $0x88, s3;
	s6 =	simm.s32 @!p1 $0x1082;
	[sflag:s4] =	ssyncset.s32 $0xFFFFF086  }
0x25: {  	[simem:s6], [sflag:s4] =	dma.local [hbm:s3], $0xF7A  }
0x26: {  	[smem:$0x3F9E] =	sst s1;
	(tag) =	ssettag s2;
	_ =	strace s9  }
0x27: {  	s1 =	sld [smem:$0x3FAE]  }
0x28: {  	s2 =	sld [smem:$0x3FAF]  }
0x29: {  	s4 =	sld [smem:$0x3FB1]  }
0x2a: {  	p0 =	seq.s32 s5, $0x0;
	s5 =	sld [smem:$0x3FB2]  }
0x2b: {  	s6 =	sld [smem:$0x3FB3]  }
0x2c: {  	s7 =	sld [smem:$0x3FB4]  }
0x2d: {  	s3 =	simm.s32 $0x108;
	s8 =	sld [smem:$0x3FB5]  }
0x2e: {  	s3 =	simm.s32 @!p0 $0x1082;
	s9 =	sld [smem:$0x3FB6]  }
0x2f: {  	lr =	sadd.s32 s0, s3;
	s0 =	sld [smem:$0x3FAD]  }
0x30: {  	s3 =	sld [smem:$0x3FB0]  }
0x31: {  	[smem:$0x3FB9] =	sst s10  }
0x32: {  	s10 =	sld [smem:$0x3FB7];
	_ =	sdelay $0x3  }
0x33: {  	p0 =	seq.s32 s10, $0x1;
	s10 =	sld [smem:$0x3FB9];
	_ =	sdelay $0x3  }
0x34: {  	[smem:$0x3FB9] =	sst s10  }
0x35: {  	s10 =	sld [smem:$0x3FB8];
	_ =	sdelay $0x3  }
0x36: {  	p1 =	seq.s32 s10, $0x1;
	s10 =	sld [smem:$0x3FB9];
	_ =	sdelay $0x3  }
0x37: {  	[smem:$0x3FB9] =	sst s10  }
0x38: {  	s10 =	sld [smem:$0x3FBA]  }
0x39: {  	_ = 	snop;
	(pc) =	sbr.ind lr, $3  }
0x3a: {  	_ = 	snop  }
0x3b: {  	_ = 	snop  }
0x3c: {  	p2 =	seq.s32 s10, $0x1;
	s10 =	sld [smem:$0x3FB9]  }
0x3d: {  	_ =	shalt  }
0x3e: {  	_ =	shalt  }
0x3f: {  	_ =	shalt  }
0x40: {  	_ =	shalt  }
0x41: {  	_ =	shalt  }
0x42: {  	_ =	shalt  }
0x43: {  	_ =	shalt  }
0x44: {  	_ =	shalt  }
0x45: {  	_ =	shalt  }
0x46: {  	_ =	shalt  }
0x47: {  	_ =	shalt  }
0x48: {  	_ =	shalt  }
0x49: {  	_ =	shalt  }
0x4a: {  	_ =	shalt  }
0x4b: {  	_ =	shalt  }
0x4c: {  	_ =	shalt  }
0x4d: {  	_ =	shalt  }
0x4e: {  	_ =	shalt  }
0x4f: {  	_ =	shalt  }
0x50: {  	_ =	shalt  }
0x51: {  	_ =	shalt  }
0x52: {  	_ =	shalt  }
0x53: {  	_ =	shalt  }
0x54: {  	_ =	shalt  }
0x55: {  	_ =	shalt  }
0x56: {  	_ =	shalt  }
0x57: {  	_ =	shalt  }
0x58: {  	_ =	shalt  }
0x59: {  	_ =	shalt  }
0x5a: {  	_ =	shalt  }
0x5b: {  	_ =	shalt  }
0x5c: {  	_ =	shalt  }
0x5d: {  	_ =	shalt  }
0x5e: {  	_ =	shalt  }
0x5f: {  	_ =	shalt  }
0x60: {  	_ =	shalt  }
0x61: {  	_ =	shalt  }
0x62: {  	_ =	shalt  }
0x63: {  	_ =	shalt  }
0x64: {  	_ =	shalt  }
0x65: {  	_ =	shalt  }
0x66: {  	_ =	shalt  }
0x67: {  	_ =	shalt  }
0x68: {  	_ =	shalt  }
0x69: {  	_ =	shalt  }
0x6a: {  	_ =	shalt  }
0x6b: {  	_ =	shalt  }
0x6c: {  	_ =	shalt  }
0x6d: {  	_ =	shalt  }
0x6e: {  	_ =	shalt  }
0x6f: {  	_ =	shalt  }
0x70: {  	_ =	shalt  }
0x71: {  	_ =	shalt  }
0x72: {  	_ =	shalt  }
0x73: {  	_ =	shalt  }
0x74: {  	_ =	shalt  }
0x75: {  	_ =	shalt  }
0x76: {  	_ =	shalt  }
0x77: {  	_ =	shalt  }
0x78: {  	_ =	shalt  }
0x79: {  	_ =	shalt  }
0x7a: {  	_ =	shalt  }
0x7b: {  	_ =	shalt  }
0x7c: {  	_ =	shalt  }
0x7d: {  	_ =	shalt  }
0x7e: {  	_ =	shalt  }
0x7f: {  	_ =	shalt  }
0x80: {  	_ =	shalt  }
0x81: {  	_ =	shalt  }
0x82: {  	_ =	shalt  }
0x83: {  	_ =	shalt  }
0x84: {  	_ =	shalt  }
0x85: {  	_ =	shalt  }
0x86: {  	_ =	shalt  }
0x87: {  	_ =	shalt  }
.Lfunc_end0:
.L_simem_size_0:
called_computation.1_lowered:
.L_overlay_start_0:
0x88: {  	s2 =	sld [smem:$0x3FD9]  }
0x89: {  	s3 =	sld [smem:$0x3FFE];
	_ =	sdelay $0x1  }
0x8a: {  	s1 =	srdreg.scid  }
0x8b: {  	s0 =	sand.u32 $0x1, s1  }
0x8c: {  	s17 =	sshll.u32 s0, $0xA;
	s2 =	sadd.s32 s3, s2  }
0x8d: {  	s2 =	sadd.s32 s2, s17  }
0x8e: {  	[smem:$0x3FC5] =	sst s2  }
0x8f: {  	_ = 	snop  }
0x90: {  	s2 =	sld [smem:$0x3FC9]  }
0x91: {  	s18 =	sld [smem:$0x3FC8];
	(tm) =	ssettm $0x1  }
0x92: {  	s4 =	sld [smem:$0x3FFB];
	_ =	sdelay $0x3  }
0x93: {  	_ =	strace s4  }
0x94: {  	s4 =	sld [smem:$0x3FFC];
	_ =	sdelay $0x3  }
0x95: {  	_ =	strace s4  }
0x96: {  	s4 =	sld [smem:$0x3FFD];
	_ =	sdelay $0x3  }
0x97: {  	_ =	strace s4  }
0x98: {  	_ =	strace $0x8FFFFFFF  }
0x99: {  	s19 =	sld [smem:$0x3FDB];
	_ =	sdelay $0x1  }
0x9a: {  	s5 =	simm.s32 $_scs_section_size  }
0x9b: {  	s6 =	simm.s32 $_size__tile_overlayer_lowered;
	s7 =	simm.s32 $_tile_overlayer_lowered  }
0x9c: {  	s22 =	simm.s32 $0x1BFF;
	s21 =	sshll.u32 s7, $0x1;
	s4 =	sadd.s32 s5, s19  }
0x9d: {  	s8 =	simm.s32 $0x0;
	s20 =	sshll.u32 s6, $0x1;
	s6 =	sadd.s32 s21, s4  }
0x9e: {  	[timem:s8], [sflag:s22] =	dma.local [hbm:s6], s20  }
0x9f: {  	_ =	swait.ge [sflag:s22], s20  }
0xa0: {  	s5 =	ssub.s32 $0x0, s20;
	[sflag:s22] =	ssyncset.done $0x0  }
0xa1: {  	[sflag:s22] =	ssyncadd.s32 s5;
	_ =	sdelay $0x1  }
0xa2: {  	s23 =	simm.s32 $0x1B8B  }
0xa3: {  	_ =	swait.ge [sflag:s23], $0x1  }
0xa4: {  	[sflag:s23] =	ssyncset.done $0x0  }
0xa5: {  	s25 =	simm.s32 $0x1B8E;
	s24 =	sld [smem:$0x3FFE];
	[sflag:s23] =	ssyncadd.s32 $0xFFFFFFFF  }
0xa6: {  	s26 =	simm.s32 $execute0_lowered;
	[smem:$0x3FD2] =	sst s25  }
0xa7: {  	s6 =	sshll.u32 s26, $0x1;
	_ =	strace $0x80000049;
	[dreg:$0x1] =	wrdreg $0xFFFFFFFF  }
0xa8: {  	s28 =	simm.s32 $_size_execute0_lowered;
	s4 =	sadd.s32 s4, s6;
	[dreg:$0x0] =	wrdreg $0x0  }
0xa9: {  	s6 =	sshll.u32 s28, $0x1;
	[dreg:$0x2] =	wrdreg s4  }
0xaa: {  	[dreg:$0x3] =	wrdreg s6  }
0xab: {  	[dreg:$0x4] =	wrdreg $0xC0  }
0xac: {  	_ =	task [dreg:s8], $0x5FFFF  }
0xad: {  	[dreg:$0x1] =	wrdreg $0xFFFFFFFF  }
0xae: {  	[dreg:$0x0] =	wrdreg $0x60  }
0xaf: {  	[dreg:$0x2] =	wrdreg s2  }
0xb0: {  	[dreg:$0x3] =	wrdreg s18  }
0xb1: {  	[dreg:$0x4] =	wrdreg s24  }
0xb2: {  	[dreg:$0x5] =	wrdreg $0x9  }
0xb3: {  	_ =	task.clear_ibuf [dreg:s8], $0x6FFFF;
	_ =	strace $0x90000049  }
0xb4: {  	s29 =	simm.s32 $0x9;
	_ =	strace $0x8000004B  }
0xb5: {  	_ =	swait.ge [sflag:s29], $0x1  }
0xb6: {  	[sflag:s29] =	ssyncadd.s32 $0xFFFFFFFF  }
0xb7: {  	_ =	strace $0x9000004B  }
0xb8: {  	_ =	sfence  }
0xb9: {  	s30 =	sld [smem:$0x0];
	_ =	sdelay $0x2  }
0xba: {  	s31 =	sshll.u32 s1, $0xD;
	s1 =	sshrl.u32 s1, $0x2  }
0xbb: {  	s3 =	sand.u32 $0x4000, s31;
	s1 =	sadd.s32 s1, s30  }
0xbc: {  	s0 =	sor.u32 s3, s0;
	s1 =	sshll.u32 s1, $0x11  }
0xbd: {  	s0 =	sor.u32 s1, s0  }
0xbe: {  	s0 =	sadd.s32 $0x8F2B, s0  }
0xbf: {  	[sflag:s0] =	ssyncadd.remote.s32 $0x1  }
0xc0: {  	_ =	sfence.sel $0xFFFF  }
0xc1: {  	[dreg:$0x0] =	wrdreg $0xFFFFFFFF;
	(pc) =	sbr.abs _section_cstart, $3  }
0xc2: {  	[dreg:$0x1] =	wrdreg $0xFFFFFFFF  }
0xc3: {  	_ =	task.clear_ibuf [dreg:s8], $0x2FFFF;
	_ =	strace $0x9FFFFFFF  }
0xc4: {  	(tm) =	ssettm $0x7FFFFFFF  }
0xc5: {  	_ =	shalt  }
tec
execute0_lowered:
.L_overlay_start_1:
0x0: {  	(tag) =	ssettag $0x1  }
0x1: {  	s1 =	rddreg [dreg:$0x0]  }
0x2: {  	s7 =	rddreg [dreg:$0x1]  }
0x3: {  	s6 =	rddreg [dreg:$0x2];
	s3 =	simm.s32 $0x0;
	s4 =	srdreg.scid  }
0x4: {  	s2 =	stileid.u32;
	s10 =	simm.s32 $0x4A80;
	s11 =	simm.s32 $0x80  }
0x5: {  	s12 =	simm.s32 $0x280;
	s13 =	simm.s32 $0x10;
	s14 =	simm.s32 $0x180  }
0x6: {  	s15 =	simm.s32 $0x4280;
	s16 =	simm.s32 $0xCA80;
	s17 =	simm.s32 $0x1  }
0x7: {  	v0 =	vimm.s32 $0xFEDCBA9;
	v1 =	vimm.s32 $0x87654321;
	s18 =	simm.s32 $0x2;
	s19 =	simm.s32 $0xD280;
	s20 =	simm.s32 $0x0  }
0x8: {  	[smem:$0x7FF] =	sst s3;
	s4 =	sand.u32 $0x1, s4;
	s5 =	sshll.u32 s2, $0x8;
	v0 =	vunpack.c.l.s4.s8 v0;
	v1 =	vunpack.c.l.s4.s8 v1  }
0x9: {  	s8 =	ssub.s32 $0x2, s4;
	s4 =	sshll.u32 s4, $0x7;
	_ =	strace $0x8000004A  }
0xa: {  	s9 =	sshrl.u32 s8, $0x1;
	s4 =	sor.u32 s4, s5;
	s5 =	sadd.s32 $0x187600, s6;
	v0 =	vunpack.c.0.s8.s32 v0;
	v1 =	vunpack.c.0.s8.s32 v1  }
0xb: {  	s6 =	sadd.s32 $0xC00, s6;
	s8 =	ssub.s32 s8, s9;
	s31 =	sshrl.u32 s4, $0x3  }
0xc: {  	s9 =	simm.s32 $0x3;
	s7 =	sadd.s32 s7, s31;
	s8 =	smax.u32 s8, $0x1;
	v0 =	vcombine.low v1, v0  }
.LBB2_1:
0xd: {  	[tilespmem:s3], [sflag:$0x3] =	stream.linear.gather [hbm4b:s7+s3], $0x80, $0x38;
	[tilespmem:$0xEA80] =	vst v63  }
0xe: {  	_ =	swait.ge [sflag:s9], $0x80  }
0xf: {  	[sflag:s9] =	ssyncset.done $0x0  }
0x10: {  	[sflag:s9] =	ssyncadd.s32 $0xFFFFFF80  }
0x11: {  	[tilespmem:s10], [sflag:$0x3] =	stream.linear.gather [hbm4b:s5+s3], $0x8000, $0x38;
	[tilespmem:$0xEA80] =	vst v63  }
0x12: {  	_ =	swait.ge [sflag:s9], $0x8000  }
0x13: {  	[sflag:s9] =	ssyncset.done $0x0  }
0x14: {  	[sflag:s9] =	ssyncadd.s32 $0xFFFF8000  }
0x15: {  	v1 =	vld [tilespmem:$0x0];
	_ =	sdelay $0x4  }
0x16: {  	v1 =	vadd.s32 $0x186A0, v1  }
0x17: {  	v2 =	vshra.s32 v1, $0x1;
	v3 =	vshra.s32 v1, $0x2;
	v4 =	vshra.s32 v1, $0x3  }
0x18: {  	v5 =	vshra.s32 v1, $0x4;
	v6 =	vshra.s32 v1, $0x5;
	v60 =	vshra.s32 v1, $0x6  }
0x19: {  	v62 =	vshra.s32 v1, $0x7;
	v63 =	vshra.s32 v1, $0x8;
	vm0 =	vgt.s32 v2, $0x1  }
0x1a: {  	v1 =	vshra.s32 v1, $0x9;
	vm8 =	vgt.s32 v3, $0x1;
	v2 =	vnsel vm0, $0x1, v2  }
0x1b: {  	vm9 =	vgt.s32 v4, $0x1;
	v3 =	vnsel vm8, $0x1, v3;
	v2 =	vadd.s32 $0xFFFFFFFF, v2  }
0x1c: {  	vm15 =	vgt.s32 v1, $0x1;
	v4 =	vnsel vm9, $0x1, v4;
	v3 =	vadd.s32 $0xFFFFFFFF, v3;
	[tilespmem:$0x80] =	vst v2  }
0x1d: {  	vm10 =	vgt.s32 v5, $0x1;
	v1 =	vnsel vm15, $0x1, v1;
	v4 =	vadd.s32 $0xFFFFFFFF, v4;
	[tilespmem:$0x90] =	vst v3  }
0x1e: {  	vm11 =	vgt.s32 v6, $0x1;
	v1 =	vadd.s32 $0xFFFFFFFF, v1;
	v2 =	vnsel vm10, $0x1, v5;
	[tilespmem:$0xA0] =	vst v4  }
0x1f: {  	vm12 =	vgt.s32 v60, $0x1;
	v3 =	vnsel vm11, $0x1, v6;
	[tilespmem:$0x180] =	vst v1;
	v2 =	vadd.s32 $0xFFFFFFFF, v2  }
0x20: {  	vm13 =	vgt.s32 v62, $0x1;
	v61 =	vnsel vm12, $0x1, v60;
	v3 =	vadd.s32 $0xFFFFFFFF, v3;
	[tilespmem:$0xB0] =	vst v2  }
0x21: {  	vm14 =	vgt.s32 v63, $0x1;
	v2 =	vadd.s32 $0xFFFFFFFF, v61;
	[tilespmem:$0xC0] =	vst v3;
	v3 =	vnsel vm13, $0x1, v62  }
0x22: {  	[tilespmem:$0xD0] =	vst v2;
	v2 =	vadd.s32 $0xFFFFFFFF, v3;
	v3 =	vnsel vm14, $0x1, v63  }
0x23: {  	[tilespmem:$0xE0] =	vst v2;
	v2 =	vadd.s32 $0xFFFFFFFF, v3  }
0x24: {  	[tilespmem:$0xF0] =	vst v2  }
0x25: {  	[tilespmem:s12], [sflag:$0x1] =	stream.indirect.gather [hbm4b:s5+s11], $0x80, s11, s11, $0xb8;
	[tilespmem:$0xEA80] =	vst v63  }
0x26: {  	s22 =	simm.s32 $0x0  }
0x27: {  	[tilespmem:s15], [sflag:$0x2] =	stream.indirect.gather [hbm4b:s5+s13], $0x80, s14, s13, $0xb8;
	[tilespmem:$0xEA80] =	vst v63  }
.LBB2_2:
0x28: {  	s23 =	sshll.u32 s22, $0x4  }
0x29: {  	s24 =	sor.u32 s4, s23  }
0x2a: {  	s21 =	sshll.u32 s24, $0x4  }
0x2b: {  	s25 =	sadd.s32 s1, s21;
	s21 =	simm.s32 $0x0  }
0x2c: {  	[tilespmem:s16], [sflag:$0x3] =	stream.linear.gather [hbm4b:s25+s21], $0x800, $0x38;
	[tilespmem:$0xEA80] =	vst v63  }
0x2d: {  	_ =	swait.ge [sflag:s9], $0x800  }
0x2e: {  	[sflag:s9] =	ssyncset.done $0x0  }
0x2f: {  	[sflag:s9] =	ssyncadd.s32 $0xFFFFF800  }
0x30: {  	_ =	swait.ge [sflag:s17], $0x4000  }
0x31: {  	s26 =	simm.s32 $0xCAC0;
	[sflag:s17] =	ssyncset.done $0x0  }
0x32: {  	s28 =	simm.s32 $0x0;
	s25 =	simm.s32 $0x2280;
	[sflag:s17] =	ssyncadd.s32 $0xFFFFC000  }
.LBB2_3:
0x33: {  	v1 =	vld [tilespmem:s26+$0xFFFFFFC0]  }
0x34: {  	v2 =	vld [tilespmem:s26+$0xFFFFFFD0]  }
0x35: {  	v3 =	vld [tilespmem:s26+$0xFFFFFFE0]  }
0x36: {  	v4 =	vld [tilespmem:s26+$0xFFFFFFF0]  }
0x37: {  	v5 =	vld [tilespmem:s26+$0x0]  }
0x38: {  	v6 =	vld [tilespmem:s26+$0x10]  }
0x39: {  	v7 =	vld [tilespmem:s26+$0x20]  }
0x3a: {  	v8 =	vld [tilespmem:s26+$0x30]  }
0x3b: {  	v9 =	vld [tilespmem:s25+$0xFFFFE000]  }
0x3c: {  	v10 =	vld [tilespmem:s25+$0xFFFFE010]  }
0x3d: {  	v11 =	vld [tilespmem:s25+$0xFFFFE020]  }
0x3e: {  	v12 =	vld [tilespmem:s25+$0xFFFFE030]  }
0x3f: {  	v13 =	vld [tilespmem:s25+$0xFFFFE040]  }
0x40: {  	v14 =	vld [tilespmem:s25+$0xFFFFE050]  }
0x41: {  	v15 =	vld [tilespmem:s25+$0xFFFFE060]  }
0x42: {  	v16 =	vld [tilespmem:s25+$0xFFFFE070];
	_ =	sdelay $0x1  }
0x43: {  	v9 =	vmul.f32 v9, v1;
	v10 =	vmul.f32 v10, v2  }
0x44: {  	v11 =	vmul.f32 v11, v3;
	v12 =	vmul.f32 v12, v4  }
0x45: {  	v13 =	vmul.f32 v13, v5;
	v14 =	vmul.f32 v14, v6  }
0x46: {  	v15 =	vmul.f32 v15, v7;
	v16 =	vmul.f32 v16, v8  }
0x47: {  	v9 =	vadd.f32 v10, v9;
	v31 =	vadd.f32 v12, v11  }
0x48: {  	v32 =	vadd.f32 v14, v13;
	v33 =	vadd.f32 v16, v15  }
0x49: {  	s29 =	sshrl.u32 s28, $0x3  }
0x4a: {  	s29 =	smul.u32 $0x3000, s29;
	v9 =	vadd.f32 v31, v9;
	v34 =	vadd.f32 v33, v32;
	_ =	sdelay $0x1  }
0x4b: {  	s30 =	sand.u32 $0x380, s21;
	s29 =	sshra.s32 s29, $0x2;
	v9 =	vadd.f32 v34, v9  }
0x4c: {  	s29 =	sor.u32 s30, s29  }
0x4d: {  	[tilespmem:s29+$0xD280] =	vst v9  }
0x4e: {  	v9 =	vld [tilespmem:s25+$0xFFFFE800]  }
0x4f: {  	v35 =	vld [tilespmem:s25+$0xFFFFE810]  }
0x50: {  	v36 =	vld [tilespmem:s25+$0xFFFFE820]  }
0x51: {  	v37 =	vld [tilespmem:s25+$0xFFFFE830]  }
0x52: {  	v38 =	vld [tilespmem:s25+$0xFFFFE840]  }
0x53: {  	v39 =	vld [tilespmem:s25+$0xFFFFE850]  }
0x54: {  	v40 =	vld [tilespmem:s25+$0xFFFFE860]  }
0x55: {  	v41 =	vld [tilespmem:s25+$0xFFFFE870];
	_ =	sdelay $0x1  }
0x56: {  	v9 =	vmul.f32 v9, v1;
	v10 =	vmul.f32 v35, v2  }
0x57: {  	v11 =	vmul.f32 v36, v3;
	v12 =	vmul.f32 v37, v4  }
0x58: {  	v13 =	vmul.f32 v38, v5;
	v14 =	vmul.f32 v39, v6  }
0x59: {  	v15 =	vmul.f32 v40, v7;
	v16 =	vmul.f32 v41, v8  }
0x5a: {  	v9 =	vadd.f32 v10, v9;
	v42 =	vadd.f32 v12, v11  }
0x5b: {  	v43 =	vadd.f32 v14, v13;
	v44 =	vadd.f32 v16, v15;
	_ =	sdelay $0x1  }
0x5c: {  	v9 =	vadd.f32 v42, v9;
	v45 =	vadd.f32 v44, v43;
	_ =	sdelay $0x1  }
0x5d: {  	v9 =	vadd.f32 v45, v9;
	_ =	sdelay $0x1  }
0x5e: {  	[tilespmem:s29+$0xD290] =	vst v9  }
0x5f: {  	v9 =	vld [tilespmem:s25+$0xFFFFF000]  }
0x60: {  	v46 =	vld [tilespmem:s25+$0xFFFFF010]  }
0x61: {  	v47 =	vld [tilespmem:s25+$0xFFFFF020]  }
0x62: {  	v48 =	vld [tilespmem:s25+$0xFFFFF030]  }
0x63: {  	v49 =	vld [tilespmem:s25+$0xFFFFF040]  }
0x64: {  	v50 =	vld [tilespmem:s25+$0xFFFFF050]  }
0x65: {  	v51 =	vld [tilespmem:s25+$0xFFFFF060]  }
0x66: {  	v52 =	vld [tilespmem:s25+$0xFFFFF070];
	_ =	sdelay $0x1  }
0x67: {  	v9 =	vmul.f32 v9, v1;
	v10 =	vmul.f32 v46, v2  }
0x68: {  	v11 =	vmul.f32 v47, v3;
	v12 =	vmul.f32 v48, v4  }
0x69: {  	v13 =	vmul.f32 v49, v5;
	v14 =	vmul.f32 v50, v6  }
0x6a: {  	v15 =	vmul.f32 v51, v7;
	v16 =	vmul.f32 v52, v8  }
0x6b: {  	v9 =	vadd.f32 v10, v9;
	v53 =	vadd.f32 v12, v11  }
0x6c: {  	v54 =	vadd.f32 v14, v13;
	v55 =	vadd.f32 v16, v15;
	_ =	sdelay $0x1  }
0x6d: {  	v9 =	vadd.f32 v53, v9;
	v56 =	vadd.f32 v55, v54;
	_ =	sdelay $0x1  }
0x6e: {  	v9 =	vadd.f32 v56, v9;
	_ =	sdelay $0x1  }
0x6f: {  	[tilespmem:s29+$0xD2A0] =	vst v9  }
0x70: {  	v9 =	vld [tilespmem:s25+$0xFFFFF800]  }
0x71: {  	v57 =	vld [tilespmem:s25+$0xFFFFF810]  }
0x72: {  	v58 =	vld [tilespmem:s25+$0xFFFFF820]  }
0x73: {  	v59 =	vld [tilespmem:s25+$0xFFFFF830]  }
0x74: {  	v60 =	vld [tilespmem:s25+$0xFFFFF840]  }
0x75: {  	v61 =	vld [tilespmem:s25+$0xFFFFF850]  }
0x76: {  	v62 =	vld [tilespmem:s25+$0xFFFFF860]  }
0x77: {  	v63 =	vld [tilespmem:s25+$0xFFFFF870];
	_ =	sdelay $0x1  }
0x78: {  	v9 =	vmul.f32 v9, v1;
	v10 =	vmul.f32 v57, v2  }
0x79: {  	v11 =	vmul.f32 v58, v3;
	v12 =	vmul.f32 v59, v4  }
0x7a: {  	v13 =	vmul.f32 v60, v5;
	v14 =	vmul.f32 v61, v6  }
0x7b: {  	v15 =	vmul.f32 v62, v7;
	v16 =	vmul.f32 v63, v8  }
0x7c: {  	v9 =	vadd.f32 v10, v9;
	v19 =	vadd.f32 v12, v11  }
0x7d: {  	v20 =	vadd.f32 v14, v13;
	v21 =	vadd.f32 v16, v15;
	_ =	sdelay $0x1  }
0x7e: {  	v9 =	vadd.f32 v19, v9;
	v22 =	vadd.f32 v21, v20;
	_ =	sdelay $0x1  }
0x7f: {  	v9 =	vadd.f32 v22, v9;
	_ =	sdelay $0x1  }
0x80: {  	[tilespmem:s29+$0xD2B0] =	vst v9  }
0x81: {  	v9 =	vld [tilespmem:s25+$0x0]  }
0x82: {  	v23 =	vld [tilespmem:s25+$0x10]  }
0x83: {  	v24 =	vld [tilespmem:s25+$0x20]  }
0x84: {  	v25 =	vld [tilespmem:s25+$0x30]  }
0x85: {  	v26 =	vld [tilespmem:s25+$0x40]  }
0x86: {  	v27 =	vld [tilespmem:s25+$0x50]  }
0x87: {  	v28 =	vld [tilespmem:s25+$0x60]  }
0x88: {  	v29 =	vld [tilespmem:s25+$0x70];
	_ =	sdelay $0x1  }
0x89: {  	v9 =	vmul.f32 v9, v1;
	v10 =	vmul.f32 v23, v2  }
0x8a: {  	v11 =	vmul.f32 v24, v3;
	v12 =	vmul.f32 v25, v4  }
0x8b: {  	v13 =	vmul.f32 v26, v5;
	v14 =	vmul.f32 v27, v6  }
0x8c: {  	v15 =	vmul.f32 v28, v7;
	v16 =	vmul.f32 v29, v8  }
0x8d: {  	v9 =	vadd.f32 v10, v9;
	v30 =	vadd.f32 v12, v11  }
0x8e: {  	v31 =	vadd.f32 v14, v13;
	v32 =	vadd.f32 v16, v15;
	_ =	sdelay $0x1  }
0x8f: {  	v9 =	vadd.f32 v30, v9;
	v33 =	vadd.f32 v32, v31;
	_ =	sdelay $0x1  }
0x90: {  	v9 =	vadd.f32 v33, v9;
	_ =	sdelay $0x1  }
0x91: {  	[tilespmem:s29+$0xD2C0] =	vst v9  }
0x92: {  	v9 =	vld [tilespmem:s25+$0x800]  }
0x93: {  	v34 =	vld [tilespmem:s25+$0x810]  }
0x94: {  	v35 =	vld [tilespmem:s25+$0x820]  }
0x95: {  	v36 =	vld [tilespmem:s25+$0x830]  }
0x96: {  	v37 =	vld [tilespmem:s25+$0x840]  }
0x97: {  	v38 =	vld [tilespmem:s25+$0x850]  }
0x98: {  	v39 =	vld [tilespmem:s25+$0x860]  }
0x99: {  	v40 =	vld [tilespmem:s25+$0x870];
	_ =	sdelay $0x1  }
0x9a: {  	v9 =	vmul.f32 v9, v1;
	v10 =	vmul.f32 v34, v2  }
0x9b: {  	v11 =	vmul.f32 v35, v3;
	v12 =	vmul.f32 v36, v4  }
0x9c: {  	v13 =	vmul.f32 v37, v5;
	v14 =	vmul.f32 v38, v6  }
0x9d: {  	v15 =	vmul.f32 v39, v7;
	v16 =	vmul.f32 v40, v8  }
0x9e: {  	v9 =	vadd.f32 v10, v9;
	v41 =	vadd.f32 v12, v11  }
0x9f: {  	v42 =	vadd.f32 v14, v13;
	v43 =	vadd.f32 v16, v15;
	_ =	sdelay $0x1  }
0xa0: {  	v9 =	vadd.f32 v41, v9;
	v44 =	vadd.f32 v43, v42;
	_ =	sdelay $0x1  }
0xa1: {  	v9 =	vadd.f32 v44, v9;
	_ =	sdelay $0x1  }
0xa2: {  	[tilespmem:s29+$0xD2D0] =	vst v9  }
0xa3: {  	v9 =	vld [tilespmem:s25+$0x1000]  }
0xa4: {  	v45 =	vld [tilespmem:s25+$0x1010]  }
0xa5: {  	v46 =	vld [tilespmem:s25+$0x1020]  }
0xa6: {  	v47 =	vld [tilespmem:s25+$0x1030]  }
0xa7: {  	v48 =	vld [tilespmem:s25+$0x1040]  }
0xa8: {  	v49 =	vld [tilespmem:s25+$0x1050]  }
0xa9: {  	v50 =	vld [tilespmem:s25+$0x1060]  }
0xaa: {  	v51 =	vld [tilespmem:s25+$0x1070];
	_ =	sdelay $0x1  }
0xab: {  	v9 =	vmul.f32 v9, v1;
	v10 =	vmul.f32 v45, v2  }
0xac: {  	v11 =	vmul.f32 v46, v3;
	v12 =	vmul.f32 v47, v4  }
0xad: {  	v13 =	vmul.f32 v48, v5;
	v14 =	vmul.f32 v49, v6  }
0xae: {  	v15 =	vmul.f32 v50, v7;
	v16 =	vmul.f32 v51, v8  }
0xaf: {  	v9 =	vadd.f32 v10, v9;
	v52 =	vadd.f32 v12, v11  }
0xb0: {  	v53 =	vadd.f32 v14, v13;
	v54 =	vadd.f32 v16, v15;
	_ =	sdelay $0x1  }
0xb1: {  	v9 =	vadd.f32 v52, v9;
	v55 =	vadd.f32 v54, v53;
	_ =	sdelay $0x1  }
0xb2: {  	v9 =	vadd.f32 v55, v9;
	_ =	sdelay $0x1  }
0xb3: {  	[tilespmem:s29+$0xD2E0] =	vst v9  }
0xb4: {  	v9 =	vld [tilespmem:s25+$0x1800]  }
0xb5: {  	v56 =	vld [tilespmem:s25+$0x1810]  }
0xb6: {  	v57 =	vld [tilespmem:s25+$0x1820]  }
0xb7: {  	v58 =	vld [tilespmem:s25+$0x1830]  }
0xb8: {  	v59 =	vld [tilespmem:s25+$0x1840]  }
0xb9: {  	v60 =	vld [tilespmem:s25+$0x1850]  }
0xba: {  	v61 =	vld [tilespmem:s25+$0x1860]  }
0xbb: {  	v62 =	vld [tilespmem:s25+$0x1870];
	_ =	sdelay $0x1  }
0xbc: {  	v1 =	vmul.f32 v9, v1;
	v2 =	vmul.f32 v56, v2  }
0xbd: {  	v3 =	vmul.f32 v57, v3;
	v4 =	vmul.f32 v58, v4  }
0xbe: {  	v5 =	vmul.f32 v59, v5;
	v6 =	vmul.f32 v60, v6  }
0xbf: {  	v7 =	vmul.f32 v61, v7;
	v8 =	vmul.f32 v62, v8  }
0xc0: {  	v1 =	vadd.f32 v2, v1;
	v2 =	vadd.f32 v4, v3  }
0xc1: {  	v3 =	vadd.f32 v6, v5;
	v63 =	vadd.f32 v8, v7  }
0xc2: {  	p0 =	sne.s32 s28, $0xF  }
.Ltmp0:
0xc3: {  	v1 =	vadd.f32 v2, v1;
	v2 =	vadd.f32 v63, v3;
	(pc) =	sbr.rel @p0 .LBB2_3-.Ltmp0, $4  }
0xc4: {  	_ = 	snop  }
0xc5: {  	v1 =	vadd.f32 v2, v1  }
0xc6: {  	s21 =	sadd.s32 $0x80, s21  }
0xc7: {  	s26 =	sadd.s32 $0x80, s26;
	s28 =	sadd.s32 $0x1, s28;
	s25 =	sadd.s32 $0x80, s25;
	[tilespmem:s29+$0xD2F0] =	vst v1  }
0xc8: {  	s21 =	sadd.s32 $0x1, s22;
	p0 =	seq.s32 s22, $0x7  }
0xc9: {  	s25 =	sshll.u32 @!p0 s21, $0x4  }
0xca: {  	s25 =	sand.u32 @!p0 $0x3FFFFFF0, s25  }
0xcb: {  	v1 =	vld @!p0 [tilespmem:s25+$0x0];
	_ =	sdelay $0x4  }
0xcc: {  	v1 =	vadd.s32 @!p0 $0x186A0, v1  }
0xcd: {  	v2 =	vshra.s32 @!p0 v1, $0x1  }
0xce: {  	v3 =	vshra.s32 @!p0 v1, $0x2;
	vm0 =	vgt.s32 @!p0 v2, $0x1  }
0xcf: {  	v4 =	vshra.s32 @!p0 v1, $0x3;
	v2 =	vnsel @!p0 vm0, $0x1, v2;
	vm0 =	vgt.s32 @!p0 v3, $0x1  }
0xd0: {  	s22 =	sand.u32 $0x1, s22;
	v5 =	vshra.s32 @!p0 v1, $0x4;
	v3 =	vnsel @!p0 vm0, $0x1, v3;
	vm0 =	vgt.s32 @!p0 v4, $0x1  }
0xd1: {  	s25 =	sshll.u32 @!p0 s22, $0x7;
	v6 =	vshra.s32 @!p0 v1, $0x5;
	v2 =	vadd.s32 @!p0 $0xFFFFFFFF, v2;
	v4 =	vnsel @!p0 vm0, $0x1, v4  }
0xd2: {  	s22 =	sxor.u32 @!p0 $0x80, s25;
	v3 =	vadd.s32 @!p0 $0xFFFFFFFF, v3;
	vm0 =	vgt.s32 @!p0 v5, $0x1;
	v4 =	vadd.s32 @!p0 $0xFFFFFFFF, v4  }
0xd3: {  	s26 =	ssub.s32 @!p0 $0x110, s25;
	[tilespmem:s22+$0x80] =	vst @!p0 v2;
	v2 =	vnsel @!p0 vm0, $0x1, v5;
	vm0 =	vgt.s32 @!p0 v6, $0x1;
	v5 =	vshra.s32 @!p0 v1, $0x6  }
0xd4: {  	[tilespmem:s26+$0x0] =	vst @!p0 v3;
	s26 =	ssub.s32 @!p0 $0x120, s25;
	v2 =	vadd.s32 @!p0 $0xFFFFFFFF, v2;
	v3 =	vnsel @!p0 vm0, $0x1, v6;
	vm0 =	vgt.s32 @!p0 v5, $0x1  }
0xd5: {  	[tilespmem:s26+$0x0] =	vst @!p0 v4;
	s26 =	ssub.s32 @!p0 $0x130, s25;
	v3 =	vadd.s32 @!p0 $0xFFFFFFFF, v3;
	v4 =	vnsel @!p0 vm0, $0x1, v5;
	v5 =	vshra.s32 @!p0 v1, $0x7  }
0xd6: {  	[tilespmem:s26+$0x0] =	vst @!p0 v2;
	s26 =	ssub.s32 @!p0 $0x140, s25;
	v2 =	vadd.s32 @!p0 $0xFFFFFFFF, v4;
	vm0 =	vgt.s32 @!p0 v5, $0x1;
	v4 =	vshra.s32 @!p0 v1, $0x8  }
0xd7: {  	[tilespmem:s26+$0x0] =	vst @!p0 v3;
	s26 =	ssub.s32 @!p0 $0x150, s25;
	v1 =	vshra.s32 @!p0 v1, $0x9;
	v3 =	vnsel @!p0 vm0, $0x1, v5;
	vm0 =	vgt.s32 @!p0 v4, $0x1  }
0xd8: {  	[tilespmem:s26+$0x0] =	vst @!p0 v2;
	s26 =	ssub.s32 @!p0 $0x160, s25;
	v2 =	vadd.s32 @!p0 $0xFFFFFFFF, v3;
	v3 =	vnsel @!p0 vm0, $0x1, v4;
	vm0 =	vgt.s32 @!p0 v1, $0x1  }
0xd9: {  	s25 =	ssub.s32 @!p0 $0x170, s25;
	[tilespmem:s26+$0x0] =	vst @!p0 v2;
	v2 =	vadd.s32 @!p0 $0xFFFFFFFF, v3;
	v1 =	vnsel @!p0 vm0, $0x1, v1  }
0xda: {  	[tilespmem:s25+$0x0] =	vst @!p0 v2;
	v1 =	vadd.s32 @!p0 $0xFFFFFFFF, v1  }
0xdb: {  	s28 =	simm.s32 @!p0 $0x280;
	s26 =	simm.s32 @!p0 $0x80;
	s25 =	sadd.s32 @!p0 $0x80, s22;
	[tilespmem:s22+$0x180] =	vst @!p0 v1  }
0xdc: {  	[tilespmem:s28], [sflag:$0x1] =	stream.indirect.gather @!p0 [hbm4b:s5+s26], $0x80, s25, s26, $0xb8;
	[tilespmem:$0xEA80] =	vst v63  }
0xdd: {  	_ =	swait.ge [sflag:s18], $0x800  }
0xde: {  	[sflag:s18] =	ssyncset.done $0x0  }
0xdf: {  	s24 =	sshrl.u32 s24, $0x3;
	s25 =	simm.s32 $0x0;
	[sflag:s18] =	ssyncadd.s32 $0xFFFFF800  }
0xe0: {  	s26 =	simm.s32 $0x42C0;
	s28 =	simm.s32 $0x0;
	v1 =	vld [tilespmem:s23+$0x0];
	s23 =	simm.s32 $0xCAC0  }
.LBB2_5:
0xe1: {  	v2 =	vld [tilespmem:s23+$0xFFFFFFC0]  }
0xe2: {  	v3 =	vld [tilespmem:s23+$0xFFFFFFD0]  }
0xe3: {  	v4 =	vld [tilespmem:s23+$0xFFFFFFE0]  }
0xe4: {  	v5 =	vld [tilespmem:s23+$0xFFFFFFF0]  }
0xe5: {  	v6 =	vld [tilespmem:s23+$0x0]  }
0xe6: {  	v7 =	vld [tilespmem:s23+$0x10]  }
0xe7: {  	v8 =	vld [tilespmem:s23+$0x20]  }
0xe8: {  	v9 =	vld [tilespmem:s23+$0x30]  }
0xe9: {  	v10 =	vld [tilespmem:s26+$0xFFFFFFC0];
	(v2sf) =	vpush v1, $0x0  }
0xea: {  	v11 =	vld [tilespmem:s26+$0xFFFFFFD0]  }
0xeb: {  	v12 =	vld [tilespmem:s26+$0xFFFFFFE0]  }
0xec: {  	v13 =	vld [tilespmem:s26+$0xFFFFFFF0]  }
0xed: {  	v14 =	vld [tilespmem:s26+$0x0]  }
0xee: {  	v15 =	vld [tilespmem:s26+$0x10]  }
0xef: {  	v16 =	vld [tilespmem:s26+$0x20]  }
0xf0: {  	v17 =	vld [tilespmem:s26+$0x30];
	_ =	sdelay $0x1  }
0xf1: {  	v10 =	vmul.f32 v10, v2;
	v11 =	vmul.f32 v11, v3  }
0xf2: {  	v12 =	vmul.f32 v12, v4;
	v13 =	vmul.f32 v13, v5  }
0xf3: {  	v14 =	vmul.f32 v14, v6;
	v15 =	vmul.f32 v15, v7  }
0xf4: {  	v16 =	vmul.f32 v16, v8;
	v17 =	vmul.f32 v17, v9  }
0xf5: {  	v10 =	vadd.f32 v11, v10;
	v20 =	vadd.f32 v13, v12  }
0xf6: {  	v21 =	vadd.f32 v15, v14;
	v22 =	vadd.f32 v17, v16  }
0xf7: {  	s29 =	sshrl.u32 s28, $0x3;
	s30 =	spop (v2sf)  }
0xf8: {  	s29 =	smul.u32 $0x3000, s29;
	v10 =	vadd.f32 v20, v10;
	v23 =	vadd.f32 v22, v21;
	s30 =	sadd.s32 $0x186A0, s30  }
0xf9: {  	s31 =	sshra.s32 s30, $0xA  }
0xfa: {  	s0 =	sand.u32 $0x380, s25;
	s29 =	sshra.s32 s29, $0x2;
	v10 =	vadd.f32 v23, v10;
	p1 =	sgt.s32 s31, $0x1  }
0xfb: {  	s29 =	sor.u32 s0, s29;
	s31 =	simm.s32 @!p1 $0x1  }
0xfc: {  	[tilespmem:s29+$0xD680] =	vst v10;
	s31 =	sshll.u32 s31, $0x7  }
0xfd: {  	v10 =	vld [tilespmem:s31+$0x4A00]  }
0xfe: {  	v24 =	vld [tilespmem:s31+$0x4A10]  }
0xff: {  	v25 =	vld [tilespmem:s31+$0x4A20]  }
0x100: {  	v26 =	vld [tilespmem:s31+$0x4A30]  }
0x101: {  	v27 =	vld [tilespmem:s31+$0x4A40]  }
0x102: {  	v28 =	vld [tilespmem:s31+$0x4A50]  }
0x103: {  	v29 =	vld [tilespmem:s31+$0x4A60]  }
0x104: {  	v30 =	vld [tilespmem:s31+$0x4A70];
	_ =	sdelay $0x1  }
0x105: {  	v10 =	vmul.f32 v10, v2;
	v11 =	vmul.f32 v24, v3  }
0x106: {  	v12 =	vmul.f32 v25, v4;
	v13 =	vmul.f32 v26, v5  }
0x107: {  	v14 =	vmul.f32 v27, v6;
	v15 =	vmul.f32 v28, v7  }
0x108: {  	v16 =	vmul.f32 v29, v8;
	v17 =	vmul.f32 v30, v9  }
0x109: {  	v10 =	vadd.f32 v11, v10;
	v31 =	vadd.f32 v13, v12  }
0x10a: {  	v32 =	vadd.f32 v15, v14;
	v33 =	vadd.f32 v17, v16;
	_ =	sdelay $0x1  }
0x10b: {  	v10 =	vadd.f32 v31, v10;
	v34 =	vadd.f32 v33, v32  }
0x10c: {  	s0 =	sshra.s32 s30, $0xB  }
0x10d: {  	p1 =	sgt.s32 s0, $0x1;
	v10 =	vadd.f32 v34, v10  }
0x10e: {  	s0 =	simm.s32 @!p1 $0x1  }
0x10f: {  	s0 =	sshll.u32 s0, $0x7;
	[tilespmem:s29+$0xD690] =	vst v10  }
0x110: {  	v10 =	vld [tilespmem:s0+$0x4A00]  }
0x111: {  	v35 =	vld [tilespmem:s0+$0x4A10]  }
0x112: {  	v36 =	vld [tilespmem:s0+$0x4A20]  }
0x113: {  	v37 =	vld [tilespmem:s0+$0x4A30]  }
0x114: {  	v38 =	vld [tilespmem:s0+$0x4A40]  }
0x115: {  	v39 =	vld [tilespmem:s0+$0x4A50]  }
0x116: {  	v40 =	vld [tilespmem:s0+$0x4A60]  }
0x117: {  	v41 =	vld [tilespmem:s0+$0x4A70];
	_ =	sdelay $0x1  }
0x118: {  	v10 =	vmul.f32 v10, v2;
	v11 =	vmul.f32 v35, v3  }
0x119: {  	v12 =	vmul.f32 v36, v4;
	v13 =	vmul.f32 v37, v5  }
0x11a: {  	v14 =	vmul.f32 v38, v6;
	v15 =	vmul.f32 v39, v7  }
0x11b: {  	v16 =	vmul.f32 v40, v8;
	v17 =	vmul.f32 v41, v9  }
0x11c: {  	v10 =	vadd.f32 v11, v10;
	v42 =	vadd.f32 v13, v12  }
0x11d: {  	v43 =	vadd.f32 v15, v14;
	v44 =	vadd.f32 v17, v16;
	_ =	sdelay $0x1  }
0x11e: {  	v10 =	vadd.f32 v42, v10;
	v45 =	vadd.f32 v44, v43  }
0x11f: {  	s0 =	sshra.s32 s30, $0xC  }
0x120: {  	p1 =	sgt.s32 s0, $0x1;
	v10 =	vadd.f32 v45, v10  }
0x121: {  	s0 =	simm.s32 @!p1 $0x1  }
0x122: {  	s0 =	sshll.u32 s0, $0x7;
	[tilespmem:s29+$0xD6A0] =	vst v10  }
0x123: {  	v10 =	vld [tilespmem:s0+$0x4A00]  }
0x124: {  	v46 =	vld [tilespmem:s0+$0x4A10]  }
0x125: {  	v47 =	vld [tilespmem:s0+$0x4A20]  }
0x126: {  	v48 =	vld [tilespmem:s0+$0x4A30]  }
0x127: {  	v49 =	vld [tilespmem:s0+$0x4A40]  }
0x128: {  	v50 =	vld [tilespmem:s0+$0x4A50]  }
0x129: {  	v51 =	vld [tilespmem:s0+$0x4A60]  }
0x12a: {  	v52 =	vld [tilespmem:s0+$0x4A70];
	_ =	sdelay $0x1  }
0x12b: {  	v10 =	vmul.f32 v10, v2;
	v11 =	vmul.f32 v46, v3  }
0x12c: {  	v12 =	vmul.f32 v47, v4;
	v13 =	vmul.f32 v48, v5  }
0x12d: {  	v14 =	vmul.f32 v49, v6;
	v15 =	vmul.f32 v50, v7  }
0x12e: {  	v16 =	vmul.f32 v51, v8;
	v17 =	vmul.f32 v52, v9  }
0x12f: {  	v10 =	vadd.f32 v11, v10;
	v53 =	vadd.f32 v13, v12  }
0x130: {  	v54 =	vadd.f32 v15, v14;
	v55 =	vadd.f32 v17, v16;
	_ =	sdelay $0x1  }
0x131: {  	v10 =	vadd.f32 v53, v10;
	v56 =	vadd.f32 v55, v54  }
0x132: {  	s0 =	sshra.s32 s30, $0xD  }
0x133: {  	p1 =	sgt.s32 s0, $0x1;
	v10 =	vadd.f32 v56, v10  }
0x134: {  	s0 =	simm.s32 @!p1 $0x1  }
0x135: {  	s0 =	sshll.u32 s0, $0x7;
	[tilespmem:s29+$0xD6B0] =	vst v10  }
0x136: {  	v10 =	vld [tilespmem:s0+$0x4A00]  }
0x137: {  	v57 =	vld [tilespmem:s0+$0x4A10]  }
0x138: {  	v58 =	vld [tilespmem:s0+$0x4A20]  }
0x139: {  	v59 =	vld [tilespmem:s0+$0x4A30]  }
0x13a: {  	v60 =	vld [tilespmem:s0+$0x4A40]  }
0x13b: {  	v61 =	vld [tilespmem:s0+$0x4A50]  }
0x13c: {  	v62 =	vld [tilespmem:s0+$0x4A60]  }
0x13d: {  	v63 =	vld [tilespmem:s0+$0x4A70];
	_ =	sdelay $0x1  }
0x13e: {  	v10 =	vmul.f32 v10, v2;
	v11 =	vmul.f32 v57, v3  }
0x13f: {  	v12 =	vmul.f32 v58, v4;
	v13 =	vmul.f32 v59, v5  }
0x140: {  	v14 =	vmul.f32 v60, v6;
	v15 =	vmul.f32 v61, v7  }
0x141: {  	v16 =	vmul.f32 v62, v8;
	v17 =	vmul.f32 v63, v9  }
0x142: {  	v10 =	vadd.f32 v11, v10;
	v18 =	vadd.f32 v13, v12  }
0x143: {  	v19 =	vadd.f32 v15, v14;
	v20 =	vadd.f32 v17, v16;
	_ =	sdelay $0x1  }
0x144: {  	v10 =	vadd.f32 v18, v10;
	v21 =	vadd.f32 v20, v19  }
0x145: {  	s0 =	sshra.s32 s30, $0xE  }
0x146: {  	p1 =	sgt.s32 s0, $0x1;
	v10 =	vadd.f32 v21, v10  }
0x147: {  	s0 =	simm.s32 @!p1 $0x1  }
0x148: {  	s0 =	sshll.u32 s0, $0x7;
	[tilespmem:s29+$0xD6C0] =	vst v10  }
0x149: {  	v10 =	vld [tilespmem:s0+$0x4A00]  }
0x14a: {  	v22 =	vld [tilespmem:s0+$0x4A10]  }
0x14b: {  	v23 =	vld [tilespmem:s0+$0x4A20]  }
0x14c: {  	v24 =	vld [tilespmem:s0+$0x4A30]  }
0x14d: {  	v25 =	vld [tilespmem:s0+$0x4A40]  }
0x14e: {  	v26 =	vld [tilespmem:s0+$0x4A50]  }
0x14f: {  	v27 =	vld [tilespmem:s0+$0x4A60]  }
0x150: {  	v28 =	vld [tilespmem:s0+$0x4A70];
	_ =	sdelay $0x1  }
0x151: {  	v10 =	vmul.f32 v10, v2;
	v11 =	vmul.f32 v22, v3  }
0x152: {  	v12 =	vmul.f32 v23, v4;
	v13 =	vmul.f32 v24, v5  }
0x153: {  	v14 =	vmul.f32 v25, v6;
	v15 =	vmul.f32 v26, v7  }
0x154: {  	v16 =	vmul.f32 v27, v8;
	v17 =	vmul.f32 v28, v9  }
0x155: {  	v10 =	vadd.f32 v11, v10;
	v29 =	vadd.f32 v13, v12  }
0x156: {  	v30 =	vadd.f32 v15, v14;
	v31 =	vadd.f32 v17, v16;
	_ =	sdelay $0x1  }
0x157: {  	v10 =	vadd.f32 v29, v10;
	v32 =	vadd.f32 v31, v30  }
0x158: {  	s0 =	sshra.s32 s30, $0xF  }
0x159: {  	p1 =	sgt.s32 s0, $0x1;
	v10 =	vadd.f32 v32, v10  }
0x15a: {  	s0 =	simm.s32 @!p1 $0x1  }
0x15b: {  	s0 =	sshll.u32 s0, $0x7;
	[tilespmem:s29+$0xD6D0] =	vst v10  }
0x15c: {  	v10 =	vld [tilespmem:s0+$0x4A00]  }
0x15d: {  	v33 =	vld [tilespmem:s0+$0x4A10]  }
0x15e: {  	v34 =	vld [tilespmem:s0+$0x4A20]  }
0x15f: {  	v35 =	vld [tilespmem:s0+$0x4A30]  }
0x160: {  	v36 =	vld [tilespmem:s0+$0x4A40]  }
0x161: {  	v37 =	vld [tilespmem:s0+$0x4A50]  }
0x162: {  	v38 =	vld [tilespmem:s0+$0x4A60]  }
0x163: {  	v39 =	vld [tilespmem:s0+$0x4A70];
	_ =	sdelay $0x1  }
0x164: {  	v10 =	vmul.f32 v10, v2;
	v11 =	vmul.f32 v33, v3  }
0x165: {  	v12 =	vmul.f32 v34, v4;
	v13 =	vmul.f32 v35, v5  }
0x166: {  	v14 =	vmul.f32 v36, v6;
	v15 =	vmul.f32 v37, v7  }
0x167: {  	v16 =	vmul.f32 v38, v8;
	v17 =	vmul.f32 v39, v9  }
0x168: {  	v10 =	vadd.f32 v11, v10;
	v40 =	vadd.f32 v13, v12  }
0x169: {  	v41 =	vadd.f32 v15, v14;
	v42 =	vadd.f32 v17, v16;
	_ =	sdelay $0x1  }
0x16a: {  	v10 =	vadd.f32 v40, v10;
	v43 =	vadd.f32 v42, v41  }
0x16b: {  	s0 =	sshra.s32 s30, $0x10  }
0x16c: {  	p1 =	sgt.s32 s0, $0x1;
	v10 =	vadd.f32 v43, v10  }
0x16d: {  	s0 =	simm.s32 @!p1 $0x1  }
0x16e: {  	s0 =	sshll.u32 s0, $0x7;
	[tilespmem:s29+$0xD6E0] =	vst v10  }
0x16f: {  	v10 =	vld [tilespmem:s0+$0x4A00]  }
0x170: {  	v44 =	vld [tilespmem:s0+$0x4A10]  }
0x171: {  	v45 =	vld [tilespmem:s0+$0x4A20]  }
0x172: {  	v46 =	vld [tilespmem:s0+$0x4A30]  }
0x173: {  	v47 =	vld [tilespmem:s0+$0x4A40]  }
0x174: {  	v48 =	vld [tilespmem:s0+$0x4A50]  }
0x175: {  	v49 =	vld [tilespmem:s0+$0x4A60]  }
0x176: {  	v50 =	vld [tilespmem:s0+$0x4A70];
	_ =	sdelay $0x1  }
0x177: {  	v10 =	vmul.f32 v10, v2;
	v11 =	vmul.f32 v44, v3  }
0x178: {  	v12 =	vmul.f32 v45, v4;
	v13 =	vmul.f32 v46, v5  }
0x179: {  	v14 =	vmul.f32 v47, v6;
	v15 =	vmul.f32 v48, v7  }
0x17a: {  	v16 =	vmul.f32 v49, v8;
	v17 =	vmul.f32 v50, v9  }
0x17b: {  	v10 =	vadd.f32 v11, v10;
	v51 =	vadd.f32 v13, v12  }
0x17c: {  	v52 =	vadd.f32 v15, v14;
	v53 =	vadd.f32 v17, v16;
	_ =	sdelay $0x1  }
0x17d: {  	v10 =	vadd.f32 v51, v10;
	v54 =	vadd.f32 v53, v52  }
0x17e: {  	s0 =	sshra.s32 s30, $0x11  }
0x17f: {  	p1 =	sgt.s32 s0, $0x1;
	v10 =	vadd.f32 v54, v10  }
0x180: {  	s0 =	simm.s32 @!p1 $0x1  }
0x181: {  	s0 =	sshll.u32 s0, $0x7;
	[tilespmem:s29+$0xD6F0] =	vst v10  }
0x182: {  	v10 =	vld [tilespmem:s0+$0x4A00]  }
0x183: {  	v55 =	vld [tilespmem:s0+$0x4A10]  }
0x184: {  	v56 =	vld [tilespmem:s0+$0x4A20]  }
0x185: {  	v57 =	vld [tilespmem:s0+$0x4A30]  }
0x186: {  	v58 =	vld [tilespmem:s0+$0x4A40]  }
0x187: {  	v59 =	vld [tilespmem:s0+$0x4A50]  }
0x188: {  	v60 =	vld [tilespmem:s0+$0x4A60]  }
0x189: {  	v61 =	vld [tilespmem:s0+$0x4A70];
	_ =	sdelay $0x1  }
0x18a: {  	v2 =	vmul.f32 v10, v2;
	v3 =	vmul.f32 v55, v3  }
0x18b: {  	v4 =	vmul.f32 v56, v4;
	v5 =	vmul.f32 v57, v5  }
0x18c: {  	v6 =	vmul.f32 v58, v6;
	v7 =	vmul.f32 v59, v7  }
0x18d: {  	v8 =	vmul.f32 v60, v8;
	v9 =	vmul.f32 v61, v9  }
0x18e: {  	v2 =	vadd.f32 v3, v2;
	v3 =	vadd.f32 v5, v4  }
0x18f: {  	v62 =	vadd.f32 v7, v6;
	v63 =	vadd.f32 v9, v8  }
0x190: {  	p1 =	sne.s32 s28, $0xF  }
.Ltmp1:
0x191: {  	v2 =	vadd.f32 v3, v2;
	v3 =	vadd.f32 v63, v62;
	(pc) =	sbr.rel @p1 .LBB2_5-.Ltmp1, $4  }
0x192: {  	_ = 	snop  }
0x193: {  	v2 =	vadd.f32 v3, v2  }
0x194: {  	s25 =	sadd.s32 $0x80, s25  }
0x195: {  	s23 =	sadd.s32 $0x80, s23;
	s26 =	sadd.s32 $0x80, s26;
	v1 =	vperm.xlane v1, v0;
	s28 =	sadd.s32 $0x1, s28;
	[tilespmem:s29+$0xDA80] =	vst v2  }
0x196: {  	s0 =	sadd.s32 @!p0 $0x180, s22  }
0x197: {  	s22 =	simm.s32 @!p0 $0x10;
	s23 =	simm.s32 @!p0 $0x4280;
	s24 =	smul.u32 $0x180, s24  }
0x198: {  	[tilespmem:s23], [sflag:$0x2] =	stream.indirect.gather @!p0 [hbm4b:s5+s22], $0x80, s0, s22, $0xb8;
	[tilespmem:$0xEA80] =	vst v63  }
0x199: {  	p0 =	sne.s32 s21, $0x8  }
.Ltmp2:
0x19a: {  	s31 =	sadd.s32 s6, s24;
	(pc) =	sbr.rel @p0 .LBB2_2-.Ltmp2, $4  }
0x19b: {  	[hbm4b:s31+s3] =	stream.linear.scatter [tilespmem:s19], [sflag:$0x3], $0x1800, $0x38;
	[tilespmem:$0xEA80] =	vst v63  }
0x19c: {  	_ =	swait.ge [sflag:s9], $0x1800  }
0x19d: {  	[sflag:s9] =	ssyncset.done $0x0  }
0x19e: {  	s22 =	smov.u32 s21;
	[sflag:s9] =	ssyncadd.s32 $0xFFFFE800  }
0x19f: {  	s20 =	sadd.s32 $0x1, s20  }
0x1a0: {  	p0 =	sne.s32 s20, s8  }
.Ltmp3:
0x1a1: {  	_ = 	snop;
	(pc) =	sbr.rel @p0 .LBB2_1-.Ltmp3, $1  }
0x1a2: {  	_ =	sdelay $0x3  }
0x1a3: {  	_ =	sfence.sel $0x180000  }
0x1a4: {  	[bflag:$0x0] =	sbarrier.arrive $0xFFFF  }
0x1a5: {  	_ =	strace $0x9000004A  }
0x1a6: {  	[bflag:$0x2] =	sbarrier.arrive $0xFFFF  }
0x1a7: {  	p0 =	sne.s32 s2, $0x0;
	s0 =	rddreg [dreg:$0x3]  }
0x1a8: {  	s0 =	sadd.s32 @!p0 $0x100000, s0  }
0x1a9: {  	[sflag:s0] =	ssyncadd.tile.s32 @!p0 $0x1;
	_ =	shalt  }
.Lfunc_end2:
_tile_overlayer_lowered:
.L_overlay_start_2:
0x1aa: {  	(tag) =	ssettag $0x2  }
0x1ab: {  	s0 =	rddreg [dreg:$0x0];
	s2 =	stileid.u32  }
0x1ac: {  	s1 =	rddreg [dreg:$0x1];
	p0 =	sne.s32 s2, $0x0  }
0x1ad: {  	s3 =	rddreg [dreg:$0x2];
	[bflag:$0x3] =	sbarrier.arrive $0xFFFF;
	s2 =	simm.s32 @!p0 $0x1C03  }
0x1ae: {  	[timem:s3], [sflag:s2] =	dma.local @!p0 [hbm:s0], s1  }
0x1af: {  	s0 =	simm.s32 @!p0 $0x3  }
0x1b0: {  	_ =	swait.ge @!p0 [sflag:s0], s1  }
0x1b1: {  	s1 =	ssub.s32 @!p0 $0x0, s1;
	[sflag:s0] =	ssyncset.done @!p0 $0x0  }
0x1b2: {  	[sflag:s0] =	ssyncadd.s32 @!p0 s1  }
0x1b3: {  	[bflag:$0x3] =	sbarrier.arrive $0xFFFF  }
0x1b4: {  	_ =	shalt  }

// kernel: sparse-core-data-format-call.cloned.1.call-start
scs
called_computation_lowered:
.L_overlay_start_0:
0x0: {  	s1 =	sld [smem:$0x3FD9]  }
0x1: {  	s2 =	sld [smem:$0x3FFE];
	_ =	sdelay $0x1  }
0x2: {  	s3 =	srdreg.scid  }
0x3: {  	s0 =	sand.u32 $0x1, s3  }
0x4: {  	s17 =	sshll.u32 s0, $0xA;
	s1 =	sadd.s32 s2, s1  }
0x5: {  	s1 =	sadd.s32 s1, s17  }
0x6: {  	[smem:$0x3FC5] =	sst s1  }
0x7: {  	_ = 	snop  }
0x8: {  	(tm) =	ssettm $0x1  }
0x9: {  	s18 =	sld [smem:$0x3FFB];
	_ =	sdelay $0x3  }
0xa: {  	_ =	strace s18  }
0xb: {  	s1 =	sld [smem:$0x3FFC];
	_ =	sdelay $0x3  }
0xc: {  	_ =	strace s1  }
0xd: {  	s1 =	sld [smem:$0x3FFD];
	_ =	sdelay $0x3  }
0xe: {  	_ =	strace s1  }
0xf: {  	_ =	strace $0x8FFFFFFF  }
0x10: {  	s19 =	sld [smem:$0x3FDB];
	_ =	sdelay $0x1  }
0x11: {  	s20 =	simm.s32 $_scs_section_size  }
0x12: {  	s4 =	simm.s32 $_size__tile_overlayer_lowered;
	s5 =	simm.s32 $_tile_overlayer_lowered  }
0x13: {  	s23 =	simm.s32 $0x1BFF;
	s22 =	sshll.u32 s5, $0x1;
	s1 =	sadd.s32 s20, s19  }
0x14: {  	s6 =	simm.s32 $0x0;
	s21 =	sshll.u32 s4, $0x1;
	s4 =	sadd.s32 s22, s1  }
0x15: {  	[timem:s6], [sflag:s23] =	dma.local [hbm:s4], s21  }
0x16: {  	_ =	swait.ge [sflag:s23], s21  }
0x17: {  	s2 =	ssub.s32 $0x0, s21;
	[sflag:s23] =	ssyncset.done $0x0  }
0x18: {  	[sflag:s23] =	ssyncadd.s32 s2;
	_ =	sdelay $0x1  }
0x19: {  	s24 =	simm.s32 $0x1B8B  }
0x1a: {  	_ =	swait.ge [sflag:s24], $0x1  }
0x1b: {  	[sflag:s24] =	ssyncset.done $0x0  }
0x1c: {  	s26 =	simm.s32 $0x1B8E;
	s25 =	sld [smem:$0x3FFE];
	[sflag:s24] =	ssyncadd.s32 $0xFFFFFFFF  }
0x1d: {  	s27 =	simm.s32 $execute0_lowered;
	[smem:$0x3FD2] =	sst s26  }
0x1e: {  	s4 =	sshll.u32 s27, $0x1;
	_ =	strace $0x80000046;
	[dreg:$0x1] =	wrdreg $0xFFFFFFFF  }
0x1f: {  	s28 =	simm.s32 $_size_execute0_lowered;
	s1 =	sadd.s32 s1, s4;
	[dreg:$0x0] =	wrdreg $0x0  }
0x20: {  	s4 =	sshll.u32 s28, $0x1;
	[dreg:$0x2] =	wrdreg s1  }
0x21: {  	[dreg:$0x3] =	wrdreg s4  }
0x22: {  	[dreg:$0x4] =	wrdreg $0xC0  }
0x23: {  	_ =	task [dreg:s6], $0x5FFFF  }
0x24: {  	[dreg:$0x1] =	wrdreg $0xFFFFFFFF  }
0x25: {  	[dreg:$0x0] =	wrdreg $0x60  }
0x26: {  	[dreg:$0x2] =	wrdreg s25  }
0x27: {  	[dreg:$0x3] =	wrdreg $0x9  }
0x28: {  	_ =	task.clear_ibuf [dreg:s6], $0x4FFFF;
	_ =	strace $0x90000046  }
0x29: {  	s29 =	simm.s32 $0x9;
	_ =	strace $0x80000048  }
0x2a: {  	_ =	swait.ge [sflag:s29], $0x1  }
0x2b: {  	[sflag:s29] =	ssyncadd.s32 $0xFFFFFFFF  }
0x2c: {  	_ =	strace $0x90000048  }
0x2d: {  	_ =	sfence  }
0x2e: {  	s30 =	sld [smem:$0x0];
	_ =	sdelay $0x2  }
0x2f: {  	s31 =	sshll.u32 s3, $0xD;
	s3 =	sshrl.u32 s3, $0x2  }
0x30: {  	s2 =	sand.u32 $0x4000, s31;
	s1 =	sadd.s32 s3, s30  }
0x31: {  	s0 =	sor.u32 s2, s0;
	s1 =	sshll.u32 s1, $0x11  }
0x32: {  	s0 =	sor.u32 s1, s0  }
0x33: {  	s0 =	sadd.s32 $0x8F2B, s0  }
0x34: {  	[sflag:s0] =	ssyncadd.remote.s32 $0x1  }
0x35: {  	_ =	sfence.sel $0xFFFF  }
0x36: {  	[dreg:$0x0] =	wrdreg $0xFFFFFFFF;
	(pc) =	sbr.abs _section_cstart, $3  }
0x37: {  	[dreg:$0x1] =	wrdreg $0xFFFFFFFF  }
0x38: {  	_ =	task.clear_ibuf [dreg:s6], $0x2FFFF;
	_ =	strace $0x9FFFFFFF  }
0x39: {  	(tm) =	ssettm $0x7FFFFFFF  }
tec
execute0_lowered:
.L_overlay_start_1:
0x0: {  	(tag) =	ssettag $0x1  }
0x1: {  	s0 =	srdreg.scid  }
0x2: {  	s5 =	rddreg [dreg:$0x0];
	s1 =	stileid.u32;
	s4 =	simm.s32 $0x1  }
0x3: {  	s6 =	simm.s32 $0x2;
	s8 =	simm.s32 $0x0;
	s2 =	sshll.u32 s0, $0x4  }
0x4: {  	s9 =	simm.s32 $0x0;
	s13 =	simm.s32 $0x0;
	s2 =	sand.u32 $0x10, s2  }
.Ltmp0:
0x5: {  	s10 =	simm.s32 $0x0;
	s3 =	sor.u32 s1, s2;
	(pc) =	sbr.rel .LBB1_1-.Ltmp0, $4  }
0x6: {  	s0 =	rddreg [dreg:$0x1];
	_ =	strace $0x80000047;
	s3 =	sshll.u32 s3, $0x7  }
0x7: {  	s12 =	simm.s32 $0x0;
	[sflag:s4] =	ssyncpa.u1 $0x0;
	s7 =	ssub.s32 $0x18680, s3  }
0x8: {  	s2 =	sadd.s32 $0xC00, s5;
	[sflag:s6] =	ssyncpa.u1 $0x0;
	s6 =	sshrl.u32 s7, $0xC  }
0x9: {  	s5 =	sadd.s32 $0x187600, s5;
	s11 =	smov.u32 s3;
	s7 =	sadd.s32 $0x2, s6  }
.LBB1_4:
0xa: {  	s19 =	simm.s32 $0x0  }
.LBB1_8:
0xb: {  	_ =	sdelay $0x3  }
0xc: {  	v6 =	vld [tilespmem:s16+$0xFFFFFFD0];
	[tilespmem:v0+s18+$0x40 ss:$0x1] =	vst.idx.msk @p0 $0xffff, v2  }
0xd: {  	v58 =	vld [tilespmem:s16+$0xFFFFFFE0];
	[tilespmem:v0+s18+$0x50 ss:$0x1] =	vst.idx.msk @p0 $0xffff, v4;
	s19 =	sadd.s32 @p0 $0x80, s19  }
0xe: {  	v59 =	vld [tilespmem:s16+$0xFFFFFFF0];
	[tilespmem:v0+s18+$0x60 ss:$0x1] =	vst.idx.msk @p0 $0xffff, v5;
	s17 =	smov.u32 @p0 s19  }
0xf: {  	v60 =	vld [tilespmem:s16+$0x0];
	[tilespmem:v0+s18+$0x0 ss:$0x1] =	vst.idx.msk @p0 $0xffff, v3;
	s17 =	sand.u32 $0x3F80, s17  }
0x10: {  	v61 =	vld [tilespmem:s16+$0x10];
	[tilespmem:v0+s17+$0x70 ss:$0x1] =	vst.idx.msk $0xffff, v1  }
0x11: {  	v62 =	vld [tilespmem:s16+$0x20];
	[tilespmem:v0+s17+$0x10 ss:$0x1] =	vst.idx.msk $0xffff, v6  }
0x12: {  	v63 =	vld [tilespmem:s16+$0xFFFFFFC0];
	[tilespmem:v0+s17+$0x20 ss:$0x1] =	vst.idx.msk $0xffff, v58  }
0x13: {  	[tilespmem:v0+s17+$0x30 ss:$0x1] =	vst.idx.msk $0xffff, v59  }
0x14: {  	[tilespmem:v0+s17+$0x40 ss:$0x1] =	vst.idx.msk $0xffff, v60  }
0x15: {  	[tilespmem:v0+s17+$0x50 ss:$0x1] =	vst.idx.msk $0xffff, v61  }
0x16: {  	[tilespmem:v0+s17+$0x60 ss:$0x1] =	vst.idx.msk $0xffff, v62  }
0x17: {  	[tilespmem:v0+s17+$0x0 ss:$0x1] =	vst.idx.msk $0xffff, v63  }
.LBB1_9:
0x18: {  	s16 =	sand.u32 $0x1FFFFFF, s10  }
0x19: {  	p0 =	sgt.s32 s10, $0x18620;
	s18 =	smov.u32 s10;
	s17 =	smulhi.u32 $0x14F8B59, s16  }
0x1a: {  	s18 =	simm.s32 @!p0 $0x18620  }
0x1b: {  	s14 =	sadd.s32 s14, s18;
	s17 =	sshrl.u32 s17, $0x9  }
0x1c: {  	s14 =	sadd.s32 $0xFFFE79E0, s14;
	s17 =	smul.u32 $0x186A0, s17  }
0x1d: {  	s30 =	sshll.u32 s14, $0x9  }
0x1e: {  	s31 =	ssub.s32 $0x10000, s30;
	s16 =	ssub.s32 s16, s17  }
0x1f: {  	p0 =	sgt.s32 s14, $0x7F;
	s14 =	sshrl.u32 s31, $0x2;
	s16 =	sshll.u32 s16, $0x4  }
0x20: {  	s14 =	simm.s32 @p0 $0x0;
	s16 =	sadd.s32 s5, s16  }
0x21: {  	[hbm4b:s16+s8] =	stream.linear.scatter [tilespmem:s15], [sflag:$0x2], s14, $0x38;
	[tilespmem:$0x10000] =	vst v63  }
.LBB1_10:
0x22: {  	p0 =	slt.u32 s12, $0x2  }
0x23: {  	p1 =	sgt.s32 @!p0 s13, $0x18620  }
0x24: {  	s14 =	smov.u32 s13;
	s15 =	sshra.s32 @!p0 s13, $0x1F;
	p1 =	por !p1, p0  }
0x25: {  	s13 =	sand.u32 @!p0 s15, s13;
	s14 =	simm.s32 @p1 $0x18620  }
0x26: {  	s13 =	ssub.s32 @!p0 s14, s13  }
0x27: {  	s13 =	sadd.s32 @!p0 $0xFFFE79E0, s13  }
0x28: {  	s14 =	sshll.u32 @!p0 s13, $0x9  }
0x29: {  	p1 =	sgt.s32 @!p0 s13, $0x7F;
	s13 =	ssub.s32 @!p0 $0x10000, s14  }
0x2a: {  	s15 =	sadd.s32 $0x1000, s11;
	p1 =	por !p1, p0;
	s13 =	sshrl.u32 @!p0 s13, $0x2  }
0x2b: {  	s13 =	simm.s32 @!p1 $0x0;
	p1 =	sgt.s32 s15, $0x1869E  }
0x2c: {  	s15 =	smov.u32 @p1 s3;
	p1 =	sne.s32 s12, s7  }
.Ltmp1:
0x2d: {  	_ = 	snop;
	(pc) =	sbr.rel @!p1 .LBB1_11-.Ltmp1, $4  }
0x2e: {  	s14 =	simm.s32 @!p0 $0x2  }
0x2f: {  	s9 =	sadd.s32 $0x4000, s9;
	_ =	swait.ge @!p0 [sflag:s14], s13;
	s16 =	ssub.s32 @!p0 $0x0, s13  }
0x30: {  	s13 =	smov.u32 s10;
	s12 =	sadd.s32 $0x1, s12;
	[sflag:s14] =	ssyncset.done @!p0 $0x0  }
0x31: {  	s10 =	smov.u32 s11;
	s11 =	smov.u32 s15;
	[sflag:s14] =	ssyncadd.s32 @!p0 s16  }
.LBB1_1:
0x32: {  	p0 =	sgt.u32 s12, s6  }
0x33: {  	p1 =	sgt.s32 @!p0 s11, $0x1861F  }
0x34: {  	s14 =	smov.u32 s11;
	s15 =	sshra.s32 @!p0 s11, $0x1F;
	p1 =	por !p1, p0  }
0x35: {  	s15 =	sand.u32 @!p0 s15, s11;
	s14 =	simm.s32 @p1 $0x1861F  }
0x36: {  	s14 =	ssub.s32 @!p0 s14, s15  }
0x37: {  	s14 =	sadd.s32 @!p0 $0xFFFE79E1, s14  }
0x38: {  	s17 =	simm.s32 @!p0 $0x0;
	s15 =	sxor.u32 @!p0 $0xFFFFFFFF, s12;
	s16 =	sshll.u32 @!p0 s14, $0x9  }
0x39: {  	s15 =	sshll.u32 @!p0 s15, $0xE;
	p1 =	sgt.s32 @!p0 s14, $0x7F;
	s14 =	ssub.s32 @!p0 $0x10000, s16  }
0x3a: {  	p1 =	por !p1, p0;
	s16 =	sshll.u32 @!p0 s11, $0x4;
	s14 =	sshrl.u32 @!p0 s14, $0x2  }
0x3b: {  	s15 =	sand.u32 @!p0 $0x4000, s15;
	s16 =	sadd.s32 @!p0 s2, s16;
	s14 =	simm.s32 @!p1 $0x0  }
0x3c: {  	[tilespmem:s15], [sflag:$0x1] =	stream.linear.gather @!p0 [hbm4b:s16+s17], s14, $0x38;
	[tilespmem:$0x10000] =	vst v63  }
0x3d: {  	p0 =	seq.s32 s12, $0x0  }
0x3e: {  	p1 =	sge.u32 @!p0 s12, s7  }
0x3f: {  	p0 =	por p0, p1  }
.Ltmp2:
0x40: {  	_ = 	snop;
	(pc) =	sbr.rel @p0 .LBB1_10-.Ltmp2, $1  }
0x41: {  	_ =	sdelay $0x3  }
0x42: {  	s14 =	ssub.s32 $0x0, s10  }
0x43: {  	s15 =	sshra.s32 s10, $0x1F;
	p0 =	sgt.s32 s10, $0x1861F;
	s16 =	smov.u32 s10  }
0x44: {  	s14 =	sand.u32 s14, s15;
	s16 =	simm.s32 @!p0 $0x1861F  }
0x45: {  	s15 =	sadd.s32 s14, s16  }
0x46: {  	s15 =	sadd.s32 $0xFFFE79E1, s15  }
0x47: {  	s30 =	sshll.u32 s15, $0x9  }
0x48: {  	s16 =	ssub.s32 $0x10000, s30  }
0x49: {  	p0 =	sgt.s32 s15, $0x7F;
	s15 =	sshrl.u32 s16, $0x2;
	s16 =	sadd.s32 $0x80, s10  }
0x4a: {  	s15 =	simm.s32 @p0 $0x0;
	p0 =	slt.s32 s16, $0x1869F  }
0x4b: {  	s16 =	simm.s32 @!p0 $0x1869F  }
0x4c: {  	s18 =	ssub.s32 s16, s10  }
0x4d: {  	p0 =	slt.s32 s18, $0x1  }
.Ltmp3:
0x4e: {  	_ = 	snop;
	(pc) =	sbr.rel @p0 .LBB1_9-.Ltmp3, $4  }
0x4f: {  	_ = 	snop  }
0x50: {  	s31 =	sshll.u32 s12, $0xE;
	_ =	swait.ge [sflag:s4], s15  }
0x51: {  	s17 =	ssub.s32 $0x0, s15;
	s15 =	sand.u32 $0x4000, s31;
	[sflag:s4] =	ssyncset.done $0x0  }
0x52: {  	s15 =	sor.u32 $0x8000, s15;
	[sflag:s4] =	ssyncadd.s32 s17  }
0x53: {  	p1 =	sne.s32 s18, $0x1  }
.Ltmp4:
0x54: {  	v0 =	vmov s15;
	(pc) =	sbr.rel @!p1 .LBB1_4-.Ltmp4, $4  }
0x55: {  	_ = 	snop  }
0x56: {  	s16 =	sand.u32 $0x4000, s9  }
0x57: {  	s16 =	sor.u32 $0x40, s16  }
0x58: {  	s17 =	simm.s32 $0x0;
	s19 =	sadd.s32 $0xFFFFFFFF, s18;
	p0 =	por $0x0, $0x0;
	v1 =	vld [tilespmem:s16+$0x30]  }
0x59: {  	v3 =	vld [tilespmem:s16+$0xFFFFFFD0]  }
0x5a: {  	v6 =	vld [tilespmem:s16+$0xFFFFFFE0]  }
0x5b: {  	v7 =	vld [tilespmem:s16+$0xFFFFFFF0];
	p1 =	sne.s32 s19, $0x1  }
.Ltmp5:
0x5c: {  	v2 =	vld [tilespmem:s16+$0x0];
	s18 =	sand.u32 $0x3F80, s17;
	(pc) =	sbr.rel @!p1 .LBB1_6-.Ltmp5, $4  }
0x5d: {  	v4 =	vld [tilespmem:s16+$0x10];
	[tilespmem:v0+s18+$0x70 ss:$0x1] =	vst.idx.msk $0xffff, v1  }
0x5e: {  	v5 =	vld [tilespmem:s16+$0x20];
	[tilespmem:v0+s18+$0x10 ss:$0x1] =	vst.idx.msk $0xffff, v3  }
0x5f: {  	v3 =	vld [tilespmem:s16+$0xFFFFFFC0];
	[tilespmem:v0+s18+$0x20 ss:$0x1] =	vst.idx.msk $0xffff, v6;
	s16 =	sadd.s32 $0x80, s16  }
0x60: {  	s20 =	sadd.s32 $0xFFFFFFFF, s19;
	p0 =	por $0x1, $0x1;
	s19 =	simm.s32 $0x0;
	[tilespmem:v0+s18+$0x30 ss:$0x1] =	vst.idx.msk $0xffff, v7;
	v1 =	vld [tilespmem:s16+$0x30]  }
.LBB1_7:
0x61: {  	p1 =	sne.s32 s20, $0x1;
	v6 =	vld [tilespmem:s16+$0xFFFFFFD0];
	[tilespmem:v0+s18+$0x40 ss:$0x1] =	vst.idx.msk $0xffff, v2  }
0x62: {  	v7 =	vld [tilespmem:s16+$0xFFFFFFE0];
	[tilespmem:v0+s18+$0x50 ss:$0x1] =	vst.idx.msk $0xffff, v4  }
0x63: {  	s19 =	sadd.s32 $0x80, s19;
	v8 =	vld [tilespmem:s16+$0xFFFFFFF0];
	[tilespmem:v0+s18+$0x60 ss:$0x1] =	vst.idx.msk $0xffff, v5  }
.Ltmp6:
0x64: {  	v2 =	vld [tilespmem:s16+$0x0];
	[tilespmem:v0+s18+$0x0 ss:$0x1] =	vst.idx.msk $0xffff, v3;
	s18 =	sand.u32 $0x3F80, s19;
	(pc) =	sbr.rel @p1 .LBB1_7-.Ltmp6, $4  }
0x65: {  	v4 =	vld [tilespmem:s16+$0x10];
	[tilespmem:v0+s18+$0x70 ss:$0x1] =	vst.idx.msk $0xffff, v1  }
0x66: {  	[tilespmem:v0+s18+$0x10 ss:$0x1] =	vst.idx.msk $0xffff, v6;
	v5 =	vld [tilespmem:s16+$0x20]  }
0x67: {  	v3 =	vld [tilespmem:s16+$0xFFFFFFC0];
	[tilespmem:v0+s18+$0x20 ss:$0x1] =	vst.idx.msk $0xffff, v7;
	s16 =	sadd.s32 $0x80, s16  }
0x68: {  	s20 =	sadd.s32 $0xFFFFFFFF, s20;
	v1 =	vld [tilespmem:s16+$0x30];
	[tilespmem:v0+s18+$0x30 ss:$0x1] =	vst.idx.msk $0xffff, v8  }
.Ltmp7:
0x69: {  	_ = 	snop;
	(pc) =	sbr.rel .LBB1_8-.Ltmp7, $1  }
0x6a: {  	_ =	sdelay $0x3  }
.LBB1_6:
.Ltmp8:
0x6b: {  	(pc) =	sbr.rel .LBB1_8-.Ltmp8, $2  }
0x6c: {  	_ =	sdelay $0x2  }
0x6d: {  	s19 =	simm.s32 $0x0  }
.LBB1_11:
0x6e: {  	_ =	sfence.sel $0x180000  }
0x6f: {  	s2 =	simm.s32 $0x1;
	[bflag:$0x0] =	sbarrier.arrive $0xFFFF  }
0x70: {  	s31 =	simm.s32 $0x2;
	[sflag:s2] =	ssyncpa.u1 $0x1  }
0x71: {  	[sflag:s31] =	ssyncpa.u1 $0x1  }
0x72: {  	p0 =	sne.s32 s1, $0x0;
	_ =	strace $0x90000047  }
0x73: {  	s0 =	sadd.s32 @!p0 $0x100000, s0;
	[bflag:$0x2] =	sbarrier.arrive $0xFFFF  }
0x74: {  	[sflag:s0] =	ssyncadd.tile.s32 @!p0 $0x1;
	_ =	shalt  }
.Lfunc_end1:
_tile_overlayer_lowered:
.L_overlay_start_2:
0x75: {  	(tag) =	ssettag $0x2  }
0x76: {  	s0 =	rddreg [dreg:$0x0];
	s2 =	stileid.u32  }
0x77: {  	s1 =	rddreg [dreg:$0x1];
	p0 =	sne.s32 s2, $0x0  }
0x78: {  	s3 =	rddreg [dreg:$0x2];
	[bflag:$0x3] =	sbarrier.arrive $0xFFFF;
	s2 =	simm.s32 @!p0 $0x1C01  }
0x79: {  	[timem:s3], [sflag:s2] =	dma.local @!p0 [hbm:s0], s1  }
0x7a: {  	s0 =	simm.s32 @!p0 $0x1  }
0x7b: {  	_ =	swait.ge @!p0 [sflag:s0], s1  }
0x7c: {  	s1 =	ssub.s32 @!p0 $0x0, s1;
	[sflag:s0] =	ssyncset.done @!p0 $0x0  }
0x7d: {  	[sflag:s0] =	ssyncadd.s32 @!p0 s1  }
0x7e: {  	[bflag:$0x3] =	sbarrier.arrive $0xFFFF  }
0x7f: {  	_ =	shalt  }

</sc_bundles>
